<compile_context>
chip_gen: v7x
topology: tpu7x:2x2x1
jax: 0.10.2.dev20260603
libtpu: 0.0.44.dev20260713+nightly
codegen_flags: <defaults>
</compile_context>

<pallas_src>
import functools

import numpy as np
import jax
import jax.numpy as jnp
from jax.experimental import pallas as pl
from jax.experimental.pallas import tpu as pltpu
from jax.experimental.pallas import tpu_sc as plsc

B, N = 8, 1024
M1, M2 = 512, 128
R1, R2 = 0.2, 0.4
KNBR = 64
EPS = 1e-5
NEG = np.float32(-np.inf)


def _fps_kernel(p_ref, s_ref, *, m, n, nb):
    p = p_ref[...]
    px, py, pz = p[0], p[1], p[2]
    iota = jax.lax.broadcasted_iota(jnp.int32, (nb, n), 1)

    def body(i, carry):
        dist, fx, fy, fz = carry
        s_ref[pl.ds(i, 1)] = jnp.concatenate([fx, fy, fz], axis=1)[None]
        d = (px - fx) ** 2 + (py - fy) ** 2 + (pz - fz) ** 2
        dist = jnp.minimum(dist, d)
        mx = jnp.max(dist, axis=1, keepdims=True)
        far = jnp.min(jnp.where(dist == mx, iota, n), axis=1, keepdims=True)
        sel = iota == far
        fx = jnp.sum(jnp.where(sel, px, 0.0), axis=1, keepdims=True)
        fy = jnp.sum(jnp.where(sel, py, 0.0), axis=1, keepdims=True)
        fz = jnp.sum(jnp.where(sel, pz, 0.0), axis=1, keepdims=True)
        return dist, fx, fy, fz

    dist0 = jnp.full((nb, n), jnp.inf, jnp.float32)
    f0 = (px[:, 0:1], py[:, 0:1], pz[:, 0:1])
    jax.lax.fori_loop(0, m, body, (dist0,) + f0)


def _fps_call(pt, m, interpret=False):
    _, nb, n = pt.shape
    return pl.pallas_call(
        functools.partial(_fps_kernel, m=m, n=n, nb=nb),
        out_shape=jax.ShapeDtypeStruct((m, nb, 3), jnp.float32),
        interpret=interpret,
    )(pt)


def _sel_kernel(p_ref, s_ref, t_ref, sel_ref, cnt_ref, *, n, ti, rr, rr_bits,
                kk):
    p = p_ref[0]
    s = s_ref[0]
    d2 = ((s[:, 0:1] - p[0][None, :]) ** 2
          + (s[:, 1:2] - p[1][None, :]) ** 2
          + (s[:, 2:3] - p[2][None, :]) ** 2)
    bits = jax.lax.bitcast_convert_type(d2, jnp.int32)
    inr = d2 <= rr
    iota = jax.lax.broadcasted_iota(jnp.int32, (ti, n), 1)
    counts = jnp.sum(inr.astype(jnp.int32), axis=1, keepdims=True)

    def fast():
        return (jnp.full((ti, 1), rr_bits, jnp.int32),
                jnp.full((ti, 1), n, jnp.int32))

    def slow():
        lo = jnp.zeros((ti, 1), jnp.int32)
        hi = jnp.full((ti, 1), rr_bits, jnp.int32)

        def bs(_, lh):
            lo, hi = lh
            mid = lo + (hi - lo) // 2
            c = jnp.sum((inr & (bits <= mid)).astype(jnp.int32),
                        axis=1, keepdims=True)
            ge = c >= kk
            return jnp.where(ge, lo, mid + 1), jnp.where(ge, mid, hi)

        lo, hi = jax.lax.fori_loop(0, 31, bs, (lo, hi))
        t = hi
        cnt_lt = jnp.sum((inr & (bits < t)).astype(jnp.int32),
                         axis=1, keepdims=True)
        need = kk - cnt_lt
        lo2 = jnp.zeros((ti, 1), jnp.int32)
        hi2 = jnp.full((ti, 1), n - 1, jnp.int32)

        def bs2(_, lh):
            lo2, hi2 = lh
            mid = lo2 + (hi2 - lo2) // 2
            c = jnp.sum((inr & (bits == t) & (iota <= mid)).astype(jnp.int32),
                        axis=1, keepdims=True)
            ge = c >= need
            return jnp.where(ge, lo2, mid + 1), jnp.where(ge, mid, hi2)

        lo2, hi2 = jax.lax.fori_loop(0, 11, bs2, (lo2, hi2))
        over = counts > kk
        return (jnp.where(over, t, rr_bits),
                jnp.where(over, hi2, n))

    t, jc = jax.lax.cond(jnp.max(counts) > kk, slow, fast)
    sel = inr & ((bits < t) | ((bits == t) & (iota <= jc)))
    csf = jnp.dot(sel.astype(jnp.float32), t_ref[...],
                  preferred_element_type=jnp.float32)
    cs = csf.astype(jnp.int32)
    sel_ref[0] = jnp.where(sel, cs, 0)
    cnt_ref[0] = jax.lax.slice(cs, (0, n - 1), (ti, n))


def _sel_call(pt, s, rr, ti, kk, interpret=False):
    nb, _, n = pt.shape
    m = s.shape[1]
    it = m // ti
    rr_bits = int(np.float32(rr).view(np.int32))
    grid = (nb, it)
    return pl.pallas_call(
        functools.partial(_sel_kernel, n=n, ti=ti, rr=np.float32(rr),
                          rr_bits=rr_bits, kk=kk),
        grid=grid,
        in_specs=[
            pl.BlockSpec((1, 3, n), lambda b, i: (b, 0, 0)),
            pl.BlockSpec((1, ti, 3), lambda b, i: (b, i, 0)),
            pl.BlockSpec((n, n), lambda b, i: (0, 0)),
        ],
        out_specs=[
            pl.BlockSpec((1, ti, n),
                         lambda b, i, it=it: (b * it + i, 0, 0)),
            pl.BlockSpec((1, ti, 1),
                         lambda b, i, it=it: (b * it + i, 0, 0)),
        ],
        out_shape=[jax.ShapeDtypeStruct((nb * it, ti, n), jnp.int32),
                   jax.ShapeDtypeStruct((nb * it, ti, 1), jnp.int32)],
        interpret=interpret,
    )(pt, s, (jnp.arange(n)[:, None] <= jnp.arange(n)[None, :])
      .astype(jnp.float32))


def _compact_kernel(*refs, rpw, m, n, cx, cp, kk):
    if cx:
        (sel_ref, fx_ref, fp_ref, gx_ref, gp_ref,
         selrow0, selrow1, ftab, nbr0, nbr1, gx0, gx1, gp0, gp1,
         sin0, sin1, sgx0, sgx1, sox0, sox1, sop0, sop1) = refs
    else:
        (sel_ref, fp_ref, gp_ref,
         selrow0, selrow1, ftab, nbr0, nbr1, gp0, gp1,
         sin0, sin1, sop0, sop1) = refs
        fx_ref = gx_ref = gx0 = gx1 = None
        sgx0 = sgx1 = sox0 = sox1 = None
    nc = 2
    wid = jax.lax.axis_index("s") * nc + jax.lax.axis_index("c")
    base = wid * rpw
    b = base // m
    jbase = b * n if cx else 0
    pltpu.sync_copy(fp_ref.at[b], ftab)
    iota = jax.lax.iota(jnp.int32, 16)
    iotac = iota * cp
    pad16 = jnp.full((16,), jbase, jnp.int32)
    nchunk4 = n // 64

    def scan(selrow, nbr):
        for q in range(kk // 16 + 1):
            nbr[pl.ds(q * 16, 16)] = pad16

        def chunk4(c4, _):
            for qq in range(4):
                ci = c4 * 4 + qq
                pv = selrow[pl.ds(ci * 16, 16)]
                pos = jnp.where(pv > 0, pv - 1, kk + iota)
                plsc.store_scatter(nbr, [pos], iota + (ci * 16 + jbase))
            return 0

        jax.lax.fori_loop(0, nchunk4, chunk4, 0)

    def gather_pos(nbr, gp):
        for q in range(kk // 16):
            k16 = iota + q * 16
            nb16c = (nbr[pl.ds(q * 16, 16)] - jbase) * cp
            for ch in range(cp):
                vals = plsc.load_gather(ftab, [nb16c + ch])
                plsc.store_scatter(
                    gp, [k16, jnp.full((16,), ch, jnp.int32)], vals)

    def in_cp(r, selrow, sem):
        return pltpu.make_async_copy(sel_ref.at[base + r], selrow, sem)

    def gx_cp(nbr, gx, sem):
        return pltpu.make_async_copy(fx_ref.at[nbr.at[pl.ds(0, kk)]], gx, sem)

    def outx_cp(r, gx, sem):
        return pltpu.make_async_copy(gx, gx_ref.at[base + r], sem)

    def outp_cp(r, gp, sem):
        return pltpu.make_async_copy(gp, gp_ref.at[base + r], sem)

    in_cp(0, selrow0, sin0).start()
    nit = rpw // 2
    bufs = ((selrow0, nbr0, gx0, gp0, sin0, sgx0, sox0, sop0),
            (selrow1, nbr1, gx1, gp1, sin1, sgx1, sox1, sop1))

    def row_pair(i, _):
        r0 = i * 2
        for q, (selrow, nbr, gx, gp, sin, sgx, sox, sop) in \
                enumerate(bufs):
            r = r0 + q
            in_cp(r, selrow, sin).wait()
            if q == 0:
                in_cp(r + 1, selrow1, sin1).start()
            else:
                @pl.when(i + 1 < nit)
                def _():
                    in_cp(r + 1, selrow0, sin0).start()

            scan(selrow, nbr)
            if cx:
                @pl.when(i > 0)
                def _():
                    outx_cp(r - 2, gx, sox).wait()
                gx_cp(nbr, gx, sgx).start()

            @pl.when(i > 0)
            def _():
                outp_cp(r - 2, gp, sop).wait()

            gather_pos(nbr, gp)
            outp_cp(r, gp, sop).start()
        if cx:
            for q, (selrow, nbr, gx, gp, sin, sgx, sox, sop) in \
                    enumerate(bufs):
                gx_cp(nbr, gx, sgx).wait()
                outx_cp(r0 + q, gx, sox).start()
        return 0

    jax.lax.fori_loop(0, nit, row_pair, 0)
    outp_cp(rpw - 2, gp0, sop0).wait()
    outp_cp(rpw - 1, gp1, sop1).wait()
    if cx:
        outx_cp(rpw - 2, gx0, sox0).wait()
        outx_cp(rpw - 1, gx1, sox1).wait()


def _compact_call(sel, fx, fp, m, kk):
    R, n = sel.shape
    nb, _, cp = fp.shape
    cx = 0 if fx is None else fx.shape[-1]
    rpw = R // 32
    mesh = plsc.VectorSubcoreMesh(core_axis_name="c", subcore_axis_name="s")
    outs = []
    if cx:
        outs.append(jax.ShapeDtypeStruct((R, kk, cx), jnp.float32))
    outs += [jax.ShapeDtypeStruct((R, kk, cp), jnp.float32)]
    scr = ([pltpu.VMEM((n,), jnp.int32)] * 2
           + [pltpu.VMEM((n * cp,), jnp.float32)]
           + [pltpu.VMEM((kk + 16,), jnp.int32)] * 2)
    if cx:
        scr += [pltpu.VMEM((kk, cx), jnp.float32)] * 2
    scr += ([pltpu.VMEM((kk, cp), jnp.float32)] * 2
            + [pltpu.SemaphoreType.DMA] * (8 if cx else 4))
    kfn = pl.kernel(
        functools.partial(_compact_kernel, rpw=rpw, m=m, n=n, cx=cx, cp=cp,
                          kk=kk),
        out_type=tuple(outs),
        mesh=mesh,
        compiler_params=pltpu.CompilerParams(needs_layout_passes=False),
        scratch_types=scr,
    )
    args = (sel,)
    if cx:
        args += (fx.reshape(nb * n, cx),)
    args += (fp.reshape(nb, n * cp),)
    res = kfn(*args)
    return res if cx else res[0]


def _cagg_kernel(*refs, ti, kk, cx, cp):
    if cx:
        (gx_ref, gp_ref, cnt_ref, s_ref, w1x_ref, w1p_ref, b1_ref, a1_ref,
         e1_ref, w2_ref, b2_ref, a2_ref, e2_ref, w3_ref, b3_ref, a3_ref,
         e3_ref, out_ref) = refs
    else:
        (gp_ref, cnt_ref, s_ref, w1p_ref, b1_ref, a1_ref,
         e1_ref, w2_ref, b2_ref, a2_ref, e2_ref, w3_ref, b3_ref, a3_ref,
         e3_ref, out_ref) = refs
        gx_ref = w1x_ref = None
    w1p = w1p_ref[...]
    ci = jnp.dot(s_ref[0], w1p, preferred_element_type=jnp.float32)
    h = jnp.dot(gp_ref[...].reshape(ti * kk, cp), w1p,
                preferred_element_type=jnp.float32)
    if cx:
        h = h + jnp.dot(gx_ref[...].reshape(ti * kk, cx), w1x_ref[...],
                        preferred_element_type=jnp.float32)
    c1 = w1p.shape[-1]
    bc3 = lambda v, dims, sh: jax.lax.broadcast_in_dim(v, sh, dims)
    sh1 = (ti, kk, c1)
    h = (h.reshape(ti, kk, c1) - bc3(ci, (0, 2), sh1)
         + bc3(b1_ref[...], (1, 2), sh1))
    h = jnp.maximum(h, 0.0) * bc3(a1_ref[...], (1, 2), sh1) \
        + bc3(e1_ref[...], (1, 2), sh1)
    h = h.reshape(ti * kk, c1)
    h = jnp.dot(h, w2_ref[...], preferred_element_type=jnp.float32) + b2_ref[...]
    h = jnp.maximum(h, 0.0) * a2_ref[...] + e2_ref[...]
    h = jnp.dot(h, w3_ref[...], preferred_element_type=jnp.float32) + b3_ref[...]
    h = jnp.maximum(h, 0.0) * a3_ref[...] + e3_ref[...]
    c3 = w3_ref.shape[-1]
    h = h.reshape(ti, kk, c3)
    cnt1 = cnt_ref[0]
    kio = jax.lax.broadcasted_iota(jnp.int32, (ti, kk), 1)
    pen = jnp.where(kio < cnt1, 0.0, NEG)
    mx = jnp.max(h + jax.lax.broadcast_in_dim(pen, (ti, kk, c3), (0, 1)),
                 axis=1)
    out_ref[0] = jnp.where(cnt1 > 0, mx, 0.0)


def _cagg_call(gx, gp3, cnt, s, lw, ti, kk, interpret=False):
    R = gp3.shape[0]
    cp = gp3.shape[-1]
    cx = 0 if gx is None else gx.shape[-1]
    nb, m, _ = s.shape
    it = m // ti
    cnt = cnt.reshape(R // ti, ti, 1)
    (w1, b1, a1, e1), (w2, b2, a2, e2), (w3, b3, a3, e3) = lw
    w1x, w1p = (w1[:cx], w1[cx:]) if cx else (None, w1)
    c3 = w3.shape[-1]
    full = lambda arr: pl.BlockSpec(arr.shape, lambda b, i: (0,) * arr.ndim)
    in_specs = []
    args = []
    if cx:
        in_specs.append(
            pl.BlockSpec((ti, kk, cx), lambda b, i, it=it: (b * it + i, 0, 0)))
        args.append(gx)
    in_specs += [
        pl.BlockSpec((ti, kk, cp), lambda b, i, it=it: (b * it + i, 0, 0)),
        pl.BlockSpec((1, ti, 1), lambda b, i, it=it: (b * it + i, 0, 0)),
        pl.BlockSpec((1, ti, 3), lambda b, i: (b, i, 0)),
    ]
    args += [gp3, cnt, s]
    wargs = ([w1x] if cx else []) + [w1p, b1, a1, e1, w2, b2, a2, e2,
                                     w3, b3, a3, e3]
    in_specs += [full(w) for w in wargs]
    args += wargs
    return pl.pallas_call(
        functools.partial(_cagg_kernel, ti=ti, kk=kk, cx=cx, cp=cp),
        grid=(nb, it),
        in_specs=in_specs,
        out_specs=pl.BlockSpec((1, ti, c3), lambda b, i: (b, i, 0)),
        out_shape=jax.ShapeDtypeStruct((nb, m, c3), jnp.float32),
        interpret=interpret,
    )(*args)


def _head_kernel(x_ref, s_ref, *refs, nb, m):
    (w1x_ref, w1p_ref, b1_ref, a1_ref, e1_ref,
     w2_ref, b2_ref, a2_ref, e2_ref,
     w3_ref, b3_ref, a3_ref, e3_ref,
     l1w_ref, l1b_ref, l2w_ref, l2b_ref,
     l3w_ref, l3b_ref, l4w_ref, l4b_ref, out_ref) = refs

    x = x_ref[...]
    s = s_ref[...]
    dx = x.shape[-1]
    h = (jnp.dot(x.reshape(nb * m, dx), w1x_ref[...],
                 preferred_element_type=jnp.float32)
         + jnp.dot(s.reshape(nb * m, 3), w1p_ref[...],
                   preferred_element_type=jnp.float32) + b1_ref[...])
    h = jnp.maximum(h, 0.0) * a1_ref[...] + e1_ref[...]
    h = jnp.dot(h, w2_ref[...], preferred_element_type=jnp.float32) + b2_ref[...]
    h = jnp.maximum(h, 0.0) * a2_ref[...] + e2_ref[...]
    h = jnp.dot(h, w3_ref[...], preferred_element_type=jnp.float32) + b3_ref[...]
    h = jnp.maximum(h, 0.0) * a3_ref[...] + e3_ref[...]
    cg = h.shape[-1]
    g = jnp.max(h.reshape(nb, m, cg), axis=1)
    gc = jnp.concatenate([g[: nb // 2], g[nb // 2:]], axis=1)
    h = jnp.dot(gc, l1w_ref[...], preferred_element_type=jnp.float32) + l1b_ref[...]
    h = jnp.maximum(h, 0.0)
    h = jnp.dot(h, l2w_ref[...], preferred_element_type=jnp.float32) + l2b_ref[...]
    h = jnp.maximum(h, 0.0)
    h = jnp.dot(h, l3w_ref[...], preferred_element_type=jnp.float32) + l3b_ref[...]
    h = jnp.dot(h, l4w_ref[...], preferred_element_type=jnp.float32) + l4b_ref[...]
    mx = jnp.max(h, axis=1, keepdims=True)
    lse = jnp.log(jnp.sum(jnp.exp(h - mx), axis=1, keepdims=True)) + mx
    out_ref[...] = h - lse


def _head_call(x, s, lw, lin, interpret=False):
    nb, m, dx = x.shape
    (w1, b1, a1, e1), (w2, b2, a2, e2), (w3, b3, a3, e3) = lw
    w1x, w1p = w1[:dx], w1[dx:]
    (l1w, l1b), (l2w, l2b), (l3w, l3b), (l4w, l4b) = lin
    args = [x, s, w1x, w1p, b1, a1, e1, w2, b2, a2, e2, w3, b3, a3, e3,
            l1w, l1b, l2w, l2b, l3w, l3b, l4w, l4b]
    return pl.pallas_call(
        functools.partial(_head_kernel, nb=nb, m=m),
        out_shape=jax.ShapeDtypeStruct((nb // 2, l4w.shape[-1]), jnp.float32),
        interpret=interpret,
    )(*args)


def _prep_mlp(params):
    out = []
    c = 1.0 / np.sqrt(1.0 + EPS)
    for (w, b, g, be) in params:
        cdim = w.shape[-1]
        out.append((w, b.reshape(1, cdim), (g * c).reshape(1, cdim),
                    be.reshape(1, cdim)))
    return out


def _pointnet(pos1, pos2, params_sa1, params_sa2, params_sa3, lin_params,
              n=N, m1=M1, m2=M2, r1=R1, r2=R2, kk=KNBR, nb=2 * B,
              ti1=128, ti2=128, jsz1=128, jsz2=128, interpret=False):
    p = jnp.concatenate([pos1.reshape(nb // 2, n, 3),
                         pos2.reshape(nb // 2, n, 3)], axis=0)
    pt = jnp.transpose(p, (2, 0, 1))
    sa1 = _prep_mlp(params_sa1)
    sa2 = _prep_mlp(params_sa2)
    sa3 = _prep_mlp(params_sa3)
    lin = [(w, b.reshape(1, -1)) for (w, b) in lin_params]

    s1r = _fps_call(pt, m1, interpret)
    s1 = jnp.transpose(s1r, (1, 0, 2))
    ptb = jnp.transpose(p, (0, 2, 1))
    sel1, cnt1 = _sel_call(ptb, s1, r1 * r1, min(2 * ti1, m1), kk, interpret)
    sel1 = sel1.reshape(nb * m1, n)
    gp1 = _compact_call(sel1, None, p, m1, kk)
    x1 = _cagg_call(None, gp1, cnt1, s1, sa1, min(2 * ti1, m1), kk,
                    interpret)

    s1t = jnp.transpose(s1, (2, 0, 1))
    s2r = _fps_call(s1t, m2, interpret)
    s2 = jnp.transpose(s2r, (1, 0, 2))
    s1b = jnp.transpose(s1, (0, 2, 1))
    sel2, cnt2 = _sel_call(s1b, s2, r2 * r2, ti2, kk, interpret)
    sel2 = sel2.reshape(nb * m2, m1)
    gx2, gp2 = _compact_call(sel2, x1, s1, m2, kk)
    x2 = _cagg_call(gx2, gp2, cnt2, s2, sa2, ti2, kk, interpret)

    return _head_call(x2, s2, sa3, lin, interpret)


def kernel(pos1, batch1, pos2, batch2, params_sa1, params_sa2, params_sa3,
           lin_params):
    return _pointnet(pos1, pos2, params_sa1, params_sa2, params_sa3,
                     lin_params)

# --- scband reference (transcript-rebuilt; emitter-appended) ---
"""Pipeline reference for scband-block-point-net-29532195127624 (READ-ONLY COPY).

The authoritative reference and input builder live on the scoring server;
editing this copy changes nothing except your own understanding.
"""

import jax, jax.numpy as jnp
import numpy as np

B, N = 8, 1024
M1, M2 = 512, 128
R1, R2 = 0.2, 0.4
KNBR = 64
EPS = 1e-5


def _make_mlp_params(key, channels, scale=0.1):
    params = []
    for i in range(1, len(channels)):
        key, kw = jax.random.split(key)
        W = jax.random.normal(kw, (channels[i - 1], channels[i]), dtype=jnp.float32) * scale
        b = jnp.zeros((channels[i],), jnp.float32)
        g = jnp.ones((channels[i],), jnp.float32)
        be = jnp.zeros((channels[i],), jnp.float32)
        params.append((W, b, g, be))
    return params, key


def _make_lin(key, din, dout, scale=0.05):
    key, kw, kb = jax.random.split(key, 3)
    W = jax.random.normal(kw, (din, dout), dtype=jnp.float32) * scale
    b = jax.random.normal(kb, (dout,), dtype=jnp.float32) * scale
    return (W, b), key


def setup_inputs(seed: int = 0):
    key = jax.random.key(seed)
    key, k1, k2 = jax.random.split(key, 3)
    pos1 = jax.random.uniform(k1, (B * N, 3), dtype=jnp.float32)
    pos2 = jax.random.uniform(k2, (B * N, 3), dtype=jnp.float32)
    batch = jnp.repeat(jnp.arange(B, dtype=jnp.int32), N)
    params_sa1, key = _make_mlp_params(key, [3, 64, 64, 128])
    params_sa2, key = _make_mlp_params(key, [128 + 3, 128, 128, 256])
    params_sa3, key = _make_mlp_params(key, [256 + 3, 256, 512, 1024])
    lin_params = []
    for din, dout in [(2048, 1024), (1024, 512), (512, 256), (256, 8)]:
        p, key = _make_lin(key, din, dout)
        lin_params.append(p)
    return {"pos1": pos1, "batch1": batch, "pos2": pos2, "batch2": batch,
            "params_sa1": params_sa1, "params_sa2": params_sa2,
            "params_sa3": params_sa3, "lin_params": lin_params}


def _mlp_eval(params, h):
    # Seq(Linear, ReLU, BatchNorm1d) blocks; BN in eval mode (running_mean=0, running_var=1)
    for (W, b, g, be) in params:
        h = h @ W + b
        h = jax.nn.relu(h)
        h = (h / jnp.sqrt(1.0 + EPS)) * g + be
    return h


def _fps_single(pos_b, m):
    # farthest point sampling, deterministic start at index 0
    n = pos_b.shape[0]

    def body(i, state):
        dist, idxs, far = state
        idxs = idxs.at[i].set(far)
        d = jnp.sum((pos_b - pos_b[far]) ** 2, axis=-1)
        dist = jnp.minimum(dist, d)
        far = jnp.argmax(dist).astype(jnp.int32)
        return (dist, idxs, far)

    dist0 = jnp.full((n,), jnp.inf, dtype=jnp.float32)
    idxs0 = jnp.zeros((m,), dtype=jnp.int32)
    _, idxs, _ = jax.lax.fori_loop(0, m, body, (dist0, idxs0, jnp.int32(0)))
    return idxs


def _sa_module(x, pos, m, r, params):
    # x: [B, n, dx] or None; pos: [B, n, 3]. PointConv with max aggregation.
    pos_sg = jax.lax.stop_gradient(pos)
    idx = jax.vmap(lambda p: _fps_single(p, m))(pos_sg)          # [B, m]
    pos_s = jnp.take_along_axis(pos, idx[..., None], axis=1)     # [B, m, 3]
    d2 = jnp.sum((jax.lax.stop_gradient(pos_s)[:, :, None, :] - pos_sg[:, None, :, :]) ** 2, axis=-1)
    score = jnp.where(d2 <= r * r, d2, jnp.inf)                  # [B, m, n]
    neg_vals, nbr = jax.lax.top_k(-score, KNBR)                  # nearest <=64 within radius r
    valid = jnp.isfinite(neg_vals)                               # [B, m, KNBR]
    pos_j = jax.vmap(lambda p, i: p[i])(pos, nbr)                # [B, m, KNBR, 3]
    rel = pos_j - pos_s[:, :, None, :]
    if x is None:
        h = rel
    else:
        x_j = jax.vmap(lambda xx, i: xx[i])(x, nbr)              # [B, m, KNBR, dx]
        h = jnp.concatenate([x_j, rel], axis=-1)
    h = _mlp_eval(params, h)                                     # [B, m, KNBR, C]
    h = jnp.where(valid[..., None], h, -jnp.inf)
    out = jnp.max(h, axis=2)
    out = jnp.where(jnp.any(valid, axis=2)[..., None], out, 0.0)
    return out, pos_s


def _global_module(x, pos, params):
    h = jnp.concatenate([x, pos], axis=-1)
    h = _mlp_eval(params, h)
    return jnp.max(h, axis=1)                                    # [B, 1024] global_max_pool


def _branch(pos_flat, p1, p2, p3):
    pos = pos_flat.reshape(B, N, 3)
    x1, pos_s1 = _sa_module(None, pos, M1, R1, p1)
    x2, pos_s2 = _sa_module(x1, pos_s1, M2, R2, p2)
    return _global_module(x2, pos_s2, p3)


def reference(pos1, batch1, pos2, batch2, params_sa1, params_sa2, params_sa3, lin_params):
    g1 = _branch(pos1, params_sa1, params_sa2, params_sa3)
    g2 = _branch(pos2, params_sa1, params_sa2, params_sa3)
    x = jnp.concatenate([g1, g2], axis=1)                        # [B, 2048]
    (W1, b1), (W2, b2), (W3, b3), (W4, b4) = lin_params
    x = jax.nn.relu(x @ W1 + b1)
    x = jax.nn.relu(x @ W2 + b2)   # dropout p=0.5 is identity in eval mode
    x = x @ W3 + b3
    x = x @ W4 + b4
    return jax.nn.log_softmax(x, axis=-1)

if __name__ == "__main__":
    import jax
    _d = setup_inputs()
    print(jax.jit(kernel)(*tuple(_d.values())))

</pallas_src>

<mosaic_0001>
#map = affine_map<(d0, d1) -> (0, 0)>
#map1 = affine_map<(d0, d1) -> (0, 0, 0)>
module attributes {stable_mosaic.version = 14 : i64} {
  func.func @_compact_kernel(%arg0: i32, %arg1: i32, %arg2: memref<2048x512xi32, #tpu.memory_space<hbm>>, %arg3: memref<8192x128xf32, #tpu.memory_space<hbm>>, %arg4: memref<16x1536xf32, #tpu.memory_space<hbm>>, %arg5: memref<2048x64x128xf32, #tpu.memory_space<hbm>>, %arg6: memref<2048x64x3xf32, #tpu.memory_space<hbm>>, %arg7: memref<512xi32, #tpu.memory_space<vmem>>, %arg8: memref<512xi32, #tpu.memory_space<vmem>>, %arg9: memref<1536xf32, #tpu.memory_space<vmem>>, %arg10: memref<80xi32, #tpu.memory_space<vmem>>, %arg11: memref<80xi32, #tpu.memory_space<vmem>>, %arg12: memref<64x128xf32, #tpu.memory_space<vmem>>, %arg13: memref<64x128xf32, #tpu.memory_space<vmem>>, %arg14: memref<64x3xf32, #tpu.memory_space<vmem>>, %arg15: memref<64x3xf32, #tpu.memory_space<vmem>>, %arg16: memref<!tpu.dma_semaphore, #tpu.memory_space<semaphore_mem>>, %arg17: memref<!tpu.dma_semaphore, #tpu.memory_space<semaphore_mem>>, %arg18: memref<!tpu.dma_semaphore, #tpu.memory_space<semaphore_mem>>, %arg19: memref<!tpu.dma_semaphore, #tpu.memory_space<semaphore_mem>>, %arg20: memref<!tpu.dma_semaphore, #tpu.memory_space<semaphore_mem>>, %arg21: memref<!tpu.dma_semaphore, #tpu.memory_space<semaphore_mem>>, %arg22: memref<!tpu.dma_semaphore, #tpu.memory_space<semaphore_mem>>, %arg23: memref<!tpu.dma_semaphore, #tpu.memory_space<semaphore_mem>>) attributes {dimension_semantics = [#tpu.dimension_semantics<core_parallel>, #tpu.dimension_semantics<subcore_parallel>], iteration_bounds = array<i64: 2, 16>, scalar_prefetch = 0 : i64, scratch_operands = 17 : i64, tpu.core_type = #tpu.core_type<sc_vector_subcore>, window_params = [{transform_indices = #map}, {transform_indices = #map}, {transform_indices = #map}, {transform_indices = #map1}, {transform_indices = #map1}]} {
    %mul3A = arith.constant 2 : i32
    %mul3A_0 = arith.muli %arg1, %mul3A : i32
    %add3A = arith.addi %mul3A_0, %arg0 : i32
    %mul3A_1 = arith.constant 64 : i32
    %mul3A_2 = arith.muli %add3A, %mul3A_1 : i32
    %jit3A = arith.constant 128 : i32
    %div3A = arith.divsi %mul3A_2, %jit3A : i32
    %sign3A = arith.constant 0 : i32
    %sign3A_3 = arith.cmpi sgt, %mul3A_2, %sign3A : i32
    %sign3A_4 = arith.extui %sign3A_3 : i1 to i32
    %sign3A_5 = arith.constant 0 : i32
    %sign3A_6 = arith.cmpi slt, %mul3A_2, %sign3A_5 : i32
    %sign3A_7 = arith.extui %sign3A_6 : i1 to i32
    %sign3A_8 = arith.subi %sign3A_4, %sign3A_7 : i32
    %sign3A_9 = arith.constant 0 : i32
    %sign3A_10 = arith.cmpi sgt, %jit3A, %sign3A_9 : i32
    %sign3A_11 = arith.extui %sign3A_10 : i1 to i32
    %sign3A_12 = arith.constant 0 : i32
    %sign3A_13 = arith.cmpi slt, %jit3A, %sign3A_12 : i32
    %sign3A_14 = arith.extui %sign3A_13 : i1 to i32
    %sign3A_15 = arith.subi %sign3A_11, %sign3A_14 : i32
    %ne3A = arith.cmpi ne, %sign3A_8, %sign3A_15 : i32
    %rem3A = arith.remsi %mul3A_2, %jit3A : i32
    %ne3A_16 = arith.constant 0 : i32
    %ne3A_17 = arith.cmpi ne, %rem3A, %ne3A_16 : i32
    %and3A = arith.andi %ne3A, %ne3A_17 : i1
    %sub3A = arith.constant 1 : i32
    %sub3A_18 = arith.subi %div3A, %sub3A : i32
    %select_n3A = arith.select %and3A, %sub3A_18, %div3A : i32
    %mul3A_19 = arith.constant 512 : i32
    %mul3A_20 = arith.muli %select_n3A, %mul3A_19 : i32
    "tpu.region"() ({
      %run_scoped3A = tpu.sem_alloc : memref<!tpu.dma_semaphore, #tpu.memory_space<semaphore_mem>>
      %dma_start3A_76 = arith.constant 0 : i32
      %dma_start3A_77 = tpu.memref_slice %arg4[%select_n3A, %dma_start3A_76] : memref<16x1536xf32, #tpu.memory_space<hbm>> -> memref<1x1536xf32, #tpu.memory_space<hbm>>
      %dma_start3A_78 = tpu.memref_squeeze %dma_start3A_77 : memref<1x1536xf32, #tpu.memory_space<hbm>> -> memref<1536xf32, #tpu.memory_space<hbm>>
      %dma_start3A_79 = arith.constant 0 : i32
      %dma_start3A_80 = tpu.memref_slice %arg4[%select_n3A, %dma_start3A_79] : memref<16x1536xf32, #tpu.memory_space<hbm>> -> memref<1x1536xf32, #tpu.memory_space<hbm>>
      %dma_start3A_81 = tpu.memref_squeeze %dma_start3A_80 : memref<1x1536xf32, #tpu.memory_space<hbm>> -> memref<1536xf32, #tpu.memory_space<hbm>>
      tpu.enqueue_dma source(%dma_start3A_81 : memref<1536xf32, #tpu.memory_space<hbm>>) target(%arg9 : memref<1536xf32, #tpu.memory_space<vmem>>) target_semaphore(%run_scoped3A : memref<!tpu.dma_semaphore, #tpu.memory_space<semaphore_mem>>)
      %dma_wait3A_82 = arith.constant 0 : i32
      %dma_wait3A_83 = tpu.memref_slice %arg4[%select_n3A, %dma_wait3A_82] : memref<16x1536xf32, #tpu.memory_space<hbm>> -> memref<1x1536xf32, #tpu.memory_space<hbm>>
      %dma_wait3A_84 = tpu.memref_squeeze %dma_wait3A_83 : memref<1x1536xf32, #tpu.memory_space<hbm>> -> memref<1536xf32, #tpu.memory_space<hbm>>
      %dma_wait3A_85 = arith.constant 0 : i32
      %dma_wait3A_86 = tpu.memref_slice %arg4[%select_n3A, %dma_wait3A_85] : memref<16x1536xf32, #tpu.memory_space<hbm>> -> memref<1x1536xf32, #tpu.memory_space<hbm>>
      %dma_wait3A_87 = tpu.memref_squeeze %dma_wait3A_86 : memref<1x1536xf32, #tpu.memory_space<hbm>> -> memref<1536xf32, #tpu.memory_space<hbm>>
      tpu.wait_dma2 semaphore(%run_scoped3A : memref<!tpu.dma_semaphore, #tpu.memory_space<semaphore_mem>>) src(%dma_wait3A_87 : memref<1536xf32, #tpu.memory_space<hbm>>) dst(%arg9 : memref<1536xf32, #tpu.memory_space<vmem>>)
      tpu.yield
    }) : () -> ()
    %iota3A = tpu.iota {dimensions = array<i32: 0>} : vector<16xi32>
    %mul3A_21 = arith.constant 3 : i32
    %mul3A_22 = vector.broadcast %mul3A_21 : i32 to vector<16xi32>
    %mul3A_23 = arith.muli %iota3A, %mul3A_22 : vector<16xi32>
    %broadcast_in_dim3A = vector.broadcast %mul3A_20 : i32 to vector<16xi32>
    %add3A_24 = arith.constant 0 : i32
    %add3A_25 = arith.addi %mul3A_2, %add3A_24 : i32
    %dma_start3A = arith.constant 0 : i32
    %dma_start3A_26 = tpu.memref_slice %arg2[%add3A_25, %dma_start3A] : memref<2048x512xi32, #tpu.memory_space<hbm>> -> memref<1x512xi32, #tpu.memory_space<hbm>>
    %dma_start3A_27 = tpu.memref_squeeze %dma_start3A_26 : memref<1x512xi32, #tpu.memory_space<hbm>> -> memref<512xi32, #tpu.memory_space<hbm>>
    %dma_start3A_28 = arith.constant 0 : i32
    %dma_start3A_29 = tpu.memref_slice %arg2[%add3A_25, %dma_start3A_28] : memref<2048x512xi32, #tpu.memory_space<hbm>> -> memref<1x512xi32, #tpu.memory_space<hbm>>
    %dma_start3A_30 = tpu.memref_squeeze %dma_start3A_29 : memref<1x512xi32, #tpu.memory_space<hbm>> -> memref<512xi32, #tpu.memory_space<hbm>>
    tpu.enqueue_dma source(%dma_start3A_30 : memref<512xi32, #tpu.memory_space<hbm>>) target(%arg7 : memref<512xi32, #tpu.memory_space<vmem>>) target_semaphore(%arg16 : memref<!tpu.dma_semaphore, #tpu.memory_space<semaphore_mem>>)
    %scan3A = arith.constant 0 : i32
    %scan3A_31 = arith.constant 0 : i32
    %scan3A_32 = arith.constant 32 : i32
    %scan3A_33 = arith.addi %scan3A_31, %scan3A_32 : i32
    %scan3A_34 = arith.constant 1 : i32
    %scan3A_35 = scf.for %scan3A_76 = %scan3A_31 to %scan3A_33 step %scan3A_34 iter_args(%scan3A_77 = %scan3A) -> (i32)  : i32 {
      %mul3A_78 = arith.constant 2 : i32
      %mul3A_79 = arith.muli %scan3A_76, %mul3A_78 : i32
      %add3A_80 = arith.constant 0 : i32
      %add3A_81 = arith.addi %mul3A_79, %add3A_80 : i32
      %add3A_82 = arith.addi %mul3A_2, %add3A_81 : i32
      %dma_wait3A_83 = arith.constant 0 : i32
      %dma_wait3A_84 = tpu.memref_slice %arg2[%add3A_82, %dma_wait3A_83] : memref<2048x512xi32, #tpu.memory_space<hbm>> -> memref<1x512xi32, #tpu.memory_space<hbm>>
      %dma_wait3A_85 = tpu.memref_squeeze %dma_wait3A_84 : memref<1x512xi32, #tpu.memory_space<hbm>> -> memref<512xi32, #tpu.memory_space<hbm>>
      %dma_wait3A_86 = arith.constant 0 : i32
      %dma_wait3A_87 = tpu.memref_slice %arg2[%add3A_82, %dma_wait3A_86] : memref<2048x512xi32, #tpu.memory_space<hbm>> -> memref<1x512xi32, #tpu.memory_space<hbm>>
      %dma_wait3A_88 = tpu.memref_squeeze %dma_wait3A_87 : memref<1x512xi32, #tpu.memory_space<hbm>> -> memref<512xi32, #tpu.memory_space<hbm>>
      tpu.wait_dma2 semaphore(%arg16 : memref<!tpu.dma_semaphore, #tpu.memory_space<semaphore_mem>>) src(%dma_wait3A_88 : memref<512xi32, #tpu.memory_space<hbm>>) dst(%arg7 : memref<512xi32, #tpu.memory_space<vmem>>)
      %add3A_89 = arith.constant 1 : i32
      %add3A_90 = arith.addi %add3A_81, %add3A_89 : i32
      %add3A_91 = arith.addi %mul3A_2, %add3A_90 : i32
      %dma_start3A_92 = arith.constant 0 : i32
      %dma_start3A_93 = tpu.memref_slice %arg2[%add3A_91, %dma_start3A_92] : memref<2048x512xi32, #tpu.memory_space<hbm>> -> memref<1x512xi32, #tpu.memory_space<hbm>>
      %dma_start3A_94 = tpu.memref_squeeze %dma_start3A_93 : memref<1x512xi32, #tpu.memory_space<hbm>> -> memref<512xi32, #tpu.memory_space<hbm>>
      %dma_start3A_95 = arith.constant 0 : i32
      %dma_start3A_96 = tpu.memref_slice %arg2[%add3A_91, %dma_start3A_95] : memref<2048x512xi32, #tpu.memory_space<hbm>> -> memref<1x512xi32, #tpu.memory_space<hbm>>
      %dma_start3A_97 = tpu.memref_squeeze %dma_start3A_96 : memref<1x512xi32, #tpu.memory_space<hbm>> -> memref<512xi32, #tpu.memory_space<hbm>>
      tpu.enqueue_dma source(%dma_start3A_97 : memref<512xi32, #tpu.memory_space<hbm>>) target(%arg8 : memref<512xi32, #tpu.memory_space<vmem>>) target_semaphore(%arg17 : memref<!tpu.dma_semaphore, #tpu.memory_space<semaphore_mem>>)
      %swap3A = arith.constant 0 : index
      %swap3A_98 = tpu.vector_load %arg10[%swap3A] {strides = array<i32>} : memref<80xi32, #tpu.memory_space<vmem>>, vector<16xi32>,
      tpu.vector_store %arg10[%swap3A], %broadcast_in_dim3A {strides = array<i32>} : memref<80xi32, #tpu.memory_space<vmem>>, vector<16xi32>,
      %swap3A_99 = arith.constant 16 : index
      %swap3A_100 = tpu.vector_load %arg10[%swap3A_99] {strides = array<i32>} : memref<80xi32, #tpu.memory_space<vmem>>, vector<16xi32>,
      tpu.vector_store %arg10[%swap3A_99], %broadcast_in_dim3A {strides = array<i32>} : memref<80xi32, #tpu.memory_space<vmem>>, vector<16xi32>,
      %swap3A_101 = arith.constant 32 : index
      %swap3A_102 = tpu.vector_load %arg10[%swap3A_101] {strides = array<i32>} : memref<80xi32, #tpu.memory_space<vmem>>, vector<16xi32>,
      tpu.vector_store %arg10[%swap3A_101], %broadcast_in_dim3A {strides = array<i32>} : memref<80xi32, #tpu.memory_space<vmem>>, vector<16xi32>,
      %swap3A_103 = arith.constant 48 : index
      %swap3A_104 = tpu.vector_load %arg10[%swap3A_103] {strides = array<i32>} : memref<80xi32, #tpu.memory_space<vmem>>, vector<16xi32>,
      tpu.vector_store %arg10[%swap3A_103], %broadcast_in_dim3A {strides = array<i32>} : memref<80xi32, #tpu.memory_space<vmem>>, vector<16xi32>,
      %swap3A_105 = arith.constant 64 : index
      %swap3A_106 = tpu.vector_load %arg10[%swap3A_105] {strides = array<i32>} : memref<80xi32, #tpu.memory_space<vmem>>, vector<16xi32>,
      tpu.vector_store %arg10[%swap3A_105], %broadcast_in_dim3A {strides = array<i32>} : memref<80xi32, #tpu.memory_space<vmem>>, vector<16xi32>,
      %scan3A_107 = arith.constant 0 : i32
      %scan3A_108 = arith.constant 0 : i32
      %scan3A_109 = arith.constant 8 : i32
      %scan3A_110 = arith.addi %scan3A_108, %scan3A_109 : i32
      %scan3A_111 = arith.constant 1 : i32
      %scan3A_112 = scf.for %scan3A_446 = %scan3A_108 to %scan3A_110 step %scan3A_111 iter_args(%scan3A_447 = %scan3A_107) -> (i32)  : i32 {
        %mul3A_448 = arith.constant 4 : i32
        %mul3A_449 = arith.muli %scan3A_446, %mul3A_448 : i32
        %add3A_450 = arith.constant 0 : i32
        %add3A_451 = arith.addi %mul3A_449, %add3A_450 : i32
        %mul3A_452 = arith.constant 16 : i32
        %mul3A_453 = arith.muli %add3A_451, %mul3A_452 : i32
        %get3A_454 = arith.index_cast %mul3A_453 : i32 to index
        %get3A_455 = tpu.vector_load %arg7[%get3A_454] {strides = array<i32>} : memref<512xi32, #tpu.memory_space<vmem>>, vector<16xi32>,
        %gt3A_456 = arith.constant 0 : i32
        %gt3A_457 = vector.broadcast %gt3A_456 : i32 to vector<16xi32>
        %gt3A_458 = arith.cmpi sgt, %get3A_455, %gt3A_457 : vector<16xi32>
        %sub3A_459 = arith.constant 1 : i32
        %sub3A_460 = vector.broadcast %sub3A_459 : i32 to vector<16xi32>
        %sub3A_461 = arith.subi %get3A_455, %sub3A_460 : vector<16xi32>
        %add3A_462 = arith.constant 64 : i32
        %add3A_463 = vector.broadcast %add3A_462 : i32 to vector<16xi32>
        %add3A_464 = arith.addi %add3A_463, %iota3A : vector<16xi32>
        %select_n3A_465 = arith.select %gt3A_458, %sub3A_461, %add3A_464 : vector<16xi1>, vector<16xi32>
        %mul3A_466 = arith.constant 16 : i32
        %mul3A_467 = arith.muli %add3A_451, %mul3A_466 : i32
        %add3A_468 = arith.addi %mul3A_467, %mul3A_20 : i32
        %add3A_469 = vector.broadcast %add3A_468 : i32 to vector<16xi32>
        %add3A_470 = arith.addi %iota3A, %add3A_469 : vector<16xi32>
        tpu.vector_store_idx %arg10[%select_n3A_465], %add3A_470 : memref<80xi32, #tpu.memory_space<vmem>>[vector<16xi32>], vector<16xi32>,
        %mul3A_471 = arith.constant 4 : i32
        %mul3A_472 = arith.muli %scan3A_446, %mul3A_471 : i32
        %add3A_473 = arith.constant 1 : i32
        %add3A_474 = arith.addi %mul3A_472, %add3A_473 : i32
        %mul3A_475 = arith.constant 16 : i32
        %mul3A_476 = arith.muli %add3A_474, %mul3A_475 : i32
        %get3A_477 = arith.index_cast %mul3A_476 : i32 to index
        %get3A_478 = tpu.vector_load %arg7[%get3A_477] {strides = array<i32>} : memref<512xi32, #tpu.memory_space<vmem>>, vector<16xi32>,
        %gt3A_479 = arith.constant 0 : i32
        %gt3A_480 = vector.broadcast %gt3A_479 : i32 to vector<16xi32>
        %gt3A_481 = arith.cmpi sgt, %get3A_478, %gt3A_480 : vector<16xi32>
        %sub3A_482 = arith.constant 1 : i32
        %sub3A_483 = vector.broadcast %sub3A_482 : i32 to vector<16xi32>
        %sub3A_484 = arith.subi %get3A_478, %sub3A_483 : vector<16xi32>
        %add3A_485 = arith.constant 64 : i32
        %add3A_486 = vector.broadcast %add3A_485 : i32 to vector<16xi32>
        %add3A_487 = arith.addi %add3A_486, %iota3A : vector<16xi32>
        %select_n3A_488 = arith.select %gt3A_481, %sub3A_484, %add3A_487 : vector<16xi1>, vector<16xi32>
        %mul3A_489 = arith.constant 16 : i32
        %mul3A_490 = arith.muli %add3A_474, %mul3A_489 : i32
        %add3A_491 = arith.addi %mul3A_490, %mul3A_20 : i32
        %add3A_492 = vector.broadcast %add3A_491 : i32 to vector<16xi32>
        %add3A_493 = arith.addi %iota3A, %add3A_492 : vector<16xi32>
        tpu.vector_store_idx %arg10[%select_n3A_488], %add3A_493 : memref<80xi32, #tpu.memory_space<vmem>>[vector<16xi32>], vector<16xi32>,
        %mul3A_494 = arith.constant 4 : i32
        %mul3A_495 = arith.muli %scan3A_446, %mul3A_494 : i32
        %add3A_496 = arith.constant 2 : i32
        %add3A_497 = arith.addi %mul3A_495, %add3A_496 : i32
        %mul3A_498 = arith.constant 16 : i32
        %mul3A_499 = arith.muli %add3A_497, %mul3A_498 : i32
        %get3A_500 = arith.index_cast %mul3A_499 : i32 to index
        %get3A_501 = tpu.vector_load %arg7[%get3A_500] {strides = array<i32>} : memref<512xi32, #tpu.memory_space<vmem>>, vector<16xi32>,
        %gt3A_502 = arith.constant 0 : i32
        %gt3A_503 = vector.broadcast %gt3A_502 : i32 to vector<16xi32>
        %gt3A_504 = arith.cmpi sgt, %get3A_501, %gt3A_503 : vector<16xi32>
        %sub3A_505 = arith.constant 1 : i32
        %sub3A_506 = vector.broadcast %sub3A_505 : i32 to vector<16xi32>
        %sub3A_507 = arith.subi %get3A_501, %sub3A_506 : vector<16xi32>
        %add3A_508 = arith.constant 64 : i32
        %add3A_509 = vector.broadcast %add3A_508 : i32 to vector<16xi32>
        %add3A_510 = arith.addi %add3A_509, %iota3A : vector<16xi32>
        %select_n3A_511 = arith.select %gt3A_504, %sub3A_507, %add3A_510 : vector<16xi1>, vector<16xi32>
        %mul3A_512 = arith.constant 16 : i32
        %mul3A_513 = arith.muli %add3A_497, %mul3A_512 : i32
        %add3A_514 = arith.addi %mul3A_513, %mul3A_20 : i32
        %add3A_515 = vector.broadcast %add3A_514 : i32 to vector<16xi32>
        %add3A_516 = arith.addi %iota3A, %add3A_515 : vector<16xi32>
        tpu.vector_store_idx %arg10[%select_n3A_511], %add3A_516 : memref<80xi32, #tpu.memory_space<vmem>>[vector<16xi32>], vector<16xi32>,
        %mul3A_517 = arith.constant 4 : i32
        %mul3A_518 = arith.muli %scan3A_446, %mul3A_517 : i32
        %add3A_519 = arith.constant 3 : i32
        %add3A_520 = arith.addi %mul3A_518, %add3A_519 : i32
        %mul3A_521 = arith.constant 16 : i32
        %mul3A_522 = arith.muli %add3A_520, %mul3A_521 : i32
        %get3A_523 = arith.index_cast %mul3A_522 : i32 to index
        %get3A_524 = tpu.vector_load %arg7[%get3A_523] {strides = array<i32>} : memref<512xi32, #tpu.memory_space<vmem>>, vector<16xi32>,
        %gt3A_525 = arith.constant 0 : i32
        %gt3A_526 = vector.broadcast %gt3A_525 : i32 to vector<16xi32>
        %gt3A_527 = arith.cmpi sgt, %get3A_524, %gt3A_526 : vector<16xi32>
        %sub3A_528 = arith.constant 1 : i32
        %sub3A_529 = vector.broadcast %sub3A_528 : i32 to vector<16xi32>
        %sub3A_530 = arith.subi %get3A_524, %sub3A_529 : vector<16xi32>
        %add3A_531 = arith.constant 64 : i32
        %add3A_532 = vector.broadcast %add3A_531 : i32 to vector<16xi32>
        %add3A_533 = arith.addi %add3A_532, %iota3A : vector<16xi32>
        %select_n3A_534 = arith.select %gt3A_527, %sub3A_530, %add3A_533 : vector<16xi1>, vector<16xi32>
        %mul3A_535 = arith.constant 16 : i32
        %mul3A_536 = arith.muli %add3A_520, %mul3A_535 : i32
        %add3A_537 = arith.addi %mul3A_536, %mul3A_20 : i32
        %add3A_538 = vector.broadcast %add3A_537 : i32 to vector<16xi32>
        %add3A_539 = arith.addi %iota3A, %add3A_538 : vector<16xi32>
        tpu.vector_store_idx %arg10[%select_n3A_534], %add3A_539 : memref<80xi32, #tpu.memory_space<vmem>>[vector<16xi32>], vector<16xi32>,
        %scan3A_540 = arith.constant 0 : i32
        scf.yield %scan3A_540 : i32
      }
      %scan3A_113 = arith.constant 8 : i32
      %gt3A = arith.constant 0 : i32
      %gt3A_114 = arith.cmpi sgt, %scan3A_76, %gt3A : i32
      %convert_element_type3A = arith.extui %gt3A_114 : i1 to i32
      %cond3A = arith.constant 0 : i32
      %cond3A_115 = arith.cmpi ne, %convert_element_type3A, %cond3A : i32
      scf.if %cond3A_115 {
        %sub3A_446 = arith.constant 2 : i32
        %sub3A_447 = arith.subi %add3A_81, %sub3A_446 : i32
        %add3A_448 = arith.addi %mul3A_2, %sub3A_447 : i32
        %dma_wait3A_449 = arith.constant 0 : i32
        %dma_wait3A_450 = arith.constant 0 : i32
        %dma_wait3A_451 = tpu.memref_slice %arg5[%add3A_448, %dma_wait3A_449, %dma_wait3A_450] : memref<2048x64x128xf32, #tpu.memory_space<hbm>> -> memref<1x64x128xf32, #tpu.memory_space<hbm>>
        %dma_wait3A_452 = tpu.memref_squeeze %dma_wait3A_451 : memref<1x64x128xf32, #tpu.memory_space<hbm>> -> memref<64x128xf32, #tpu.memory_space<hbm>>
        %dma_wait3A_453 = arith.constant 0 : i32
        %dma_wait3A_454 = arith.constant 0 : i32
        %dma_wait3A_455 = tpu.memref_slice %arg5[%add3A_448, %dma_wait3A_453, %dma_wait3A_454] : memref<2048x64x128xf32, #tpu.memory_space<hbm>> -> memref<1x64x128xf32, #tpu.memory_space<hbm>>
        %dma_wait3A_456 = tpu.memref_squeeze %dma_wait3A_455 : memref<1x64x128xf32, #tpu.memory_space<hbm>> -> memref<64x128xf32, #tpu.memory_space<hbm>>
        tpu.wait_dma2 semaphore(%arg20 : memref<!tpu.dma_semaphore, #tpu.memory_space<semaphore_mem>>) src(%arg12 : memref<64x128xf32, #tpu.memory_space<vmem>>) dst(%dma_wait3A_456 : memref<64x128xf32, #tpu.memory_space<hbm>>)
      } else {
      }
      %dma_start3A_116 = arith.constant 0 : i32
      %dma_start3A_117 = tpu.memref_slice %arg10[%dma_start3A_116] : memref<80xi32, #tpu.memory_space<vmem>> -> memref<64xi32, #tpu.memory_space<vmem>>
      %dma_start3A_118 = arith.constant 0 : i32
      %dma_start3A_119 = arith.constant 0 : i32
      %dma_start3A_120 = tpu.memref_slice %arg3[%dma_start3A_118, %dma_start3A_119] : memref<8192x128xf32, #tpu.memory_space<hbm>> -> memref<8192x128xf32, #tpu.memory_space<hbm>>
      tpu.enqueue_indirect_dma source(%dma_start3A_120 : memref<8192x128xf32, #tpu.memory_space<hbm>>) target(%arg12 : memref<64x128xf32, #tpu.memory_space<vmem>>) offsets(%dma_start3A_117 : memref<64xi32, #tpu.memory_space<vmem>>) semaphore(%arg18 : memref<!tpu.dma_semaphore, #tpu.memory_space<semaphore_mem>>)
      %gt3A_121 = arith.constant 0 : i32
      %gt3A_122 = arith.cmpi sgt, %scan3A_76, %gt3A_121 : i32
      %convert_element_type3A_123 = arith.extui %gt3A_122 : i1 to i32
      %cond3A_124 = arith.constant 0 : i32
      %cond3A_125 = arith.cmpi ne, %convert_element_type3A_123, %cond3A_124 : i32
      scf.if %cond3A_125 {
        %sub3A_446 = arith.constant 2 : i32
        %sub3A_447 = arith.subi %add3A_81, %sub3A_446 : i32
        %add3A_448 = arith.addi %mul3A_2, %sub3A_447 : i32
        %dma_wait3A_449 = arith.constant 0 : i32
        %dma_wait3A_450 = arith.constant 0 : i32
        %dma_wait3A_451 = tpu.memref_slice %arg6[%add3A_448, %dma_wait3A_449, %dma_wait3A_450] : memref<2048x64x3xf32, #tpu.memory_space<hbm>> -> memref<1x64x3xf32, #tpu.memory_space<hbm>>
        %dma_wait3A_452 = tpu.memref_squeeze %dma_wait3A_451 : memref<1x64x3xf32, #tpu.memory_space<hbm>> -> memref<64x3xf32, #tpu.memory_space<hbm>>
        %dma_wait3A_453 = arith.constant 0 : i32
        %dma_wait3A_454 = arith.constant 0 : i32
        %dma_wait3A_455 = tpu.memref_slice %arg6[%add3A_448, %dma_wait3A_453, %dma_wait3A_454] : memref<2048x64x3xf32, #tpu.memory_space<hbm>> -> memref<1x64x3xf32, #tpu.memory_space<hbm>>
        %dma_wait3A_456 = tpu.memref_squeeze %dma_wait3A_455 : memref<1x64x3xf32, #tpu.memory_space<hbm>> -> memref<64x3xf32, #tpu.memory_space<hbm>>
        tpu.wait_dma2 semaphore(%arg22 : memref<!tpu.dma_semaphore, #tpu.memory_space<semaphore_mem>>) src(%arg14 : memref<64x3xf32, #tpu.memory_space<vmem>>) dst(%dma_wait3A_456 : memref<64x3xf32, #tpu.memory_space<hbm>>)
      } else {
      }
      %add3A_126 = arith.constant 0 : i32
      %add3A_127 = vector.broadcast %add3A_126 : i32 to vector<16xi32>
      %add3A_128 = arith.addi %iota3A, %add3A_127 : vector<16xi32>
      %get3A = arith.constant 0 : index
      %get3A_129 = tpu.vector_load %arg10[%get3A] {strides = array<i32>} : memref<80xi32, #tpu.memory_space<vmem>>, vector<16xi32>,
      %sub3A_130 = vector.broadcast %mul3A_20 : i32 to vector<16xi32>
      %sub3A_131 = arith.subi %get3A_129, %sub3A_130 : vector<16xi32>
      %mul3A_132 = arith.constant 3 : i32
      %mul3A_133 = vector.broadcast %mul3A_132 : i32 to vector<16xi32>
      %mul3A_134 = arith.muli %sub3A_131, %mul3A_133 : vector<16xi32>
      %add3A_135 = arith.constant 0 : i32
      %add3A_136 = vector.broadcast %add3A_135 : i32 to vector<16xi32>
      %add3A_137 = arith.addi %mul3A_134, %add3A_136 : vector<16xi32>
      %gather3A = tpu.vector_load_idx %arg9[%add3A_137] : memref<1536xf32, #tpu.memory_space<vmem>>[vector<16xi32>], vector<16xf32>,
      %broadcast_in_dim3A_138 = arith.constant 0 : i32
      %broadcast_in_dim3A_139 = vector.broadcast %broadcast_in_dim3A_138 : i32 to vector<16xi32>
      tpu.vector_store_idx %arg14[%add3A_128, %broadcast_in_dim3A_139], %gather3A : memref<64x3xf32, #tpu.memory_space<vmem>>[vector<16xi32>, vector<16xi32>], vector<16xf32>,
      %add3A_140 = arith.constant 1 : i32
      %add3A_141 = vector.broadcast %add3A_140 : i32 to vector<16xi32>
      %add3A_142 = arith.addi %mul3A_134, %add3A_141 : vector<16xi32>
      %gather3A_143 = tpu.vector_load_idx %arg9[%add3A_142] : memref<1536xf32, #tpu.memory_space<vmem>>[vector<16xi32>], vector<16xf32>,
      %broadcast_in_dim3A_144 = arith.constant 1 : i32
      %broadcast_in_dim3A_145 = vector.broadcast %broadcast_in_dim3A_144 : i32 to vector<16xi32>
      tpu.vector_store_idx %arg14[%add3A_128, %broadcast_in_dim3A_145], %gather3A_143 : memref<64x3xf32, #tpu.memory_space<vmem>>[vector<16xi32>, vector<16xi32>], vector<16xf32>,
      %add3A_146 = arith.constant 2 : i32
      %add3A_147 = vector.broadcast %add3A_146 : i32 to vector<16xi32>
      %add3A_148 = arith.addi %mul3A_134, %add3A_147 : vector<16xi32>
      %gather3A_149 = tpu.vector_load_idx %arg9[%add3A_148] : memref<1536xf32, #tpu.memory_space<vmem>>[vector<16xi32>], vector<16xf32>,
      %broadcast_in_dim3A_150 = arith.constant 2 : i32
      %broadcast_in_dim3A_151 = vector.broadcast %broadcast_in_dim3A_150 : i32 to vector<16xi32>
      tpu.vector_store_idx %arg14[%add3A_128, %broadcast_in_dim3A_151], %gather3A_149 : memref<64x3xf32, #tpu.memory_space<vmem>>[vector<16xi32>, vector<16xi32>], vector<16xf32>,
      %add3A_152 = arith.constant 16 : i32
      %add3A_153 = vector.broadcast %add3A_152 : i32 to vector<16xi32>
      %add3A_154 = arith.addi %iota3A, %add3A_153 : vector<16xi32>
      %get3A_155 = arith.constant 16 : index
      %get3A_156 = tpu.vector_load %arg10[%get3A_155] {strides = array<i32>} : memref<80xi32, #tpu.memory_space<vmem>>, vector<16xi32>,
      %sub3A_157 = vector.broadcast %mul3A_20 : i32 to vector<16xi32>
      %sub3A_158 = arith.subi %get3A_156, %sub3A_157 : vector<16xi32>
      %mul3A_159 = arith.constant 3 : i32
      %mul3A_160 = vector.broadcast %mul3A_159 : i32 to vector<16xi32>
      %mul3A_161 = arith.muli %sub3A_158, %mul3A_160 : vector<16xi32>
      %add3A_162 = arith.constant 0 : i32
      %add3A_163 = vector.broadcast %add3A_162 : i32 to vector<16xi32>
      %add3A_164 = arith.addi %mul3A_161, %add3A_163 : vector<16xi32>
      %gather3A_165 = tpu.vector_load_idx %arg9[%add3A_164] : memref<1536xf32, #tpu.memory_space<vmem>>[vector<16xi32>], vector<16xf32>,
      %broadcast_in_dim3A_166 = arith.constant 0 : i32
      %broadcast_in_dim3A_167 = vector.broadcast %broadcast_in_dim3A_166 : i32 to vector<16xi32>
      tpu.vector_store_idx %arg14[%add3A_154, %broadcast_in_dim3A_167], %gather3A_165 : memref<64x3xf32, #tpu.memory_space<vmem>>[vector<16xi32>, vector<16xi32>], vector<16xf32>,
      %add3A_168 = arith.constant 1 : i32
      %add3A_169 = vector.broadcast %add3A_168 : i32 to vector<16xi32>
      %add3A_170 = arith.addi %mul3A_161, %add3A_169 : vector<16xi32>
      %gather3A_171 = tpu.vector_load_idx %arg9[%add3A_170] : memref<1536xf32, #tpu.memory_space<vmem>>[vector<16xi32>], vector<16xf32>,
      %broadcast_in_dim3A_172 = arith.constant 1 : i32
      %broadcast_in_dim3A_173 = vector.broadcast %broadcast_in_dim3A_172 : i32 to vector<16xi32>
      tpu.vector_store_idx %arg14[%add3A_154, %broadcast_in_dim3A_173], %gather3A_171 : memref<64x3xf32, #tpu.memory_space<vmem>>[vector<16xi32>, vector<16xi32>], vector<16xf32>,
      %add3A_174 = arith.constant 2 : i32
      %add3A_175 = vector.broadcast %add3A_174 : i32 to vector<16xi32>
      %add3A_176 = arith.addi %mul3A_161, %add3A_175 : vector<16xi32>
      %gather3A_177 = tpu.vector_load_idx %arg9[%add3A_176] : memref<1536xf32, #tpu.memory_space<vmem>>[vector<16xi32>], vector<16xf32>,
      %broadcast_in_dim3A_178 = arith.constant 2 : i32
      %broadcast_in_dim3A_179 = vector.broadcast %broadcast_in_dim3A_178 : i32 to vector<16xi32>
      tpu.vector_store_idx %arg14[%add3A_154, %broadcast_in_dim3A_179], %gather3A_177 : memref<64x3xf32, #tpu.memory_space<vmem>>[vector<16xi32>, vector<16xi32>], vector<16xf32>,
      %add3A_180 = arith.constant 32 : i32
      %add3A_181 = vector.broadcast %add3A_180 : i32 to vector<16xi32>
      %add3A_182 = arith.addi %iota3A, %add3A_181 : vector<16xi32>
      %get3A_183 = arith.constant 32 : index
      %get3A_184 = tpu.vector_load %arg10[%get3A_183] {strides = array<i32>} : memref<80xi32, #tpu.memory_space<vmem>>, vector<16xi32>,
      %sub3A_185 = vector.broadcast %mul3A_20 : i32 to vector<16xi32>
      %sub3A_186 = arith.subi %get3A_184, %sub3A_185 : vector<16xi32>
      %mul3A_187 = arith.constant 3 : i32
      %mul3A_188 = vector.broadcast %mul3A_187 : i32 to vector<16xi32>
      %mul3A_189 = arith.muli %sub3A_186, %mul3A_188 : vector<16xi32>
      %add3A_190 = arith.constant 0 : i32
      %add3A_191 = vector.broadcast %add3A_190 : i32 to vector<16xi32>
      %add3A_192 = arith.addi %mul3A_189, %add3A_191 : vector<16xi32>
      %gather3A_193 = tpu.vector_load_idx %arg9[%add3A_192] : memref<1536xf32, #tpu.memory_space<vmem>>[vector<16xi32>], vector<16xf32>,
      %broadcast_in_dim3A_194 = arith.constant 0 : i32
      %broadcast_in_dim3A_195 = vector.broadcast %broadcast_in_dim3A_194 : i32 to vector<16xi32>
      tpu.vector_store_idx %arg14[%add3A_182, %broadcast_in_dim3A_195], %gather3A_193 : memref<64x3xf32, #tpu.memory_space<vmem>>[vector<16xi32>, vector<16xi32>], vector<16xf32>,
      %add3A_196 = arith.constant 1 : i32
      %add3A_197 = vector.broadcast %add3A_196 : i32 to vector<16xi32>
      %add3A_198 = arith.addi %mul3A_189, %add3A_197 : vector<16xi32>
      %gather3A_199 = tpu.vector_load_idx %arg9[%add3A_198] : memref<1536xf32, #tpu.memory_space<vmem>>[vector<16xi32>], vector<16xf32>,
      %broadcast_in_dim3A_200 = arith.constant 1 : i32
      %broadcast_in_dim3A_201 = vector.broadcast %broadcast_in_dim3A_200 : i32 to vector<16xi32>
      tpu.vector_store_idx %arg14[%add3A_182, %broadcast_in_dim3A_201], %gather3A_199 : memref<64x3xf32, #tpu.memory_space<vmem>>[vector<16xi32>, vector<16xi32>], vector<16xf32>,
      %add3A_202 = arith.constant 2 : i32
      %add3A_203 = vector.broadcast %add3A_202 : i32 to vector<16xi32>
      %add3A_204 = arith.addi %mul3A_189, %add3A_203 : vector<16xi32>
      %gather3A_205 = tpu.vector_load_idx %arg9[%add3A_204] : memref<1536xf32, #tpu.memory_space<vmem>>[vector<16xi32>], vector<16xf32>,
      %broadcast_in_dim3A_206 = arith.constant 2 : i32
      %broadcast_in_dim3A_207 = vector.broadcast %broadcast_in_dim3A_206 : i32 to vector<16xi32>
      tpu.vector_store_idx %arg14[%add3A_182, %broadcast_in_dim3A_207], %gather3A_205 : memref<64x3xf32, #tpu.memory_space<vmem>>[vector<16xi32>, vector<16xi32>], vector<16xf32>,
      %add3A_208 = arith.constant 48 : i32
      %add3A_209 = vector.broadcast %add3A_208 : i32 to vector<16xi32>
      %add3A_210 = arith.addi %iota3A, %add3A_209 : vector<16xi32>
      %get3A_211 = arith.constant 48 : index
      %get3A_212 = tpu.vector_load %arg10[%get3A_211] {strides = array<i32>} : memref<80xi32, #tpu.memory_space<vmem>>, vector<16xi32>,
      %sub3A_213 = vector.broadcast %mul3A_20 : i32 to vector<16xi32>
      %sub3A_214 = arith.subi %get3A_212, %sub3A_213 : vector<16xi32>
      %mul3A_215 = arith.constant 3 : i32
      %mul3A_216 = vector.broadcast %mul3A_215 : i32 to vector<16xi32>
      %mul3A_217 = arith.muli %sub3A_214, %mul3A_216 : vector<16xi32>
      %add3A_218 = arith.constant 0 : i32
      %add3A_219 = vector.broadcast %add3A_218 : i32 to vector<16xi32>
      %add3A_220 = arith.addi %mul3A_217, %add3A_219 : vector<16xi32>
      %gather3A_221 = tpu.vector_load_idx %arg9[%add3A_220] : memref<1536xf32, #tpu.memory_space<vmem>>[vector<16xi32>], vector<16xf32>,
      %broadcast_in_dim3A_222 = arith.constant 0 : i32
      %broadcast_in_dim3A_223 = vector.broadcast %broadcast_in_dim3A_222 : i32 to vector<16xi32>
      tpu.vector_store_idx %arg14[%add3A_210, %broadcast_in_dim3A_223], %gather3A_221 : memref<64x3xf32, #tpu.memory_space<vmem>>[vector<16xi32>, vector<16xi32>], vector<16xf32>,
      %add3A_224 = arith.constant 1 : i32
      %add3A_225 = vector.broadcast %add3A_224 : i32 to vector<16xi32>
      %add3A_226 = arith.addi %mul3A_217, %add3A_225 : vector<16xi32>
      %gather3A_227 = tpu.vector_load_idx %arg9[%add3A_226] : memref<1536xf32, #tpu.memory_space<vmem>>[vector<16xi32>], vector<16xf32>,
      %broadcast_in_dim3A_228 = arith.constant 1 : i32
      %broadcast_in_dim3A_229 = vector.broadcast %broadcast_in_dim3A_228 : i32 to vector<16xi32>
      tpu.vector_store_idx %arg14[%add3A_210, %broadcast_in_dim3A_229], %gather3A_227 : memref<64x3xf32, #tpu.memory_space<vmem>>[vector<16xi32>, vector<16xi32>], vector<16xf32>,
      %add3A_230 = arith.constant 2 : i32
      %add3A_231 = vector.broadcast %add3A_230 : i32 to vector<16xi32>
      %add3A_232 = arith.addi %mul3A_217, %add3A_231 : vector<16xi32>
      %gather3A_233 = tpu.vector_load_idx %arg9[%add3A_232] : memref<1536xf32, #tpu.memory_space<vmem>>[vector<16xi32>], vector<16xf32>,
      %broadcast_in_dim3A_234 = arith.constant 2 : i32
      %broadcast_in_dim3A_235 = vector.broadcast %broadcast_in_dim3A_234 : i32 to vector<16xi32>
      tpu.vector_store_idx %arg14[%add3A_210, %broadcast_in_dim3A_235], %gather3A_233 : memref<64x3xf32, #tpu.memory_space<vmem>>[vector<16xi32>, vector<16xi32>], vector<16xf32>,
      %add3A_236 = arith.addi %mul3A_2, %add3A_81 : i32
      %dma_start3A_237 = arith.constant 0 : i32
      %dma_start3A_238 = arith.constant 0 : i32
      %dma_start3A_239 = tpu.memref_slice %arg6[%add3A_236, %dma_start3A_237, %dma_start3A_238] : memref<2048x64x3xf32, #tpu.memory_space<hbm>> -> memref<1x64x3xf32, #tpu.memory_space<hbm>>
      %dma_start3A_240 = tpu.memref_squeeze %dma_start3A_239 : memref<1x64x3xf32, #tpu.memory_space<hbm>> -> memref<64x3xf32, #tpu.memory_space<hbm>>
      %dma_start3A_241 = arith.constant 0 : i32
      %dma_start3A_242 = arith.constant 0 : i32
      %dma_start3A_243 = tpu.memref_slice %arg6[%add3A_236, %dma_start3A_241, %dma_start3A_242] : memref<2048x64x3xf32, #tpu.memory_space<hbm>> -> memref<1x64x3xf32, #tpu.memory_space<hbm>>
      %dma_start3A_244 = tpu.memref_squeeze %dma_start3A_243 : memref<1x64x3xf32, #tpu.memory_space<hbm>> -> memref<64x3xf32, #tpu.memory_space<hbm>>
      tpu.enqueue_dma source(%arg14 : memref<64x3xf32, #tpu.memory_space<vmem>>) target(%dma_start3A_244 : memref<64x3xf32, #tpu.memory_space<hbm>>) target_semaphore(%arg22 : memref<!tpu.dma_semaphore, #tpu.memory_space<semaphore_mem>>)
      %add3A_245 = arith.constant 1 : i32
      %add3A_246 = arith.addi %mul3A_79, %add3A_245 : i32
      %add3A_247 = arith.addi %mul3A_2, %add3A_246 : i32
      %dma_wait3A_248 = arith.constant 0 : i32
      %dma_wait3A_249 = tpu.memref_slice %arg2[%add3A_247, %dma_wait3A_248] : memref<2048x512xi32, #tpu.memory_space<hbm>> -> memref<1x512xi32, #tpu.memory_space<hbm>>
      %dma_wait3A_250 = tpu.memref_squeeze %dma_wait3A_249 : memref<1x512xi32, #tpu.memory_space<hbm>> -> memref<512xi32, #tpu.memory_space<hbm>>
      %dma_wait3A_251 = arith.constant 0 : i32
      %dma_wait3A_252 = tpu.memref_slice %arg2[%add3A_247, %dma_wait3A_251] : memref<2048x512xi32, #tpu.memory_space<hbm>> -> memref<1x512xi32, #tpu.memory_space<hbm>>
      %dma_wait3A_253 = tpu.memref_squeeze %dma_wait3A_252 : memref<1x512xi32, #tpu.memory_space<hbm>> -> memref<512xi32, #tpu.memory_space<hbm>>
      tpu.wait_dma2 semaphore(%arg17 : memref<!tpu.dma_semaphore, #tpu.memory_space<semaphore_mem>>) src(%dma_wait3A_253 : memref<512xi32, #tpu.memory_space<hbm>>) dst(%arg8 : memref<512xi32, #tpu.memory_space<vmem>>)
      %add3A_254 = arith.constant 1 : i32
      %add3A_255 = arith.addi %scan3A_76, %add3A_254 : i32
      %lt3A = arith.constant 32 : i32
      %lt3A_256 = arith.cmpi slt, %add3A_255, %lt3A : i32
      %convert_element_type3A_257 = arith.extui %lt3A_256 : i1 to i32
      %cond3A_258 = arith.constant 0 : i32
      %cond3A_259 = arith.cmpi ne, %convert_element_type3A_257, %cond3A_258 : i32
      scf.if %cond3A_259 {
        %add3A_446 = arith.constant 1 : i32
        %add3A_447 = arith.addi %add3A_246, %add3A_446 : i32
        %add3A_448 = arith.addi %mul3A_2, %add3A_447 : i32
        %dma_start3A_449 = arith.constant 0 : i32
        %dma_start3A_450 = tpu.memref_slice %arg2[%add3A_448, %dma_start3A_449] : memref<2048x512xi32, #tpu.memory_space<hbm>> -> memref<1x512xi32, #tpu.memory_space<hbm>>
        %dma_start3A_451 = tpu.memref_squeeze %dma_start3A_450 : memref<1x512xi32, #tpu.memory_space<hbm>> -> memref<512xi32, #tpu.memory_space<hbm>>
        %dma_start3A_452 = arith.constant 0 : i32
        %dma_start3A_453 = tpu.memref_slice %arg2[%add3A_448, %dma_start3A_452] : memref<2048x512xi32, #tpu.memory_space<hbm>> -> memref<1x512xi32, #tpu.memory_space<hbm>>
        %dma_start3A_454 = tpu.memref_squeeze %dma_start3A_453 : memref<1x512xi32, #tpu.memory_space<hbm>> -> memref<512xi32, #tpu.memory_space<hbm>>
        tpu.enqueue_dma source(%dma_start3A_454 : memref<512xi32, #tpu.memory_space<hbm>>) target(%arg7 : memref<512xi32, #tpu.memory_space<vmem>>) target_semaphore(%arg16 : memref<!tpu.dma_semaphore, #tpu.memory_space<semaphore_mem>>)
      } else {
      }
      %swap3A_260 = arith.constant 0 : index
      %swap3A_261 = tpu.vector_load %arg11[%swap3A_260] {strides = array<i32>} : memref<80xi32, #tpu.memory_space<vmem>>, vector<16xi32>,
      tpu.vector_store %arg11[%swap3A_260], %broadcast_in_dim3A {strides = array<i32>} : memref<80xi32, #tpu.memory_space<vmem>>, vector<16xi32>,
      %swap3A_262 = arith.constant 16 : index
      %swap3A_263 = tpu.vector_load %arg11[%swap3A_262] {strides = array<i32>} : memref<80xi32, #tpu.memory_space<vmem>>, vector<16xi32>,
      tpu.vector_store %arg11[%swap3A_262], %broadcast_in_dim3A {strides = array<i32>} : memref<80xi32, #tpu.memory_space<vmem>>, vector<16xi32>,
      %swap3A_264 = arith.constant 32 : index
      %swap3A_265 = tpu.vector_load %arg11[%swap3A_264] {strides = array<i32>} : memref<80xi32, #tpu.memory_space<vmem>>, vector<16xi32>,
      tpu.vector_store %arg11[%swap3A_264], %broadcast_in_dim3A {strides = array<i32>} : memref<80xi32, #tpu.memory_space<vmem>>, vector<16xi32>,
      %swap3A_266 = arith.constant 48 : index
      %swap3A_267 = tpu.vector_load %arg11[%swap3A_266] {strides = array<i32>} : memref<80xi32, #tpu.memory_space<vmem>>, vector<16xi32>,
      tpu.vector_store %arg11[%swap3A_266], %broadcast_in_dim3A {strides = array<i32>} : memref<80xi32, #tpu.memory_space<vmem>>, vector<16xi32>,
      %swap3A_268 = arith.constant 64 : index
      %swap3A_269 = tpu.vector_load %arg11[%swap3A_268] {strides = array<i32>} : memref<80xi32, #tpu.memory_space<vmem>>, vector<16xi32>,
      tpu.vector_store %arg11[%swap3A_268], %broadcast_in_dim3A {strides = array<i32>} : memref<80xi32, #tpu.memory_space<vmem>>, vector<16xi32>,
      %scan3A_270 = arith.constant 0 : i32
      %scan3A_271 = arith.constant 0 : i32
      %scan3A_272 = arith.constant 8 : i32
      %scan3A_273 = arith.addi %scan3A_271, %scan3A_272 : i32
      %scan3A_274 = arith.constant 1 : i32
      %scan3A_275 = scf.for %scan3A_446 = %scan3A_271 to %scan3A_273 step %scan3A_274 iter_args(%scan3A_447 = %scan3A_270) -> (i32)  : i32 {
        %mul3A_448 = arith.constant 4 : i32
        %mul3A_449 = arith.muli %scan3A_446, %mul3A_448 : i32
        %add3A_450 = arith.constant 0 : i32
        %add3A_451 = arith.addi %mul3A_449, %add3A_450 : i32
        %mul3A_452 = arith.constant 16 : i32
        %mul3A_453 = arith.muli %add3A_451, %mul3A_452 : i32
        %get3A_454 = arith.index_cast %mul3A_453 : i32 to index
        %get3A_455 = tpu.vector_load %arg8[%get3A_454] {strides = array<i32>} : memref<512xi32, #tpu.memory_space<vmem>>, vector<16xi32>,
        %gt3A_456 = arith.constant 0 : i32
        %gt3A_457 = vector.broadcast %gt3A_456 : i32 to vector<16xi32>
        %gt3A_458 = arith.cmpi sgt, %get3A_455, %gt3A_457 : vector<16xi32>
        %sub3A_459 = arith.constant 1 : i32
        %sub3A_460 = vector.broadcast %sub3A_459 : i32 to vector<16xi32>
        %sub3A_461 = arith.subi %get3A_455, %sub3A_460 : vector<16xi32>
        %add3A_462 = arith.constant 64 : i32
        %add3A_463 = vector.broadcast %add3A_462 : i32 to vector<16xi32>
        %add3A_464 = arith.addi %add3A_463, %iota3A : vector<16xi32>
        %select_n3A_465 = arith.select %gt3A_458, %sub3A_461, %add3A_464 : vector<16xi1>, vector<16xi32>
        %mul3A_466 = arith.constant 16 : i32
        %mul3A_467 = arith.muli %add3A_451, %mul3A_466 : i32
        %add3A_468 = arith.addi %mul3A_467, %mul3A_20 : i32
        %add3A_469 = vector.broadcast %add3A_468 : i32 to vector<16xi32>
        %add3A_470 = arith.addi %iota3A, %add3A_469 : vector<16xi32>
        tpu.vector_store_idx %arg11[%select_n3A_465], %add3A_470 : memref<80xi32, #tpu.memory_space<vmem>>[vector<16xi32>], vector<16xi32>,
        %mul3A_471 = arith.constant 4 : i32
        %mul3A_472 = arith.muli %scan3A_446, %mul3A_471 : i32
        %add3A_473 = arith.constant 1 : i32
        %add3A_474 = arith.addi %mul3A_472, %add3A_473 : i32
        %mul3A_475 = arith.constant 16 : i32
        %mul3A_476 = arith.muli %add3A_474, %mul3A_475 : i32
        %get3A_477 = arith.index_cast %mul3A_476 : i32 to index
        %get3A_478 = tpu.vector_load %arg8[%get3A_477] {strides = array<i32>} : memref<512xi32, #tpu.memory_space<vmem>>, vector<16xi32>,
        %gt3A_479 = arith.constant 0 : i32
        %gt3A_480 = vector.broadcast %gt3A_479 : i32 to vector<16xi32>
        %gt3A_481 = arith.cmpi sgt, %get3A_478, %gt3A_480 : vector<16xi32>
        %sub3A_482 = arith.constant 1 : i32
        %sub3A_483 = vector.broadcast %sub3A_482 : i32 to vector<16xi32>
        %sub3A_484 = arith.subi %get3A_478, %sub3A_483 : vector<16xi32>
        %add3A_485 = arith.constant 64 : i32
        %add3A_486 = vector.broadcast %add3A_485 : i32 to vector<16xi32>
        %add3A_487 = arith.addi %add3A_486, %iota3A : vector<16xi32>
        %select_n3A_488 = arith.select %gt3A_481, %sub3A_484, %add3A_487 : vector<16xi1>, vector<16xi32>
        %mul3A_489 = arith.constant 16 : i32
        %mul3A_490 = arith.muli %add3A_474, %mul3A_489 : i32
        %add3A_491 = arith.addi %mul3A_490, %mul3A_20 : i32
        %add3A_492 = vector.broadcast %add3A_491 : i32 to vector<16xi32>
        %add3A_493 = arith.addi %iota3A, %add3A_492 : vector<16xi32>
        tpu.vector_store_idx %arg11[%select_n3A_488], %add3A_493 : memref<80xi32, #tpu.memory_space<vmem>>[vector<16xi32>], vector<16xi32>,
        %mul3A_494 = arith.constant 4 : i32
        %mul3A_495 = arith.muli %scan3A_446, %mul3A_494 : i32
        %add3A_496 = arith.constant 2 : i32
        %add3A_497 = arith.addi %mul3A_495, %add3A_496 : i32
        %mul3A_498 = arith.constant 16 : i32
        %mul3A_499 = arith.muli %add3A_497, %mul3A_498 : i32
        %get3A_500 = arith.index_cast %mul3A_499 : i32 to index
        %get3A_501 = tpu.vector_load %arg8[%get3A_500] {strides = array<i32>} : memref<512xi32, #tpu.memory_space<vmem>>, vector<16xi32>,
        %gt3A_502 = arith.constant 0 : i32
        %gt3A_503 = vector.broadcast %gt3A_502 : i32 to vector<16xi32>
        %gt3A_504 = arith.cmpi sgt, %get3A_501, %gt3A_503 : vector<16xi32>
        %sub3A_505 = arith.constant 1 : i32
        %sub3A_506 = vector.broadcast %sub3A_505 : i32 to vector<16xi32>
        %sub3A_507 = arith.subi %get3A_501, %sub3A_506 : vector<16xi32>
        %add3A_508 = arith.constant 64 : i32
        %add3A_509 = vector.broadcast %add3A_508 : i32 to vector<16xi32>
        %add3A_510 = arith.addi %add3A_509, %iota3A : vector<16xi32>
        %select_n3A_511 = arith.select %gt3A_504, %sub3A_507, %add3A_510 : vector<16xi1>, vector<16xi32>
        %mul3A_512 = arith.constant 16 : i32
        %mul3A_513 = arith.muli %add3A_497, %mul3A_512 : i32
        %add3A_514 = arith.addi %mul3A_513, %mul3A_20 : i32
        %add3A_515 = vector.broadcast %add3A_514 : i32 to vector<16xi32>
        %add3A_516 = arith.addi %iota3A, %add3A_515 : vector<16xi32>
        tpu.vector_store_idx %arg11[%select_n3A_511], %add3A_516 : memref<80xi32, #tpu.memory_space<vmem>>[vector<16xi32>], vector<16xi32>,
        %mul3A_517 = arith.constant 4 : i32
        %mul3A_518 = arith.muli %scan3A_446, %mul3A_517 : i32
        %add3A_519 = arith.constant 3 : i32
        %add3A_520 = arith.addi %mul3A_518, %add3A_519 : i32
        %mul3A_521 = arith.constant 16 : i32
        %mul3A_522 = arith.muli %add3A_520, %mul3A_521 : i32
        %get3A_523 = arith.index_cast %mul3A_522 : i32 to index
        %get3A_524 = tpu.vector_load %arg8[%get3A_523] {strides = array<i32>} : memref<512xi32, #tpu.memory_space<vmem>>, vector<16xi32>,
        %gt3A_525 = arith.constant 0 : i32
        %gt3A_526 = vector.broadcast %gt3A_525 : i32 to vector<16xi32>
        %gt3A_527 = arith.cmpi sgt, %get3A_524, %gt3A_526 : vector<16xi32>
        %sub3A_528 = arith.constant 1 : i32
        %sub3A_529 = vector.broadcast %sub3A_528 : i32 to vector<16xi32>
        %sub3A_530 = arith.subi %get3A_524, %sub3A_529 : vector<16xi32>
        %add3A_531 = arith.constant 64 : i32
        %add3A_532 = vector.broadcast %add3A_531 : i32 to vector<16xi32>
        %add3A_533 = arith.addi %add3A_532, %iota3A : vector<16xi32>
        %select_n3A_534 = arith.select %gt3A_527, %sub3A_530, %add3A_533 : vector<16xi1>, vector<16xi32>
        %mul3A_535 = arith.constant 16 : i32
        %mul3A_536 = arith.muli %add3A_520, %mul3A_535 : i32
        %add3A_537 = arith.addi %mul3A_536, %mul3A_20 : i32
        %add3A_538 = vector.broadcast %add3A_537 : i32 to vector<16xi32>
        %add3A_539 = arith.addi %iota3A, %add3A_538 : vector<16xi32>
        tpu.vector_store_idx %arg11[%select_n3A_534], %add3A_539 : memref<80xi32, #tpu.memory_space<vmem>>[vector<16xi32>], vector<16xi32>,
        %scan3A_540 = arith.constant 0 : i32
        scf.yield %scan3A_540 : i32
      }
      %scan3A_276 = arith.constant 8 : i32
      %gt3A_277 = arith.constant 0 : i32
      %gt3A_278 = arith.cmpi sgt, %scan3A_76, %gt3A_277 : i32
      %convert_element_type3A_279 = arith.extui %gt3A_278 : i1 to i32
      %cond3A_280 = arith.constant 0 : i32
      %cond3A_281 = arith.cmpi ne, %convert_element_type3A_279, %cond3A_280 : i32
      scf.if %cond3A_281 {
        %sub3A_446 = arith.constant 2 : i32
        %sub3A_447 = arith.subi %add3A_246, %sub3A_446 : i32
        %add3A_448 = arith.addi %mul3A_2, %sub3A_447 : i32
        %dma_wait3A_449 = arith.constant 0 : i32
        %dma_wait3A_450 = arith.constant 0 : i32
        %dma_wait3A_451 = tpu.memref_slice %arg5[%add3A_448, %dma_wait3A_449, %dma_wait3A_450] : memref<2048x64x128xf32, #tpu.memory_space<hbm>> -> memref<1x64x128xf32, #tpu.memory_space<hbm>>
        %dma_wait3A_452 = tpu.memref_squeeze %dma_wait3A_451 : memref<1x64x128xf32, #tpu.memory_space<hbm>> -> memref<64x128xf32, #tpu.memory_space<hbm>>
        %dma_wait3A_453 = arith.constant 0 : i32
        %dma_wait3A_454 = arith.constant 0 : i32
        %dma_wait3A_455 = tpu.memref_slice %arg5[%add3A_448, %dma_wait3A_453, %dma_wait3A_454] : memref<2048x64x128xf32, #tpu.memory_space<hbm>> -> memref<1x64x128xf32, #tpu.memory_space<hbm>>
        %dma_wait3A_456 = tpu.memref_squeeze %dma_wait3A_455 : memref<1x64x128xf32, #tpu.memory_space<hbm>> -> memref<64x128xf32, #tpu.memory_space<hbm>>
        tpu.wait_dma2 semaphore(%arg21 : memref<!tpu.dma_semaphore, #tpu.memory_space<semaphore_mem>>) src(%arg13 : memref<64x128xf32, #tpu.memory_space<vmem>>) dst(%dma_wait3A_456 : memref<64x128xf32, #tpu.memory_space<hbm>>)
      } else {
      }
      %dma_start3A_282 = arith.constant 0 : i32
      %dma_start3A_283 = tpu.memref_slice %arg11[%dma_start3A_282] : memref<80xi32, #tpu.memory_space<vmem>> -> memref<64xi32, #tpu.memory_space<vmem>>
      %dma_start3A_284 = arith.constant 0 : i32
      %dma_start3A_285 = arith.constant 0 : i32
      %dma_start3A_286 = tpu.memref_slice %arg3[%dma_start3A_284, %dma_start3A_285] : memref<8192x128xf32, #tpu.memory_space<hbm>> -> memref<8192x128xf32, #tpu.memory_space<hbm>>
      tpu.enqueue_indirect_dma source(%dma_start3A_286 : memref<8192x128xf32, #tpu.memory_space<hbm>>) target(%arg13 : memref<64x128xf32, #tpu.memory_space<vmem>>) offsets(%dma_start3A_283 : memref<64xi32, #tpu.memory_space<vmem>>) semaphore(%arg19 : memref<!tpu.dma_semaphore, #tpu.memory_space<semaphore_mem>>)
      %gt3A_287 = arith.constant 0 : i32
      %gt3A_288 = arith.cmpi sgt, %scan3A_76, %gt3A_287 : i32
      %convert_element_type3A_289 = arith.extui %gt3A_288 : i1 to i32
      %cond3A_290 = arith.constant 0 : i32
      %cond3A_291 = arith.cmpi ne, %convert_element_type3A_289, %cond3A_290 : i32
      scf.if %cond3A_291 {
        %sub3A_446 = arith.constant 2 : i32
        %sub3A_447 = arith.subi %add3A_246, %sub3A_446 : i32
        %add3A_448 = arith.addi %mul3A_2, %sub3A_447 : i32
        %dma_wait3A_449 = arith.constant 0 : i32
        %dma_wait3A_450 = arith.constant 0 : i32
        %dma_wait3A_451 = tpu.memref_slice %arg6[%add3A_448, %dma_wait3A_449, %dma_wait3A_450] : memref<2048x64x3xf32, #tpu.memory_space<hbm>> -> memref<1x64x3xf32, #tpu.memory_space<hbm>>
        %dma_wait3A_452 = tpu.memref_squeeze %dma_wait3A_451 : memref<1x64x3xf32, #tpu.memory_space<hbm>> -> memref<64x3xf32, #tpu.memory_space<hbm>>
        %dma_wait3A_453 = arith.constant 0 : i32
        %dma_wait3A_454 = arith.constant 0 : i32
        %dma_wait3A_455 = tpu.memref_slice %arg6[%add3A_448, %dma_wait3A_453, %dma_wait3A_454] : memref<2048x64x3xf32, #tpu.memory_space<hbm>> -> memref<1x64x3xf32, #tpu.memory_space<hbm>>
        %dma_wait3A_456 = tpu.memref_squeeze %dma_wait3A_455 : memref<1x64x3xf32, #tpu.memory_space<hbm>> -> memref<64x3xf32, #tpu.memory_space<hbm>>
        tpu.wait_dma2 semaphore(%arg23 : memref<!tpu.dma_semaphore, #tpu.memory_space<semaphore_mem>>) src(%arg15 : memref<64x3xf32, #tpu.memory_space<vmem>>) dst(%dma_wait3A_456 : memref<64x3xf32, #tpu.memory_space<hbm>>)
      } else {
      }
      %add3A_292 = arith.constant 0 : i32
      %add3A_293 = vector.broadcast %add3A_292 : i32 to vector<16xi32>
      %add3A_294 = arith.addi %iota3A, %add3A_293 : vector<16xi32>
      %get3A_295 = arith.constant 0 : index
      %get3A_296 = tpu.vector_load %arg11[%get3A_295] {strides = array<i32>} : memref<80xi32, #tpu.memory_space<vmem>>, vector<16xi32>,
      %sub3A_297 = vector.broadcast %mul3A_20 : i32 to vector<16xi32>
      %sub3A_298 = arith.subi %get3A_296, %sub3A_297 : vector<16xi32>
      %mul3A_299 = arith.constant 3 : i32
      %mul3A_300 = vector.broadcast %mul3A_299 : i32 to vector<16xi32>
      %mul3A_301 = arith.muli %sub3A_298, %mul3A_300 : vector<16xi32>
      %add3A_302 = arith.constant 0 : i32
      %add3A_303 = vector.broadcast %add3A_302 : i32 to vector<16xi32>
      %add3A_304 = arith.addi %mul3A_301, %add3A_303 : vector<16xi32>
      %gather3A_305 = tpu.vector_load_idx %arg9[%add3A_304] : memref<1536xf32, #tpu.memory_space<vmem>>[vector<16xi32>], vector<16xf32>,
      %broadcast_in_dim3A_306 = arith.constant 0 : i32
      %broadcast_in_dim3A_307 = vector.broadcast %broadcast_in_dim3A_306 : i32 to vector<16xi32>
      tpu.vector_store_idx %arg15[%add3A_294, %broadcast_in_dim3A_307], %gather3A_305 : memref<64x3xf32, #tpu.memory_space<vmem>>[vector<16xi32>, vector<16xi32>], vector<16xf32>,
      %add3A_308 = arith.constant 1 : i32
      %add3A_309 = vector.broadcast %add3A_308 : i32 to vector<16xi32>
      %add3A_310 = arith.addi %mul3A_301, %add3A_309 : vector<16xi32>
      %gather3A_311 = tpu.vector_load_idx %arg9[%add3A_310] : memref<1536xf32, #tpu.memory_space<vmem>>[vector<16xi32>], vector<16xf32>,
      %broadcast_in_dim3A_312 = arith.constant 1 : i32
      %broadcast_in_dim3A_313 = vector.broadcast %broadcast_in_dim3A_312 : i32 to vector<16xi32>
      tpu.vector_store_idx %arg15[%add3A_294, %broadcast_in_dim3A_313], %gather3A_311 : memref<64x3xf32, #tpu.memory_space<vmem>>[vector<16xi32>, vector<16xi32>], vector<16xf32>,
      %add3A_314 = arith.constant 2 : i32
      %add3A_315 = vector.broadcast %add3A_314 : i32 to vector<16xi32>
      %add3A_316 = arith.addi %mul3A_301, %add3A_315 : vector<16xi32>
      %gather3A_317 = tpu.vector_load_idx %arg9[%add3A_316] : memref<1536xf32, #tpu.memory_space<vmem>>[vector<16xi32>], vector<16xf32>,
      %broadcast_in_dim3A_318 = arith.constant 2 : i32
      %broadcast_in_dim3A_319 = vector.broadcast %broadcast_in_dim3A_318 : i32 to vector<16xi32>
      tpu.vector_store_idx %arg15[%add3A_294, %broadcast_in_dim3A_319], %gather3A_317 : memref<64x3xf32, #tpu.memory_space<vmem>>[vector<16xi32>, vector<16xi32>], vector<16xf32>,
      %add3A_320 = arith.constant 16 : i32
      %add3A_321 = vector.broadcast %add3A_320 : i32 to vector<16xi32>
      %add3A_322 = arith.addi %iota3A, %add3A_321 : vector<16xi32>
      %get3A_323 = arith.constant 16 : index
      %get3A_324 = tpu.vector_load %arg11[%get3A_323] {strides = array<i32>} : memref<80xi32, #tpu.memory_space<vmem>>, vector<16xi32>,
      %sub3A_325 = vector.broadcast %mul3A_20 : i32 to vector<16xi32>
      %sub3A_326 = arith.subi %get3A_324, %sub3A_325 : vector<16xi32>
      %mul3A_327 = arith.constant 3 : i32
      %mul3A_328 = vector.broadcast %mul3A_327 : i32 to vector<16xi32>
      %mul3A_329 = arith.muli %sub3A_326, %mul3A_328 : vector<16xi32>
      %add3A_330 = arith.constant 0 : i32
      %add3A_331 = vector.broadcast %add3A_330 : i32 to vector<16xi32>
      %add3A_332 = arith.addi %mul3A_329, %add3A_331 : vector<16xi32>
      %gather3A_333 = tpu.vector_load_idx %arg9[%add3A_332] : memref<1536xf32, #tpu.memory_space<vmem>>[vector<16xi32>], vector<16xf32>,
      %broadcast_in_dim3A_334 = arith.constant 0 : i32
      %broadcast_in_dim3A_335 = vector.broadcast %broadcast_in_dim3A_334 : i32 to vector<16xi32>
      tpu.vector_store_idx %arg15[%add3A_322, %broadcast_in_dim3A_335], %gather3A_333 : memref<64x3xf32, #tpu.memory_space<vmem>>[vector<16xi32>, vector<16xi32>], vector<16xf32>,
      %add3A_336 = arith.constant 1 : i32
      %add3A_337 = vector.broadcast %add3A_336 : i32 to vector<16xi32>
      %add3A_338 = arith.addi %mul3A_329, %add3A_337 : vector<16xi32>
      %gather3A_339 = tpu.vector_load_idx %arg9[%add3A_338] : memref<1536xf32, #tpu.memory_space<vmem>>[vector<16xi32>], vector<16xf32>,
      %broadcast_in_dim3A_340 = arith.constant 1 : i32
      %broadcast_in_dim3A_341 = vector.broadcast %broadcast_in_dim3A_340 : i32 to vector<16xi32>
      tpu.vector_store_idx %arg15[%add3A_322, %broadcast_in_dim3A_341], %gather3A_339 : memref<64x3xf32, #tpu.memory_space<vmem>>[vector<16xi32>, vector<16xi32>], vector<16xf32>,
      %add3A_342 = arith.constant 2 : i32
      %add3A_343 = vector.broadcast %add3A_342 : i32 to vector<16xi32>
      %add3A_344 = arith.addi %mul3A_329, %add3A_343 : vector<16xi32>
      %gather3A_345 = tpu.vector_load_idx %arg9[%add3A_344] : memref<1536xf32, #tpu.memory_space<vmem>>[vector<16xi32>], vector<16xf32>,
      %broadcast_in_dim3A_346 = arith.constant 2 : i32
      %broadcast_in_dim3A_347 = vector.broadcast %broadcast_in_dim3A_346 : i32 to vector<16xi32>
      tpu.vector_store_idx %arg15[%add3A_322, %broadcast_in_dim3A_347], %gather3A_345 : memref<64x3xf32, #tpu.memory_space<vmem>>[vector<16xi32>, vector<16xi32>], vector<16xf32>,
      %add3A_348 = arith.constant 32 : i32
      %add3A_349 = vector.broadcast %add3A_348 : i32 to vector<16xi32>
      %add3A_350 = arith.addi %iota3A, %add3A_349 : vector<16xi32>
      %get3A_351 = arith.constant 32 : index
      %get3A_352 = tpu.vector_load %arg11[%get3A_351] {strides = array<i32>} : memref<80xi32, #tpu.memory_space<vmem>>, vector<16xi32>,
      %sub3A_353 = vector.broadcast %mul3A_20 : i32 to vector<16xi32>
      %sub3A_354 = arith.subi %get3A_352, %sub3A_353 : vector<16xi32>
      %mul3A_355 = arith.constant 3 : i32
      %mul3A_356 = vector.broadcast %mul3A_355 : i32 to vector<16xi32>
      %mul3A_357 = arith.muli %sub3A_354, %mul3A_356 : vector<16xi32>
      %add3A_358 = arith.constant 0 : i32
      %add3A_359 = vector.broadcast %add3A_358 : i32 to vector<16xi32>
      %add3A_360 = arith.addi %mul3A_357, %add3A_359 : vector<16xi32>
      %gather3A_361 = tpu.vector_load_idx %arg9[%add3A_360] : memref<1536xf32, #tpu.memory_space<vmem>>[vector<16xi32>], vector<16xf32>,
      %broadcast_in_dim3A_362 = arith.constant 0 : i32
      %broadcast_in_dim3A_363 = vector.broadcast %broadcast_in_dim3A_362 : i32 to vector<16xi32>
      tpu.vector_store_idx %arg15[%add3A_350, %broadcast_in_dim3A_363], %gather3A_361 : memref<64x3xf32, #tpu.memory_space<vmem>>[vector<16xi32>, vector<16xi32>], vector<16xf32>,
      %add3A_364 = arith.constant 1 : i32
      %add3A_365 = vector.broadcast %add3A_364 : i32 to vector<16xi32>
      %add3A_366 = arith.addi %mul3A_357, %add3A_365 : vector<16xi32>
      %gather3A_367 = tpu.vector_load_idx %arg9[%add3A_366] : memref<1536xf32, #tpu.memory_space<vmem>>[vector<16xi32>], vector<16xf32>,
      %broadcast_in_dim3A_368 = arith.constant 1 : i32
      %broadcast_in_dim3A_369 = vector.broadcast %broadcast_in_dim3A_368 : i32 to vector<16xi32>
      tpu.vector_store_idx %arg15[%add3A_350, %broadcast_in_dim3A_369], %gather3A_367 : memref<64x3xf32, #tpu.memory_space<vmem>>[vector<16xi32>, vector<16xi32>], vector<16xf32>,
      %add3A_370 = arith.constant 2 : i32
      %add3A_371 = vector.broadcast %add3A_370 : i32 to vector<16xi32>
      %add3A_372 = arith.addi %mul3A_357, %add3A_371 : vector<16xi32>
      %gather3A_373 = tpu.vector_load_idx %arg9[%add3A_372] : memref<1536xf32, #tpu.memory_space<vmem>>[vector<16xi32>], vector<16xf32>,
      %broadcast_in_dim3A_374 = arith.constant 2 : i32
      %broadcast_in_dim3A_375 = vector.broadcast %broadcast_in_dim3A_374 : i32 to vector<16xi32>
      tpu.vector_store_idx %arg15[%add3A_350, %broadcast_in_dim3A_375], %gather3A_373 : memref<64x3xf32, #tpu.memory_space<vmem>>[vector<16xi32>, vector<16xi32>], vector<16xf32>,
      %add3A_376 = arith.constant 48 : i32
      %add3A_377 = vector.broadcast %add3A_376 : i32 to vector<16xi32>
      %add3A_378 = arith.addi %iota3A, %add3A_377 : vector<16xi32>
      %get3A_379 = arith.constant 48 : index
      %get3A_380 = tpu.vector_load %arg11[%get3A_379] {strides = array<i32>} : memref<80xi32, #tpu.memory_space<vmem>>, vector<16xi32>,
      %sub3A_381 = vector.broadcast %mul3A_20 : i32 to vector<16xi32>
      %sub3A_382 = arith.subi %get3A_380, %sub3A_381 : vector<16xi32>
      %mul3A_383 = arith.constant 3 : i32
      %mul3A_384 = vector.broadcast %mul3A_383 : i32 to vector<16xi32>
      %mul3A_385 = arith.muli %sub3A_382, %mul3A_384 : vector<16xi32>
      %add3A_386 = arith.constant 0 : i32
      %add3A_387 = vector.broadcast %add3A_386 : i32 to vector<16xi32>
      %add3A_388 = arith.addi %mul3A_385, %add3A_387 : vector<16xi32>
      %gather3A_389 = tpu.vector_load_idx %arg9[%add3A_388] : memref<1536xf32, #tpu.memory_space<vmem>>[vector<16xi32>], vector<16xf32>,
      %broadcast_in_dim3A_390 = arith.constant 0 : i32
      %broadcast_in_dim3A_391 = vector.broadcast %broadcast_in_dim3A_390 : i32 to vector<16xi32>
      tpu.vector_store_idx %arg15[%add3A_378, %broadcast_in_dim3A_391], %gather3A_389 : memref<64x3xf32, #tpu.memory_space<vmem>>[vector<16xi32>, vector<16xi32>], vector<16xf32>,
      %add3A_392 = arith.constant 1 : i32
      %add3A_393 = vector.broadcast %add3A_392 : i32 to vector<16xi32>
      %add3A_394 = arith.addi %mul3A_385, %add3A_393 : vector<16xi32>
      %gather3A_395 = tpu.vector_load_idx %arg9[%add3A_394] : memref<1536xf32, #tpu.memory_space<vmem>>[vector<16xi32>], vector<16xf32>,
      %broadcast_in_dim3A_396 = arith.constant 1 : i32
      %broadcast_in_dim3A_397 = vector.broadcast %broadcast_in_dim3A_396 : i32 to vector<16xi32>
      tpu.vector_store_idx %arg15[%add3A_378, %broadcast_in_dim3A_397], %gather3A_395 : memref<64x3xf32, #tpu.memory_space<vmem>>[vector<16xi32>, vector<16xi32>], vector<16xf32>,
      %add3A_398 = arith.constant 2 : i32
      %add3A_399 = vector.broadcast %add3A_398 : i32 to vector<16xi32>
      %add3A_400 = arith.addi %mul3A_385, %add3A_399 : vector<16xi32>
      %gather3A_401 = tpu.vector_load_idx %arg9[%add3A_400] : memref<1536xf32, #tpu.memory_space<vmem>>[vector<16xi32>], vector<16xf32>,
      %broadcast_in_dim3A_402 = arith.constant 2 : i32
      %broadcast_in_dim3A_403 = vector.broadcast %broadcast_in_dim3A_402 : i32 to vector<16xi32>
      tpu.vector_store_idx %arg15[%add3A_378, %broadcast_in_dim3A_403], %gather3A_401 : memref<64x3xf32, #tpu.memory_space<vmem>>[vector<16xi32>, vector<16xi32>], vector<16xf32>,
      %add3A_404 = arith.addi %mul3A_2, %add3A_246 : i32
      %dma_start3A_405 = arith.constant 0 : i32
      %dma_start3A_406 = arith.constant 0 : i32
      %dma_start3A_407 = tpu.memref_slice %arg6[%add3A_404, %dma_start3A_405, %dma_start3A_406] : memref<2048x64x3xf32, #tpu.memory_space<hbm>> -> memref<1x64x3xf32, #tpu.memory_space<hbm>>
      %dma_start3A_408 = tpu.memref_squeeze %dma_start3A_407 : memref<1x64x3xf32, #tpu.memory_space<hbm>> -> memref<64x3xf32, #tpu.memory_space<hbm>>
      %dma_start3A_409 = arith.constant 0 : i32
      %dma_start3A_410 = arith.constant 0 : i32
      %dma_start3A_411 = tpu.memref_slice %arg6[%add3A_404, %dma_start3A_409, %dma_start3A_410] : memref<2048x64x3xf32, #tpu.memory_space<hbm>> -> memref<1x64x3xf32, #tpu.memory_space<hbm>>
      %dma_start3A_412 = tpu.memref_squeeze %dma_start3A_411 : memref<1x64x3xf32, #tpu.memory_space<hbm>> -> memref<64x3xf32, #tpu.memory_space<hbm>>
      tpu.enqueue_dma source(%arg15 : memref<64x3xf32, #tpu.memory_space<vmem>>) target(%dma_start3A_412 : memref<64x3xf32, #tpu.memory_space<hbm>>) target_semaphore(%arg23 : memref<!tpu.dma_semaphore, #tpu.memory_space<semaphore_mem>>)
      %dma_wait3A_413 = arith.constant 0 : i32
      %dma_wait3A_414 = tpu.memref_slice %arg10[%dma_wait3A_413] : memref<80xi32, #tpu.memory_space<vmem>> -> memref<64xi32, #tpu.memory_space<vmem>>
      %dma_wait3A_415 = arith.constant 0 : i32
      %dma_wait3A_416 = arith.constant 0 : i32
      %dma_wait3A_417 = tpu.memref_slice %arg3[%dma_wait3A_415, %dma_wait3A_416] : memref<8192x128xf32, #tpu.memory_space<hbm>> -> memref<8192x128xf32, #tpu.memory_space<hbm>>
      tpu.wait_indirect_dma semaphore(%arg18 : memref<!tpu.dma_semaphore, #tpu.memory_space<semaphore_mem>>) src(%dma_wait3A_417 : memref<8192x128xf32, #tpu.memory_space<hbm>>) dst(%arg12 : memref<64x128xf32, #tpu.memory_space<vmem>>)
      %add3A_418 = arith.constant 0 : i32
      %add3A_419 = arith.addi %mul3A_79, %add3A_418 : i32
      %add3A_420 = arith.addi %mul3A_2, %add3A_419 : i32
      %dma_start3A_421 = arith.constant 0 : i32
      %dma_start3A_422 = arith.constant 0 : i32
      %dma_start3A_423 = tpu.memref_slice %arg5[%add3A_420, %dma_start3A_421, %dma_start3A_422] : memref<2048x64x128xf32, #tpu.memory_space<hbm>> -> memref<1x64x128xf32, #tpu.memory_space<hbm>>
      %dma_start3A_424 = tpu.memref_squeeze %dma_start3A_423 : memref<1x64x128xf32, #tpu.memory_space<hbm>> -> memref<64x128xf32, #tpu.memory_space<hbm>>
      %dma_start3A_425 = arith.constant 0 : i32
      %dma_start3A_426 = arith.constant 0 : i32
      %dma_start3A_427 = tpu.memref_slice %arg5[%add3A_420, %dma_start3A_425, %dma_start3A_426] : memref<2048x64x128xf32, #tpu.memory_space<hbm>> -> memref<1x64x128xf32, #tpu.memory_space<hbm>>
      %dma_start3A_428 = tpu.memref_squeeze %dma_start3A_427 : memref<1x64x128xf32, #tpu.memory_space<hbm>> -> memref<64x128xf32, #tpu.memory_space<hbm>>
      tpu.enqueue_dma source(%arg12 : memref<64x128xf32, #tpu.memory_space<vmem>>) target(%dma_start3A_428 : memref<64x128xf32, #tpu.memory_space<hbm>>) target_semaphore(%arg20 : memref<!tpu.dma_semaphore, #tpu.memory_space<semaphore_mem>>)
      %dma_wait3A_429 = arith.constant 0 : i32
      %dma_wait3A_430 = tpu.memref_slice %arg11[%dma_wait3A_429] : memref<80xi32, #tpu.memory_space<vmem>> -> memref<64xi32, #tpu.memory_space<vmem>>
      %dma_wait3A_431 = arith.constant 0 : i32
      %dma_wait3A_432 = arith.constant 0 : i32
      %dma_wait3A_433 = tpu.memref_slice %arg3[%dma_wait3A_431, %dma_wait3A_432] : memref<8192x128xf32, #tpu.memory_space<hbm>> -> memref<8192x128xf32, #tpu.memory_space<hbm>>
      tpu.wait_indirect_dma semaphore(%arg19 : memref<!tpu.dma_semaphore, #tpu.memory_space<semaphore_mem>>) src(%dma_wait3A_433 : memref<8192x128xf32, #tpu.memory_space<hbm>>) dst(%arg13 : memref<64x128xf32, #tpu.memory_space<vmem>>)
      %add3A_434 = arith.constant 1 : i32
      %add3A_435 = arith.addi %mul3A_79, %add3A_434 : i32
      %add3A_436 = arith.addi %mul3A_2, %add3A_435 : i32
      %dma_start3A_437 = arith.constant 0 : i32
      %dma_start3A_438 = arith.constant 0 : i32
      %dma_start3A_439 = tpu.memref_slice %arg5[%add3A_436, %dma_start3A_437, %dma_start3A_438] : memref<2048x64x128xf32, #tpu.memory_space<hbm>> -> memref<1x64x128xf32, #tpu.memory_space<hbm>>
      %dma_start3A_440 = tpu.memref_squeeze %dma_start3A_439 : memref<1x64x128xf32, #tpu.memory_space<hbm>> -> memref<64x128xf32, #tpu.memory_space<hbm>>
      %dma_start3A_441 = arith.constant 0 : i32
      %dma_start3A_442 = arith.constant 0 : i32
      %dma_start3A_443 = tpu.memref_slice %arg5[%add3A_436, %dma_start3A_441, %dma_start3A_442] : memref<2048x64x128xf32, #tpu.memory_space<hbm>> -> memref<1x64x128xf32, #tpu.memory_space<hbm>>
      %dma_start3A_444 = tpu.memref_squeeze %dma_start3A_443 : memref<1x64x128xf32, #tpu.memory_space<hbm>> -> memref<64x128xf32, #tpu.memory_space<hbm>>
      tpu.enqueue_dma source(%arg13 : memref<64x128xf32, #tpu.memory_space<vmem>>) target(%dma_start3A_444 : memref<64x128xf32, #tpu.memory_space<hbm>>) target_semaphore(%arg21 : memref<!tpu.dma_semaphore, #tpu.memory_space<semaphore_mem>>)
      %scan3A_445 = arith.constant 0 : i32
      scf.yield %scan3A_445 : i32
    }
    %scan3A_36 = arith.constant 32 : i32
    %add3A_37 = arith.constant 62 : i32
    %add3A_38 = arith.addi %mul3A_2, %add3A_37 : i32
    %dma_wait3A = arith.constant 0 : i32
    %dma_wait3A_39 = arith.constant 0 : i32
    %dma_wait3A_40 = tpu.memref_slice %arg6[%add3A_38, %dma_wait3A, %dma_wait3A_39] : memref<2048x64x3xf32, #tpu.memory_space<hbm>> -> memref<1x64x3xf32, #tpu.memory_space<hbm>>
    %dma_wait3A_41 = tpu.memref_squeeze %dma_wait3A_40 : memref<1x64x3xf32, #tpu.memory_space<hbm>> -> memref<64x3xf32, #tpu.memory_space<hbm>>
    %dma_wait3A_42 = arith.constant 0 : i32
    %dma_wait3A_43 = arith.constant 0 : i32
    %dma_wait3A_44 = tpu.memref_slice %arg6[%add3A_38, %dma_wait3A_42, %dma_wait3A_43] : memref<2048x64x3xf32, #tpu.memory_space<hbm>> -> memref<1x64x3xf32, #tpu.memory_space<hbm>>
    %dma_wait3A_45 = tpu.memref_squeeze %dma_wait3A_44 : memref<1x64x3xf32, #tpu.memory_space<hbm>> -> memref<64x3xf32, #tpu.memory_space<hbm>>
    tpu.wait_dma2 semaphore(%arg22 : memref<!tpu.dma_semaphore, #tpu.memory_space<semaphore_mem>>) src(%arg14 : memref<64x3xf32, #tpu.memory_space<vmem>>) dst(%dma_wait3A_45 : memref<64x3xf32, #tpu.memory_space<hbm>>)
    %add3A_46 = arith.constant 63 : i32
    %add3A_47 = arith.addi %mul3A_2, %add3A_46 : i32
    %dma_wait3A_48 = arith.constant 0 : i32
    %dma_wait3A_49 = arith.constant 0 : i32
    %dma_wait3A_50 = tpu.memref_slice %arg6[%add3A_47, %dma_wait3A_48, %dma_wait3A_49] : memref<2048x64x3xf32, #tpu.memory_space<hbm>> -> memref<1x64x3xf32, #tpu.memory_space<hbm>>
    %dma_wait3A_51 = tpu.memref_squeeze %dma_wait3A_50 : memref<1x64x3xf32, #tpu.memory_space<hbm>> -> memref<64x3xf32, #tpu.memory_space<hbm>>
    %dma_wait3A_52 = arith.constant 0 : i32
    %dma_wait3A_53 = arith.constant 0 : i32
    %dma_wait3A_54 = tpu.memref_slice %arg6[%add3A_47, %dma_wait3A_52, %dma_wait3A_53] : memref<2048x64x3xf32, #tpu.memory_space<hbm>> -> memref<1x64x3xf32, #tpu.memory_space<hbm>>
    %dma_wait3A_55 = tpu.memref_squeeze %dma_wait3A_54 : memref<1x64x3xf32, #tpu.memory_space<hbm>> -> memref<64x3xf32, #tpu.memory_space<hbm>>
    tpu.wait_dma2 semaphore(%arg23 : memref<!tpu.dma_semaphore, #tpu.memory_space<semaphore_mem>>) src(%arg15 : memref<64x3xf32, #tpu.memory_space<vmem>>) dst(%dma_wait3A_55 : memref<64x3xf32, #tpu.memory_space<hbm>>)
    %add3A_56 = arith.constant 62 : i32
    %add3A_57 = arith.addi %mul3A_2, %add3A_56 : i32
    %dma_wait3A_58 = arith.constant 0 : i32
    %dma_wait3A_59 = arith.constant 0 : i32
    %dma_wait3A_60 = tpu.memref_slice %arg5[%add3A_57, %dma_wait3A_58, %dma_wait3A_59] : memref<2048x64x128xf32, #tpu.memory_space<hbm>> -> memref<1x64x128xf32, #tpu.memory_space<hbm>>
    %dma_wait3A_61 = tpu.memref_squeeze %dma_wait3A_60 : memref<1x64x128xf32, #tpu.memory_space<hbm>> -> memref<64x128xf32, #tpu.memory_space<hbm>>
    %dma_wait3A_62 = arith.constant 0 : i32
    %dma_wait3A_63 = arith.constant 0 : i32
    %dma_wait3A_64 = tpu.memref_slice %arg5[%add3A_57, %dma_wait3A_62, %dma_wait3A_63] : memref<2048x64x128xf32, #tpu.memory_space<hbm>> -> memref<1x64x128xf32, #tpu.memory_space<hbm>>
    %dma_wait3A_65 = tpu.memref_squeeze %dma_wait3A_64 : memref<1x64x128xf32, #tpu.memory_space<hbm>> -> memref<64x128xf32, #tpu.memory_space<hbm>>
    tpu.wait_dma2 semaphore(%arg20 : memref<!tpu.dma_semaphore, #tpu.memory_space<semaphore_mem>>) src(%arg12 : memref<64x128xf32, #tpu.memory_space<vmem>>) dst(%dma_wait3A_65 : memref<64x128xf32, #tpu.memory_space<hbm>>)
    %add3A_66 = arith.constant 63 : i32
    %add3A_67 = arith.addi %mul3A_2, %add3A_66 : i32
    %dma_wait3A_68 = arith.constant 0 : i32
    %dma_wait3A_69 = arith.constant 0 : i32
    %dma_wait3A_70 = tpu.memref_slice %arg5[%add3A_67, %dma_wait3A_68, %dma_wait3A_69] : memref<2048x64x128xf32, #tpu.memory_space<hbm>> -> memref<1x64x128xf32, #tpu.memory_space<hbm>>
    %dma_wait3A_71 = tpu.memref_squeeze %dma_wait3A_70 : memref<1x64x128xf32, #tpu.memory_space<hbm>> -> memref<64x128xf32, #tpu.memory_space<hbm>>
    %dma_wait3A_72 = arith.constant 0 : i32
    %dma_wait3A_73 = arith.constant 0 : i32
    %dma_wait3A_74 = tpu.memref_slice %arg5[%add3A_67, %dma_wait3A_72, %dma_wait3A_73] : memref<2048x64x128xf32, #tpu.memory_space<hbm>> -> memref<1x64x128xf32, #tpu.memory_space<hbm>>
    %dma_wait3A_75 = tpu.memref_squeeze %dma_wait3A_74 : memref<1x64x128xf32, #tpu.memory_space<hbm>> -> memref<64x128xf32, #tpu.memory_space<hbm>>
    tpu.wait_dma2 semaphore(%arg21 : memref<!tpu.dma_semaphore, #tpu.memory_space<semaphore_mem>>) src(%arg13 : memref<64x128xf32, #tpu.memory_space<vmem>>) dst(%dma_wait3A_75 : memref<64x128xf32, #tpu.memory_space<hbm>>)
    return
  }
}

#map = affine_map<(d0, d1) -> (0, 0)>
#map1 = affine_map<(d0, d1) -> (0, 0, 0)>
module attributes {stable_mosaic.version = 14 : i64} {
  func.func @_compact_kernel(%arg0: i32, %arg1: i32, %arg2: memref<8192x1024xi32, #tpu.memory_space<hbm>>, %arg3: memref<16x3072xf32, #tpu.memory_space<hbm>>, %arg4: memref<8192x64x3xf32, #tpu.memory_space<hbm>>, %arg5: memref<1024xi32, #tpu.memory_space<vmem>>, %arg6: memref<1024xi32, #tpu.memory_space<vmem>>, %arg7: memref<3072xf32, #tpu.memory_space<vmem>>, %arg8: memref<80xi32, #tpu.memory_space<vmem>>, %arg9: memref<80xi32, #tpu.memory_space<vmem>>, %arg10: memref<64x3xf32, #tpu.memory_space<vmem>>, %arg11: memref<64x3xf32, #tpu.memory_space<vmem>>, %arg12: memref<!tpu.dma_semaphore, #tpu.memory_space<semaphore_mem>>, %arg13: memref<!tpu.dma_semaphore, #tpu.memory_space<semaphore_mem>>, %arg14: memref<!tpu.dma_semaphore, #tpu.memory_space<semaphore_mem>>, %arg15: memref<!tpu.dma_semaphore, #tpu.memory_space<semaphore_mem>>) attributes {dimension_semantics = [#tpu.dimension_semantics<core_parallel>, #tpu.dimension_semantics<subcore_parallel>], iteration_bounds = array<i64: 2, 16>, scalar_prefetch = 0 : i64, scratch_operands = 11 : i64, tpu.core_type = #tpu.core_type<sc_vector_subcore>, window_params = [{transform_indices = #map}, {transform_indices = #map}, {transform_indices = #map1}]} {
    %mul3A = arith.constant 2 : i32
    %mul3A_0 = arith.muli %arg1, %mul3A : i32
    %add3A = arith.addi %mul3A_0, %arg0 : i32
    %mul3A_1 = arith.constant 256 : i32
    %mul3A_2 = arith.muli %add3A, %mul3A_1 : i32
    %jit3A = arith.constant 512 : i32
    %div3A = arith.divsi %mul3A_2, %jit3A : i32
    %sign3A = arith.constant 0 : i32
    %sign3A_3 = arith.cmpi sgt, %mul3A_2, %sign3A : i32
    %sign3A_4 = arith.extui %sign3A_3 : i1 to i32
    %sign3A_5 = arith.constant 0 : i32
    %sign3A_6 = arith.cmpi slt, %mul3A_2, %sign3A_5 : i32
    %sign3A_7 = arith.extui %sign3A_6 : i1 to i32
    %sign3A_8 = arith.subi %sign3A_4, %sign3A_7 : i32
    %sign3A_9 = arith.constant 0 : i32
    %sign3A_10 = arith.cmpi sgt, %jit3A, %sign3A_9 : i32
    %sign3A_11 = arith.extui %sign3A_10 : i1 to i32
    %sign3A_12 = arith.constant 0 : i32
    %sign3A_13 = arith.cmpi slt, %jit3A, %sign3A_12 : i32
    %sign3A_14 = arith.extui %sign3A_13 : i1 to i32
    %sign3A_15 = arith.subi %sign3A_11, %sign3A_14 : i32
    %ne3A = arith.cmpi ne, %sign3A_8, %sign3A_15 : i32
    %rem3A = arith.remsi %mul3A_2, %jit3A : i32
    %ne3A_16 = arith.constant 0 : i32
    %ne3A_17 = arith.cmpi ne, %rem3A, %ne3A_16 : i32
    %and3A = arith.andi %ne3A, %ne3A_17 : i1
    %sub3A = arith.constant 1 : i32
    %sub3A_18 = arith.subi %div3A, %sub3A : i32
    %select_n3A = arith.select %and3A, %sub3A_18, %div3A : i32
    "tpu.region"() ({
      %run_scoped3A = tpu.sem_alloc : memref<!tpu.dma_semaphore, #tpu.memory_space<semaphore_mem>>
      %dma_start3A_55 = arith.constant 0 : i32
      %dma_start3A_56 = tpu.memref_slice %arg3[%select_n3A, %dma_start3A_55] : memref<16x3072xf32, #tpu.memory_space<hbm>> -> memref<1x3072xf32, #tpu.memory_space<hbm>>
      %dma_start3A_57 = tpu.memref_squeeze %dma_start3A_56 : memref<1x3072xf32, #tpu.memory_space<hbm>> -> memref<3072xf32, #tpu.memory_space<hbm>>
      %dma_start3A_58 = arith.constant 0 : i32
      %dma_start3A_59 = tpu.memref_slice %arg3[%select_n3A, %dma_start3A_58] : memref<16x3072xf32, #tpu.memory_space<hbm>> -> memref<1x3072xf32, #tpu.memory_space<hbm>>
      %dma_start3A_60 = tpu.memref_squeeze %dma_start3A_59 : memref<1x3072xf32, #tpu.memory_space<hbm>> -> memref<3072xf32, #tpu.memory_space<hbm>>
      tpu.enqueue_dma source(%dma_start3A_60 : memref<3072xf32, #tpu.memory_space<hbm>>) target(%arg7 : memref<3072xf32, #tpu.memory_space<vmem>>) target_semaphore(%run_scoped3A : memref<!tpu.dma_semaphore, #tpu.memory_space<semaphore_mem>>)
      %dma_wait3A_61 = arith.constant 0 : i32
      %dma_wait3A_62 = tpu.memref_slice %arg3[%select_n3A, %dma_wait3A_61] : memref<16x3072xf32, #tpu.memory_space<hbm>> -> memref<1x3072xf32, #tpu.memory_space<hbm>>
      %dma_wait3A_63 = tpu.memref_squeeze %dma_wait3A_62 : memref<1x3072xf32, #tpu.memory_space<hbm>> -> memref<3072xf32, #tpu.memory_space<hbm>>
      %dma_wait3A_64 = arith.constant 0 : i32
      %dma_wait3A_65 = tpu.memref_slice %arg3[%select_n3A, %dma_wait3A_64] : memref<16x3072xf32, #tpu.memory_space<hbm>> -> memref<1x3072xf32, #tpu.memory_space<hbm>>
      %dma_wait3A_66 = tpu.memref_squeeze %dma_wait3A_65 : memref<1x3072xf32, #tpu.memory_space<hbm>> -> memref<3072xf32, #tpu.memory_space<hbm>>
      tpu.wait_dma2 semaphore(%run_scoped3A : memref<!tpu.dma_semaphore, #tpu.memory_space<semaphore_mem>>) src(%dma_wait3A_66 : memref<3072xf32, #tpu.memory_space<hbm>>) dst(%arg7 : memref<3072xf32, #tpu.memory_space<vmem>>)
      tpu.yield
    }) : () -> ()
    %iota3A = tpu.iota {dimensions = array<i32: 0>} : vector<16xi32>
    %mul3A_19 = arith.constant 3 : i32
    %mul3A_20 = vector.broadcast %mul3A_19 : i32 to vector<16xi32>
    %mul3A_21 = arith.muli %iota3A, %mul3A_20 : vector<16xi32>
    %broadcast_in_dim3A = arith.constant 0 : i32
    %broadcast_in_dim3A_22 = vector.broadcast %broadcast_in_dim3A : i32 to vector<16xi32>
    %add3A_23 = arith.constant 0 : i32
    %add3A_24 = arith.addi %mul3A_2, %add3A_23 : i32
    %dma_start3A = arith.constant 0 : i32
    %dma_start3A_25 = tpu.memref_slice %arg2[%add3A_24, %dma_start3A] : memref<8192x1024xi32, #tpu.memory_space<hbm>> -> memref<1x1024xi32, #tpu.memory_space<hbm>>
    %dma_start3A_26 = tpu.memref_squeeze %dma_start3A_25 : memref<1x1024xi32, #tpu.memory_space<hbm>> -> memref<1024xi32, #tpu.memory_space<hbm>>
    %dma_start3A_27 = arith.constant 0 : i32
    %dma_start3A_28 = tpu.memref_slice %arg2[%add3A_24, %dma_start3A_27] : memref<8192x1024xi32, #tpu.memory_space<hbm>> -> memref<1x1024xi32, #tpu.memory_space<hbm>>
    %dma_start3A_29 = tpu.memref_squeeze %dma_start3A_28 : memref<1x1024xi32, #tpu.memory_space<hbm>> -> memref<1024xi32, #tpu.memory_space<hbm>>
    tpu.enqueue_dma source(%dma_start3A_29 : memref<1024xi32, #tpu.memory_space<hbm>>) target(%arg5 : memref<1024xi32, #tpu.memory_space<vmem>>) target_semaphore(%arg12 : memref<!tpu.dma_semaphore, #tpu.memory_space<semaphore_mem>>)
    %scan3A = arith.constant 0 : i32
    %scan3A_30 = arith.constant 0 : i32
    %scan3A_31 = arith.constant 128 : i32
    %scan3A_32 = arith.addi %scan3A_30, %scan3A_31 : i32
    %scan3A_33 = arith.constant 1 : i32
    %scan3A_34 = scf.for %scan3A_55 = %scan3A_30 to %scan3A_32 step %scan3A_33 iter_args(%scan3A_56 = %scan3A) -> (i32)  : i32 {
      %mul3A_57 = arith.constant 2 : i32
      %mul3A_58 = arith.muli %scan3A_55, %mul3A_57 : i32
      %add3A_59 = arith.constant 0 : i32
      %add3A_60 = arith.addi %mul3A_58, %add3A_59 : i32
      %add3A_61 = arith.addi %mul3A_2, %add3A_60 : i32
      %dma_wait3A_62 = arith.constant 0 : i32
      %dma_wait3A_63 = tpu.memref_slice %arg2[%add3A_61, %dma_wait3A_62] : memref<8192x1024xi32, #tpu.memory_space<hbm>> -> memref<1x1024xi32, #tpu.memory_space<hbm>>
      %dma_wait3A_64 = tpu.memref_squeeze %dma_wait3A_63 : memref<1x1024xi32, #tpu.memory_space<hbm>> -> memref<1024xi32, #tpu.memory_space<hbm>>
      %dma_wait3A_65 = arith.constant 0 : i32
      %dma_wait3A_66 = tpu.memref_slice %arg2[%add3A_61, %dma_wait3A_65] : memref<8192x1024xi32, #tpu.memory_space<hbm>> -> memref<1x1024xi32, #tpu.memory_space<hbm>>
      %dma_wait3A_67 = tpu.memref_squeeze %dma_wait3A_66 : memref<1x1024xi32, #tpu.memory_space<hbm>> -> memref<1024xi32, #tpu.memory_space<hbm>>
      tpu.wait_dma2 semaphore(%arg12 : memref<!tpu.dma_semaphore, #tpu.memory_space<semaphore_mem>>) src(%dma_wait3A_67 : memref<1024xi32, #tpu.memory_space<hbm>>) dst(%arg5 : memref<1024xi32, #tpu.memory_space<vmem>>)
      %add3A_68 = arith.constant 1 : i32
      %add3A_69 = arith.addi %add3A_60, %add3A_68 : i32
      %add3A_70 = arith.addi %mul3A_2, %add3A_69 : i32
      %dma_start3A_71 = arith.constant 0 : i32
      %dma_start3A_72 = tpu.memref_slice %arg2[%add3A_70, %dma_start3A_71] : memref<8192x1024xi32, #tpu.memory_space<hbm>> -> memref<1x1024xi32, #tpu.memory_space<hbm>>
      %dma_start3A_73 = tpu.memref_squeeze %dma_start3A_72 : memref<1x1024xi32, #tpu.memory_space<hbm>> -> memref<1024xi32, #tpu.memory_space<hbm>>
      %dma_start3A_74 = arith.constant 0 : i32
      %dma_start3A_75 = tpu.memref_slice %arg2[%add3A_70, %dma_start3A_74] : memref<8192x1024xi32, #tpu.memory_space<hbm>> -> memref<1x1024xi32, #tpu.memory_space<hbm>>
      %dma_start3A_76 = tpu.memref_squeeze %dma_start3A_75 : memref<1x1024xi32, #tpu.memory_space<hbm>> -> memref<1024xi32, #tpu.memory_space<hbm>>
      tpu.enqueue_dma source(%dma_start3A_76 : memref<1024xi32, #tpu.memory_space<hbm>>) target(%arg6 : memref<1024xi32, #tpu.memory_space<vmem>>) target_semaphore(%arg13 : memref<!tpu.dma_semaphore, #tpu.memory_space<semaphore_mem>>)
      %swap3A = arith.constant 0 : index
      %swap3A_77 = tpu.vector_load %arg8[%swap3A] {strides = array<i32>} : memref<80xi32, #tpu.memory_space<vmem>>, vector<16xi32>,
      tpu.vector_store %arg8[%swap3A], %broadcast_in_dim3A_22 {strides = array<i32>} : memref<80xi32, #tpu.memory_space<vmem>>, vector<16xi32>,
      %swap3A_78 = arith.constant 16 : index
      %swap3A_79 = tpu.vector_load %arg8[%swap3A_78] {strides = array<i32>} : memref<80xi32, #tpu.memory_space<vmem>>, vector<16xi32>,
      tpu.vector_store %arg8[%swap3A_78], %broadcast_in_dim3A_22 {strides = array<i32>} : memref<80xi32, #tpu.memory_space<vmem>>, vector<16xi32>,
      %swap3A_80 = arith.constant 32 : index
      %swap3A_81 = tpu.vector_load %arg8[%swap3A_80] {strides = array<i32>} : memref<80xi32, #tpu.memory_space<vmem>>, vector<16xi32>,
      tpu.vector_store %arg8[%swap3A_80], %broadcast_in_dim3A_22 {strides = array<i32>} : memref<80xi32, #tpu.memory_space<vmem>>, vector<16xi32>,
      %swap3A_82 = arith.constant 48 : index
      %swap3A_83 = tpu.vector_load %arg8[%swap3A_82] {strides = array<i32>} : memref<80xi32, #tpu.memory_space<vmem>>, vector<16xi32>,
      tpu.vector_store %arg8[%swap3A_82], %broadcast_in_dim3A_22 {strides = array<i32>} : memref<80xi32, #tpu.memory_space<vmem>>, vector<16xi32>,
      %swap3A_84 = arith.constant 64 : index
      %swap3A_85 = tpu.vector_load %arg8[%swap3A_84] {strides = array<i32>} : memref<80xi32, #tpu.memory_space<vmem>>, vector<16xi32>,
      tpu.vector_store %arg8[%swap3A_84], %broadcast_in_dim3A_22 {strides = array<i32>} : memref<80xi32, #tpu.memory_space<vmem>>, vector<16xi32>,
      %scan3A_86 = arith.constant 0 : i32
      %scan3A_87 = arith.constant 0 : i32
      %scan3A_88 = arith.constant 16 : i32
      %scan3A_89 = arith.addi %scan3A_87, %scan3A_88 : i32
      %scan3A_90 = arith.constant 1 : i32
      %scan3A_91 = scf.for %scan3A_381 = %scan3A_87 to %scan3A_89 step %scan3A_90 iter_args(%scan3A_382 = %scan3A_86) -> (i32)  : i32 {
        %mul3A_383 = arith.constant 4 : i32
        %mul3A_384 = arith.muli %scan3A_381, %mul3A_383 : i32
        %add3A_385 = arith.constant 0 : i32
        %add3A_386 = arith.addi %mul3A_384, %add3A_385 : i32
        %mul3A_387 = arith.constant 16 : i32
        %mul3A_388 = arith.muli %add3A_386, %mul3A_387 : i32
        %get3A_389 = arith.index_cast %mul3A_388 : i32 to index
        %get3A_390 = tpu.vector_load %arg5[%get3A_389] {strides = array<i32>} : memref<1024xi32, #tpu.memory_space<vmem>>, vector<16xi32>,
        %gt3A_391 = arith.constant 0 : i32
        %gt3A_392 = vector.broadcast %gt3A_391 : i32 to vector<16xi32>
        %gt3A_393 = arith.cmpi sgt, %get3A_390, %gt3A_392 : vector<16xi32>
        %sub3A_394 = arith.constant 1 : i32
        %sub3A_395 = vector.broadcast %sub3A_394 : i32 to vector<16xi32>
        %sub3A_396 = arith.subi %get3A_390, %sub3A_395 : vector<16xi32>
        %add3A_397 = arith.constant 64 : i32
        %add3A_398 = vector.broadcast %add3A_397 : i32 to vector<16xi32>
        %add3A_399 = arith.addi %add3A_398, %iota3A : vector<16xi32>
        %select_n3A_400 = arith.select %gt3A_393, %sub3A_396, %add3A_399 : vector<16xi1>, vector<16xi32>
        %mul3A_401 = arith.constant 16 : i32
        %mul3A_402 = arith.muli %add3A_386, %mul3A_401 : i32
        %add3A_403 = arith.constant 0 : i32
        %add3A_404 = arith.addi %mul3A_402, %add3A_403 : i32
        %add3A_405 = vector.broadcast %add3A_404 : i32 to vector<16xi32>
        %add3A_406 = arith.addi %iota3A, %add3A_405 : vector<16xi32>
        tpu.vector_store_idx %arg8[%select_n3A_400], %add3A_406 : memref<80xi32, #tpu.memory_space<vmem>>[vector<16xi32>], vector<16xi32>,
        %mul3A_407 = arith.constant 4 : i32
        %mul3A_408 = arith.muli %scan3A_381, %mul3A_407 : i32
        %add3A_409 = arith.constant 1 : i32
        %add3A_410 = arith.addi %mul3A_408, %add3A_409 : i32
        %mul3A_411 = arith.constant 16 : i32
        %mul3A_412 = arith.muli %add3A_410, %mul3A_411 : i32
        %get3A_413 = arith.index_cast %mul3A_412 : i32 to index
        %get3A_414 = tpu.vector_load %arg5[%get3A_413] {strides = array<i32>} : memref<1024xi32, #tpu.memory_space<vmem>>, vector<16xi32>,
        %gt3A_415 = arith.constant 0 : i32
        %gt3A_416 = vector.broadcast %gt3A_415 : i32 to vector<16xi32>
        %gt3A_417 = arith.cmpi sgt, %get3A_414, %gt3A_416 : vector<16xi32>
        %sub3A_418 = arith.constant 1 : i32
        %sub3A_419 = vector.broadcast %sub3A_418 : i32 to vector<16xi32>
        %sub3A_420 = arith.subi %get3A_414, %sub3A_419 : vector<16xi32>
        %add3A_421 = arith.constant 64 : i32
        %add3A_422 = vector.broadcast %add3A_421 : i32 to vector<16xi32>
        %add3A_423 = arith.addi %add3A_422, %iota3A : vector<16xi32>
        %select_n3A_424 = arith.select %gt3A_417, %sub3A_420, %add3A_423 : vector<16xi1>, vector<16xi32>
        %mul3A_425 = arith.constant 16 : i32
        %mul3A_426 = arith.muli %add3A_410, %mul3A_425 : i32
        %add3A_427 = arith.constant 0 : i32
        %add3A_428 = arith.addi %mul3A_426, %add3A_427 : i32
        %add3A_429 = vector.broadcast %add3A_428 : i32 to vector<16xi32>
        %add3A_430 = arith.addi %iota3A, %add3A_429 : vector<16xi32>
        tpu.vector_store_idx %arg8[%select_n3A_424], %add3A_430 : memref<80xi32, #tpu.memory_space<vmem>>[vector<16xi32>], vector<16xi32>,
        %mul3A_431 = arith.constant 4 : i32
        %mul3A_432 = arith.muli %scan3A_381, %mul3A_431 : i32
        %add3A_433 = arith.constant 2 : i32
        %add3A_434 = arith.addi %mul3A_432, %add3A_433 : i32
        %mul3A_435 = arith.constant 16 : i32
        %mul3A_436 = arith.muli %add3A_434, %mul3A_435 : i32
        %get3A_437 = arith.index_cast %mul3A_436 : i32 to index
        %get3A_438 = tpu.vector_load %arg5[%get3A_437] {strides = array<i32>} : memref<1024xi32, #tpu.memory_space<vmem>>, vector<16xi32>,
        %gt3A_439 = arith.constant 0 : i32
        %gt3A_440 = vector.broadcast %gt3A_439 : i32 to vector<16xi32>
        %gt3A_441 = arith.cmpi sgt, %get3A_438, %gt3A_440 : vector<16xi32>
        %sub3A_442 = arith.constant 1 : i32
        %sub3A_443 = vector.broadcast %sub3A_442 : i32 to vector<16xi32>
        %sub3A_444 = arith.subi %get3A_438, %sub3A_443 : vector<16xi32>
        %add3A_445 = arith.constant 64 : i32
        %add3A_446 = vector.broadcast %add3A_445 : i32 to vector<16xi32>
        %add3A_447 = arith.addi %add3A_446, %iota3A : vector<16xi32>
        %select_n3A_448 = arith.select %gt3A_441, %sub3A_444, %add3A_447 : vector<16xi1>, vector<16xi32>
        %mul3A_449 = arith.constant 16 : i32
        %mul3A_450 = arith.muli %add3A_434, %mul3A_449 : i32
        %add3A_451 = arith.constant 0 : i32
        %add3A_452 = arith.addi %mul3A_450, %add3A_451 : i32
        %add3A_453 = vector.broadcast %add3A_452 : i32 to vector<16xi32>
        %add3A_454 = arith.addi %iota3A, %add3A_453 : vector<16xi32>
        tpu.vector_store_idx %arg8[%select_n3A_448], %add3A_454 : memref<80xi32, #tpu.memory_space<vmem>>[vector<16xi32>], vector<16xi32>,
        %mul3A_455 = arith.constant 4 : i32
        %mul3A_456 = arith.muli %scan3A_381, %mul3A_455 : i32
        %add3A_457 = arith.constant 3 : i32
        %add3A_458 = arith.addi %mul3A_456, %add3A_457 : i32
        %mul3A_459 = arith.constant 16 : i32
        %mul3A_460 = arith.muli %add3A_458, %mul3A_459 : i32
        %get3A_461 = arith.index_cast %mul3A_460 : i32 to index
        %get3A_462 = tpu.vector_load %arg5[%get3A_461] {strides = array<i32>} : memref<1024xi32, #tpu.memory_space<vmem>>, vector<16xi32>,
        %gt3A_463 = arith.constant 0 : i32
        %gt3A_464 = vector.broadcast %gt3A_463 : i32 to vector<16xi32>
        %gt3A_465 = arith.cmpi sgt, %get3A_462, %gt3A_464 : vector<16xi32>
        %sub3A_466 = arith.constant 1 : i32
        %sub3A_467 = vector.broadcast %sub3A_466 : i32 to vector<16xi32>
        %sub3A_468 = arith.subi %get3A_462, %sub3A_467 : vector<16xi32>
        %add3A_469 = arith.constant 64 : i32
        %add3A_470 = vector.broadcast %add3A_469 : i32 to vector<16xi32>
        %add3A_471 = arith.addi %add3A_470, %iota3A : vector<16xi32>
        %select_n3A_472 = arith.select %gt3A_465, %sub3A_468, %add3A_471 : vector<16xi1>, vector<16xi32>
        %mul3A_473 = arith.constant 16 : i32
        %mul3A_474 = arith.muli %add3A_458, %mul3A_473 : i32
        %add3A_475 = arith.constant 0 : i32
        %add3A_476 = arith.addi %mul3A_474, %add3A_475 : i32
        %add3A_477 = vector.broadcast %add3A_476 : i32 to vector<16xi32>
        %add3A_478 = arith.addi %iota3A, %add3A_477 : vector<16xi32>
        tpu.vector_store_idx %arg8[%select_n3A_472], %add3A_478 : memref<80xi32, #tpu.memory_space<vmem>>[vector<16xi32>], vector<16xi32>,
        %scan3A_479 = arith.constant 0 : i32
        scf.yield %scan3A_479 : i32
      }
      %scan3A_92 = arith.constant 16 : i32
      %gt3A = arith.constant 0 : i32
      %gt3A_93 = arith.cmpi sgt, %scan3A_55, %gt3A : i32
      %convert_element_type3A = arith.extui %gt3A_93 : i1 to i32
      %cond3A = arith.constant 0 : i32
      %cond3A_94 = arith.cmpi ne, %convert_element_type3A, %cond3A : i32
      scf.if %cond3A_94 {
        %sub3A_381 = arith.constant 2 : i32
        %sub3A_382 = arith.subi %add3A_60, %sub3A_381 : i32
        %add3A_383 = arith.addi %mul3A_2, %sub3A_382 : i32
        %dma_wait3A_384 = arith.constant 0 : i32
        %dma_wait3A_385 = arith.constant 0 : i32
        %dma_wait3A_386 = tpu.memref_slice %arg4[%add3A_383, %dma_wait3A_384, %dma_wait3A_385] : memref<8192x64x3xf32, #tpu.memory_space<hbm>> -> memref<1x64x3xf32, #tpu.memory_space<hbm>>
        %dma_wait3A_387 = tpu.memref_squeeze %dma_wait3A_386 : memref<1x64x3xf32, #tpu.memory_space<hbm>> -> memref<64x3xf32, #tpu.memory_space<hbm>>
        %dma_wait3A_388 = arith.constant 0 : i32
        %dma_wait3A_389 = arith.constant 0 : i32
        %dma_wait3A_390 = tpu.memref_slice %arg4[%add3A_383, %dma_wait3A_388, %dma_wait3A_389] : memref<8192x64x3xf32, #tpu.memory_space<hbm>> -> memref<1x64x3xf32, #tpu.memory_space<hbm>>
        %dma_wait3A_391 = tpu.memref_squeeze %dma_wait3A_390 : memref<1x64x3xf32, #tpu.memory_space<hbm>> -> memref<64x3xf32, #tpu.memory_space<hbm>>
        tpu.wait_dma2 semaphore(%arg14 : memref<!tpu.dma_semaphore, #tpu.memory_space<semaphore_mem>>) src(%arg10 : memref<64x3xf32, #tpu.memory_space<vmem>>) dst(%dma_wait3A_391 : memref<64x3xf32, #tpu.memory_space<hbm>>)
      } else {
      }
      %add3A_95 = arith.constant 0 : i32
      %add3A_96 = vector.broadcast %add3A_95 : i32 to vector<16xi32>
      %add3A_97 = arith.addi %iota3A, %add3A_96 : vector<16xi32>
      %get3A = arith.constant 0 : index
      %get3A_98 = tpu.vector_load %arg8[%get3A] {strides = array<i32>} : memref<80xi32, #tpu.memory_space<vmem>>, vector<16xi32>,
      %sub3A_99 = arith.constant 0 : i32
      %sub3A_100 = vector.broadcast %sub3A_99 : i32 to vector<16xi32>
      %sub3A_101 = arith.subi %get3A_98, %sub3A_100 : vector<16xi32>
      %mul3A_102 = arith.constant 3 : i32
      %mul3A_103 = vector.broadcast %mul3A_102 : i32 to vector<16xi32>
      %mul3A_104 = arith.muli %sub3A_101, %mul3A_103 : vector<16xi32>
      %add3A_105 = arith.constant 0 : i32
      %add3A_106 = vector.broadcast %add3A_105 : i32 to vector<16xi32>
      %add3A_107 = arith.addi %mul3A_104, %add3A_106 : vector<16xi32>
      %gather3A = tpu.vector_load_idx %arg7[%add3A_107] : memref<3072xf32, #tpu.memory_space<vmem>>[vector<16xi32>], vector<16xf32>,
      %broadcast_in_dim3A_108 = arith.constant 0 : i32
      %broadcast_in_dim3A_109 = vector.broadcast %broadcast_in_dim3A_108 : i32 to vector<16xi32>
      tpu.vector_store_idx %arg10[%add3A_97, %broadcast_in_dim3A_109], %gather3A : memref<64x3xf32, #tpu.memory_space<vmem>>[vector<16xi32>, vector<16xi32>], vector<16xf32>,
      %add3A_110 = arith.constant 1 : i32
      %add3A_111 = vector.broadcast %add3A_110 : i32 to vector<16xi32>
      %add3A_112 = arith.addi %mul3A_104, %add3A_111 : vector<16xi32>
      %gather3A_113 = tpu.vector_load_idx %arg7[%add3A_112] : memref<3072xf32, #tpu.memory_space<vmem>>[vector<16xi32>], vector<16xf32>,
      %broadcast_in_dim3A_114 = arith.constant 1 : i32
      %broadcast_in_dim3A_115 = vector.broadcast %broadcast_in_dim3A_114 : i32 to vector<16xi32>
      tpu.vector_store_idx %arg10[%add3A_97, %broadcast_in_dim3A_115], %gather3A_113 : memref<64x3xf32, #tpu.memory_space<vmem>>[vector<16xi32>, vector<16xi32>], vector<16xf32>,
      %add3A_116 = arith.constant 2 : i32
      %add3A_117 = vector.broadcast %add3A_116 : i32 to vector<16xi32>
      %add3A_118 = arith.addi %mul3A_104, %add3A_117 : vector<16xi32>
      %gather3A_119 = tpu.vector_load_idx %arg7[%add3A_118] : memref<3072xf32, #tpu.memory_space<vmem>>[vector<16xi32>], vector<16xf32>,
      %broadcast_in_dim3A_120 = arith.constant 2 : i32
      %broadcast_in_dim3A_121 = vector.broadcast %broadcast_in_dim3A_120 : i32 to vector<16xi32>
      tpu.vector_store_idx %arg10[%add3A_97, %broadcast_in_dim3A_121], %gather3A_119 : memref<64x3xf32, #tpu.memory_space<vmem>>[vector<16xi32>, vector<16xi32>], vector<16xf32>,
      %add3A_122 = arith.constant 16 : i32
      %add3A_123 = vector.broadcast %add3A_122 : i32 to vector<16xi32>
      %add3A_124 = arith.addi %iota3A, %add3A_123 : vector<16xi32>
      %get3A_125 = arith.constant 16 : index
      %get3A_126 = tpu.vector_load %arg8[%get3A_125] {strides = array<i32>} : memref<80xi32, #tpu.memory_space<vmem>>, vector<16xi32>,
      %sub3A_127 = arith.constant 0 : i32
      %sub3A_128 = vector.broadcast %sub3A_127 : i32 to vector<16xi32>
      %sub3A_129 = arith.subi %get3A_126, %sub3A_128 : vector<16xi32>
      %mul3A_130 = arith.constant 3 : i32
      %mul3A_131 = vector.broadcast %mul3A_130 : i32 to vector<16xi32>
      %mul3A_132 = arith.muli %sub3A_129, %mul3A_131 : vector<16xi32>
      %add3A_133 = arith.constant 0 : i32
      %add3A_134 = vector.broadcast %add3A_133 : i32 to vector<16xi32>
      %add3A_135 = arith.addi %mul3A_132, %add3A_134 : vector<16xi32>
      %gather3A_136 = tpu.vector_load_idx %arg7[%add3A_135] : memref<3072xf32, #tpu.memory_space<vmem>>[vector<16xi32>], vector<16xf32>,
      %broadcast_in_dim3A_137 = arith.constant 0 : i32
      %broadcast_in_dim3A_138 = vector.broadcast %broadcast_in_dim3A_137 : i32 to vector<16xi32>
      tpu.vector_store_idx %arg10[%add3A_124, %broadcast_in_dim3A_138], %gather3A_136 : memref<64x3xf32, #tpu.memory_space<vmem>>[vector<16xi32>, vector<16xi32>], vector<16xf32>,
      %add3A_139 = arith.constant 1 : i32
      %add3A_140 = vector.broadcast %add3A_139 : i32 to vector<16xi32>
      %add3A_141 = arith.addi %mul3A_132, %add3A_140 : vector<16xi32>
      %gather3A_142 = tpu.vector_load_idx %arg7[%add3A_141] : memref<3072xf32, #tpu.memory_space<vmem>>[vector<16xi32>], vector<16xf32>,
      %broadcast_in_dim3A_143 = arith.constant 1 : i32
      %broadcast_in_dim3A_144 = vector.broadcast %broadcast_in_dim3A_143 : i32 to vector<16xi32>
      tpu.vector_store_idx %arg10[%add3A_124, %broadcast_in_dim3A_144], %gather3A_142 : memref<64x3xf32, #tpu.memory_space<vmem>>[vector<16xi32>, vector<16xi32>], vector<16xf32>,
      %add3A_145 = arith.constant 2 : i32
      %add3A_146 = vector.broadcast %add3A_145 : i32 to vector<16xi32>
      %add3A_147 = arith.addi %mul3A_132, %add3A_146 : vector<16xi32>
      %gather3A_148 = tpu.vector_load_idx %arg7[%add3A_147] : memref<3072xf32, #tpu.memory_space<vmem>>[vector<16xi32>], vector<16xf32>,
      %broadcast_in_dim3A_149 = arith.constant 2 : i32
      %broadcast_in_dim3A_150 = vector.broadcast %broadcast_in_dim3A_149 : i32 to vector<16xi32>
      tpu.vector_store_idx %arg10[%add3A_124, %broadcast_in_dim3A_150], %gather3A_148 : memref<64x3xf32, #tpu.memory_space<vmem>>[vector<16xi32>, vector<16xi32>], vector<16xf32>,
      %add3A_151 = arith.constant 32 : i32
      %add3A_152 = vector.broadcast %add3A_151 : i32 to vector<16xi32>
      %add3A_153 = arith.addi %iota3A, %add3A_152 : vector<16xi32>
      %get3A_154 = arith.constant 32 : index
      %get3A_155 = tpu.vector_load %arg8[%get3A_154] {strides = array<i32>} : memref<80xi32, #tpu.memory_space<vmem>>, vector<16xi32>,
      %sub3A_156 = arith.constant 0 : i32
      %sub3A_157 = vector.broadcast %sub3A_156 : i32 to vector<16xi32>
      %sub3A_158 = arith.subi %get3A_155, %sub3A_157 : vector<16xi32>
      %mul3A_159 = arith.constant 3 : i32
      %mul3A_160 = vector.broadcast %mul3A_159 : i32 to vector<16xi32>
      %mul3A_161 = arith.muli %sub3A_158, %mul3A_160 : vector<16xi32>
      %add3A_162 = arith.constant 0 : i32
      %add3A_163 = vector.broadcast %add3A_162 : i32 to vector<16xi32>
      %add3A_164 = arith.addi %mul3A_161, %add3A_163 : vector<16xi32>
      %gather3A_165 = tpu.vector_load_idx %arg7[%add3A_164] : memref<3072xf32, #tpu.memory_space<vmem>>[vector<16xi32>], vector<16xf32>,
      %broadcast_in_dim3A_166 = arith.constant 0 : i32
      %broadcast_in_dim3A_167 = vector.broadcast %broadcast_in_dim3A_166 : i32 to vector<16xi32>
      tpu.vector_store_idx %arg10[%add3A_153, %broadcast_in_dim3A_167], %gather3A_165 : memref<64x3xf32, #tpu.memory_space<vmem>>[vector<16xi32>, vector<16xi32>], vector<16xf32>,
      %add3A_168 = arith.constant 1 : i32
      %add3A_169 = vector.broadcast %add3A_168 : i32 to vector<16xi32>
      %add3A_170 = arith.addi %mul3A_161, %add3A_169 : vector<16xi32>
      %gather3A_171 = tpu.vector_load_idx %arg7[%add3A_170] : memref<3072xf32, #tpu.memory_space<vmem>>[vector<16xi32>], vector<16xf32>,
      %broadcast_in_dim3A_172 = arith.constant 1 : i32
      %broadcast_in_dim3A_173 = vector.broadcast %broadcast_in_dim3A_172 : i32 to vector<16xi32>
      tpu.vector_store_idx %arg10[%add3A_153, %broadcast_in_dim3A_173], %gather3A_171 : memref<64x3xf32, #tpu.memory_space<vmem>>[vector<16xi32>, vector<16xi32>], vector<16xf32>,
      %add3A_174 = arith.constant 2 : i32
      %add3A_175 = vector.broadcast %add3A_174 : i32 to vector<16xi32>
      %add3A_176 = arith.addi %mul3A_161, %add3A_175 : vector<16xi32>
      %gather3A_177 = tpu.vector_load_idx %arg7[%add3A_176] : memref<3072xf32, #tpu.memory_space<vmem>>[vector<16xi32>], vector<16xf32>,
      %broadcast_in_dim3A_178 = arith.constant 2 : i32
      %broadcast_in_dim3A_179 = vector.broadcast %broadcast_in_dim3A_178 : i32 to vector<16xi32>
      tpu.vector_store_idx %arg10[%add3A_153, %broadcast_in_dim3A_179], %gather3A_177 : memref<64x3xf32, #tpu.memory_space<vmem>>[vector<16xi32>, vector<16xi32>], vector<16xf32>,
      %add3A_180 = arith.constant 48 : i32
      %add3A_181 = vector.broadcast %add3A_180 : i32 to vector<16xi32>
      %add3A_182 = arith.addi %iota3A, %add3A_181 : vector<16xi32>
      %get3A_183 = arith.constant 48 : index
      %get3A_184 = tpu.vector_load %arg8[%get3A_183] {strides = array<i32>} : memref<80xi32, #tpu.memory_space<vmem>>, vector<16xi32>,
      %sub3A_185 = arith.constant 0 : i32
      %sub3A_186 = vector.broadcast %sub3A_185 : i32 to vector<16xi32>
      %sub3A_187 = arith.subi %get3A_184, %sub3A_186 : vector<16xi32>
      %mul3A_188 = arith.constant 3 : i32
      %mul3A_189 = vector.broadcast %mul3A_188 : i32 to vector<16xi32>
      %mul3A_190 = arith.muli %sub3A_187, %mul3A_189 : vector<16xi32>
      %add3A_191 = arith.constant 0 : i32
      %add3A_192 = vector.broadcast %add3A_191 : i32 to vector<16xi32>
      %add3A_193 = arith.addi %mul3A_190, %add3A_192 : vector<16xi32>
      %gather3A_194 = tpu.vector_load_idx %arg7[%add3A_193] : memref<3072xf32, #tpu.memory_space<vmem>>[vector<16xi32>], vector<16xf32>,
      %broadcast_in_dim3A_195 = arith.constant 0 : i32
      %broadcast_in_dim3A_196 = vector.broadcast %broadcast_in_dim3A_195 : i32 to vector<16xi32>
      tpu.vector_store_idx %arg10[%add3A_182, %broadcast_in_dim3A_196], %gather3A_194 : memref<64x3xf32, #tpu.memory_space<vmem>>[vector<16xi32>, vector<16xi32>], vector<16xf32>,
      %add3A_197 = arith.constant 1 : i32
      %add3A_198 = vector.broadcast %add3A_197 : i32 to vector<16xi32>
      %add3A_199 = arith.addi %mul3A_190, %add3A_198 : vector<16xi32>
      %gather3A_200 = tpu.vector_load_idx %arg7[%add3A_199] : memref<3072xf32, #tpu.memory_space<vmem>>[vector<16xi32>], vector<16xf32>,
      %broadcast_in_dim3A_201 = arith.constant 1 : i32
      %broadcast_in_dim3A_202 = vector.broadcast %broadcast_in_dim3A_201 : i32 to vector<16xi32>
      tpu.vector_store_idx %arg10[%add3A_182, %broadcast_in_dim3A_202], %gather3A_200 : memref<64x3xf32, #tpu.memory_space<vmem>>[vector<16xi32>, vector<16xi32>], vector<16xf32>,
      %add3A_203 = arith.constant 2 : i32
      %add3A_204 = vector.broadcast %add3A_203 : i32 to vector<16xi32>
      %add3A_205 = arith.addi %mul3A_190, %add3A_204 : vector<16xi32>
      %gather3A_206 = tpu.vector_load_idx %arg7[%add3A_205] : memref<3072xf32, #tpu.memory_space<vmem>>[vector<16xi32>], vector<16xf32>,
      %broadcast_in_dim3A_207 = arith.constant 2 : i32
      %broadcast_in_dim3A_208 = vector.broadcast %broadcast_in_dim3A_207 : i32 to vector<16xi32>
      tpu.vector_store_idx %arg10[%add3A_182, %broadcast_in_dim3A_208], %gather3A_206 : memref<64x3xf32, #tpu.memory_space<vmem>>[vector<16xi32>, vector<16xi32>], vector<16xf32>,
      %add3A_209 = arith.addi %mul3A_2, %add3A_60 : i32
      %dma_start3A_210 = arith.constant 0 : i32
      %dma_start3A_211 = arith.constant 0 : i32
      %dma_start3A_212 = tpu.memref_slice %arg4[%add3A_209, %dma_start3A_210, %dma_start3A_211] : memref<8192x64x3xf32, #tpu.memory_space<hbm>> -> memref<1x64x3xf32, #tpu.memory_space<hbm>>
      %dma_start3A_213 = tpu.memref_squeeze %dma_start3A_212 : memref<1x64x3xf32, #tpu.memory_space<hbm>> -> memref<64x3xf32, #tpu.memory_space<hbm>>
      %dma_start3A_214 = arith.constant 0 : i32
      %dma_start3A_215 = arith.constant 0 : i32
      %dma_start3A_216 = tpu.memref_slice %arg4[%add3A_209, %dma_start3A_214, %dma_start3A_215] : memref<8192x64x3xf32, #tpu.memory_space<hbm>> -> memref<1x64x3xf32, #tpu.memory_space<hbm>>
      %dma_start3A_217 = tpu.memref_squeeze %dma_start3A_216 : memref<1x64x3xf32, #tpu.memory_space<hbm>> -> memref<64x3xf32, #tpu.memory_space<hbm>>
      tpu.enqueue_dma source(%arg10 : memref<64x3xf32, #tpu.memory_space<vmem>>) target(%dma_start3A_217 : memref<64x3xf32, #tpu.memory_space<hbm>>) target_semaphore(%arg14 : memref<!tpu.dma_semaphore, #tpu.memory_space<semaphore_mem>>)
      %add3A_218 = arith.constant 1 : i32
      %add3A_219 = arith.addi %mul3A_58, %add3A_218 : i32
      %add3A_220 = arith.addi %mul3A_2, %add3A_219 : i32
      %dma_wait3A_221 = arith.constant 0 : i32
      %dma_wait3A_222 = tpu.memref_slice %arg2[%add3A_220, %dma_wait3A_221] : memref<8192x1024xi32, #tpu.memory_space<hbm>> -> memref<1x1024xi32, #tpu.memory_space<hbm>>
      %dma_wait3A_223 = tpu.memref_squeeze %dma_wait3A_222 : memref<1x1024xi32, #tpu.memory_space<hbm>> -> memref<1024xi32, #tpu.memory_space<hbm>>
      %dma_wait3A_224 = arith.constant 0 : i32
      %dma_wait3A_225 = tpu.memref_slice %arg2[%add3A_220, %dma_wait3A_224] : memref<8192x1024xi32, #tpu.memory_space<hbm>> -> memref<1x1024xi32, #tpu.memory_space<hbm>>
      %dma_wait3A_226 = tpu.memref_squeeze %dma_wait3A_225 : memref<1x1024xi32, #tpu.memory_space<hbm>> -> memref<1024xi32, #tpu.memory_space<hbm>>
      tpu.wait_dma2 semaphore(%arg13 : memref<!tpu.dma_semaphore, #tpu.memory_space<semaphore_mem>>) src(%dma_wait3A_226 : memref<1024xi32, #tpu.memory_space<hbm>>) dst(%arg6 : memref<1024xi32, #tpu.memory_space<vmem>>)
      %add3A_227 = arith.constant 1 : i32
      %add3A_228 = arith.addi %scan3A_55, %add3A_227 : i32
      %lt3A = arith.constant 128 : i32
      %lt3A_229 = arith.cmpi slt, %add3A_228, %lt3A : i32
      %convert_element_type3A_230 = arith.extui %lt3A_229 : i1 to i32
      %cond3A_231 = arith.constant 0 : i32
      %cond3A_232 = arith.cmpi ne, %convert_element_type3A_230, %cond3A_231 : i32
      scf.if %cond3A_232 {
        %add3A_381 = arith.constant 1 : i32
        %add3A_382 = arith.addi %add3A_219, %add3A_381 : i32
        %add3A_383 = arith.addi %mul3A_2, %add3A_382 : i32
        %dma_start3A_384 = arith.constant 0 : i32
        %dma_start3A_385 = tpu.memref_slice %arg2[%add3A_383, %dma_start3A_384] : memref<8192x1024xi32, #tpu.memory_space<hbm>> -> memref<1x1024xi32, #tpu.memory_space<hbm>>
        %dma_start3A_386 = tpu.memref_squeeze %dma_start3A_385 : memref<1x1024xi32, #tpu.memory_space<hbm>> -> memref<1024xi32, #tpu.memory_space<hbm>>
        %dma_start3A_387 = arith.constant 0 : i32
        %dma_start3A_388 = tpu.memref_slice %arg2[%add3A_383, %dma_start3A_387] : memref<8192x1024xi32, #tpu.memory_space<hbm>> -> memref<1x1024xi32, #tpu.memory_space<hbm>>
        %dma_start3A_389 = tpu.memref_squeeze %dma_start3A_388 : memref<1x1024xi32, #tpu.memory_space<hbm>> -> memref<1024xi32, #tpu.memory_space<hbm>>
        tpu.enqueue_dma source(%dma_start3A_389 : memref<1024xi32, #tpu.memory_space<hbm>>) target(%arg5 : memref<1024xi32, #tpu.memory_space<vmem>>) target_semaphore(%arg12 : memref<!tpu.dma_semaphore, #tpu.memory_space<semaphore_mem>>)
      } else {
      }
      %swap3A_233 = arith.constant 0 : index
      %swap3A_234 = tpu.vector_load %arg9[%swap3A_233] {strides = array<i32>} : memref<80xi32, #tpu.memory_space<vmem>>, vector<16xi32>,
      tpu.vector_store %arg9[%swap3A_233], %broadcast_in_dim3A_22 {strides = array<i32>} : memref<80xi32, #tpu.memory_space<vmem>>, vector<16xi32>,
      %swap3A_235 = arith.constant 16 : index
      %swap3A_236 = tpu.vector_load %arg9[%swap3A_235] {strides = array<i32>} : memref<80xi32, #tpu.memory_space<vmem>>, vector<16xi32>,
      tpu.vector_store %arg9[%swap3A_235], %broadcast_in_dim3A_22 {strides = array<i32>} : memref<80xi32, #tpu.memory_space<vmem>>, vector<16xi32>,
      %swap3A_237 = arith.constant 32 : index
      %swap3A_238 = tpu.vector_load %arg9[%swap3A_237] {strides = array<i32>} : memref<80xi32, #tpu.memory_space<vmem>>, vector<16xi32>,
      tpu.vector_store %arg9[%swap3A_237], %broadcast_in_dim3A_22 {strides = array<i32>} : memref<80xi32, #tpu.memory_space<vmem>>, vector<16xi32>,
      %swap3A_239 = arith.constant 48 : index
      %swap3A_240 = tpu.vector_load %arg9[%swap3A_239] {strides = array<i32>} : memref<80xi32, #tpu.memory_space<vmem>>, vector<16xi32>,
      tpu.vector_store %arg9[%swap3A_239], %broadcast_in_dim3A_22 {strides = array<i32>} : memref<80xi32, #tpu.memory_space<vmem>>, vector<16xi32>,
      %swap3A_241 = arith.constant 64 : index
      %swap3A_242 = tpu.vector_load %arg9[%swap3A_241] {strides = array<i32>} : memref<80xi32, #tpu.memory_space<vmem>>, vector<16xi32>,
      tpu.vector_store %arg9[%swap3A_241], %broadcast_in_dim3A_22 {strides = array<i32>} : memref<80xi32, #tpu.memory_space<vmem>>, vector<16xi32>,
      %scan3A_243 = arith.constant 0 : i32
      %scan3A_244 = arith.constant 0 : i32
      %scan3A_245 = arith.constant 16 : i32
      %scan3A_246 = arith.addi %scan3A_244, %scan3A_245 : i32
      %scan3A_247 = arith.constant 1 : i32
      %scan3A_248 = scf.for %scan3A_381 = %scan3A_244 to %scan3A_246 step %scan3A_247 iter_args(%scan3A_382 = %scan3A_243) -> (i32)  : i32 {
        %mul3A_383 = arith.constant 4 : i32
        %mul3A_384 = arith.muli %scan3A_381, %mul3A_383 : i32
        %add3A_385 = arith.constant 0 : i32
        %add3A_386 = arith.addi %mul3A_384, %add3A_385 : i32
        %mul3A_387 = arith.constant 16 : i32
        %mul3A_388 = arith.muli %add3A_386, %mul3A_387 : i32
        %get3A_389 = arith.index_cast %mul3A_388 : i32 to index
        %get3A_390 = tpu.vector_load %arg6[%get3A_389] {strides = array<i32>} : memref<1024xi32, #tpu.memory_space<vmem>>, vector<16xi32>,
        %gt3A_391 = arith.constant 0 : i32
        %gt3A_392 = vector.broadcast %gt3A_391 : i32 to vector<16xi32>
        %gt3A_393 = arith.cmpi sgt, %get3A_390, %gt3A_392 : vector<16xi32>
        %sub3A_394 = arith.constant 1 : i32
        %sub3A_395 = vector.broadcast %sub3A_394 : i32 to vector<16xi32>
        %sub3A_396 = arith.subi %get3A_390, %sub3A_395 : vector<16xi32>
        %add3A_397 = arith.constant 64 : i32
        %add3A_398 = vector.broadcast %add3A_397 : i32 to vector<16xi32>
        %add3A_399 = arith.addi %add3A_398, %iota3A : vector<16xi32>
        %select_n3A_400 = arith.select %gt3A_393, %sub3A_396, %add3A_399 : vector<16xi1>, vector<16xi32>
        %mul3A_401 = arith.constant 16 : i32
        %mul3A_402 = arith.muli %add3A_386, %mul3A_401 : i32
        %add3A_403 = arith.constant 0 : i32
        %add3A_404 = arith.addi %mul3A_402, %add3A_403 : i32
        %add3A_405 = vector.broadcast %add3A_404 : i32 to vector<16xi32>
        %add3A_406 = arith.addi %iota3A, %add3A_405 : vector<16xi32>
        tpu.vector_store_idx %arg9[%select_n3A_400], %add3A_406 : memref<80xi32, #tpu.memory_space<vmem>>[vector<16xi32>], vector<16xi32>,
        %mul3A_407 = arith.constant 4 : i32
        %mul3A_408 = arith.muli %scan3A_381, %mul3A_407 : i32
        %add3A_409 = arith.constant 1 : i32
        %add3A_410 = arith.addi %mul3A_408, %add3A_409 : i32
        %mul3A_411 = arith.constant 16 : i32
        %mul3A_412 = arith.muli %add3A_410, %mul3A_411 : i32
        %get3A_413 = arith.index_cast %mul3A_412 : i32 to index
        %get3A_414 = tpu.vector_load %arg6[%get3A_413] {strides = array<i32>} : memref<1024xi32, #tpu.memory_space<vmem>>, vector<16xi32>,
        %gt3A_415 = arith.constant 0 : i32
        %gt3A_416 = vector.broadcast %gt3A_415 : i32 to vector<16xi32>
        %gt3A_417 = arith.cmpi sgt, %get3A_414, %gt3A_416 : vector<16xi32>
        %sub3A_418 = arith.constant 1 : i32
        %sub3A_419 = vector.broadcast %sub3A_418 : i32 to vector<16xi32>
        %sub3A_420 = arith.subi %get3A_414, %sub3A_419 : vector<16xi32>
        %add3A_421 = arith.constant 64 : i32
        %add3A_422 = vector.broadcast %add3A_421 : i32 to vector<16xi32>
        %add3A_423 = arith.addi %add3A_422, %iota3A : vector<16xi32>
        %select_n3A_424 = arith.select %gt3A_417, %sub3A_420, %add3A_423 : vector<16xi1>, vector<16xi32>
        %mul3A_425 = arith.constant 16 : i32
        %mul3A_426 = arith.muli %add3A_410, %mul3A_425 : i32
        %add3A_427 = arith.constant 0 : i32
        %add3A_428 = arith.addi %mul3A_426, %add3A_427 : i32
        %add3A_429 = vector.broadcast %add3A_428 : i32 to vector<16xi32>
        %add3A_430 = arith.addi %iota3A, %add3A_429 : vector<16xi32>
        tpu.vector_store_idx %arg9[%select_n3A_424], %add3A_430 : memref<80xi32, #tpu.memory_space<vmem>>[vector<16xi32>], vector<16xi32>,
        %mul3A_431 = arith.constant 4 : i32
        %mul3A_432 = arith.muli %scan3A_381, %mul3A_431 : i32
        %add3A_433 = arith.constant 2 : i32
        %add3A_434 = arith.addi %mul3A_432, %add3A_433 : i32
        %mul3A_435 = arith.constant 16 : i32
        %mul3A_436 = arith.muli %add3A_434, %mul3A_435 : i32
        %get3A_437 = arith.index_cast %mul3A_436 : i32 to index
        %get3A_438 = tpu.vector_load %arg6[%get3A_437] {strides = array<i32>} : memref<1024xi32, #tpu.memory_space<vmem>>, vector<16xi32>,
        %gt3A_439 = arith.constant 0 : i32
        %gt3A_440 = vector.broadcast %gt3A_439 : i32 to vector<16xi32>
        %gt3A_441 = arith.cmpi sgt, %get3A_438, %gt3A_440 : vector<16xi32>
        %sub3A_442 = arith.constant 1 : i32
        %sub3A_443 = vector.broadcast %sub3A_442 : i32 to vector<16xi32>
        %sub3A_444 = arith.subi %get3A_438, %sub3A_443 : vector<16xi32>
        %add3A_445 = arith.constant 64 : i32
        %add3A_446 = vector.broadcast %add3A_445 : i32 to vector<16xi32>
        %add3A_447 = arith.addi %add3A_446, %iota3A : vector<16xi32>
        %select_n3A_448 = arith.select %gt3A_441, %sub3A_444, %add3A_447 : vector<16xi1>, vector<16xi32>
        %mul3A_449 = arith.constant 16 : i32
        %mul3A_450 = arith.muli %add3A_434, %mul3A_449 : i32
        %add3A_451 = arith.constant 0 : i32
        %add3A_452 = arith.addi %mul3A_450, %add3A_451 : i32
        %add3A_453 = vector.broadcast %add3A_452 : i32 to vector<16xi32>
        %add3A_454 = arith.addi %iota3A, %add3A_453 : vector<16xi32>
        tpu.vector_store_idx %arg9[%select_n3A_448], %add3A_454 : memref<80xi32, #tpu.memory_space<vmem>>[vector<16xi32>], vector<16xi32>,
        %mul3A_455 = arith.constant 4 : i32
        %mul3A_456 = arith.muli %scan3A_381, %mul3A_455 : i32
        %add3A_457 = arith.constant 3 : i32
        %add3A_458 = arith.addi %mul3A_456, %add3A_457 : i32
        %mul3A_459 = arith.constant 16 : i32
        %mul3A_460 = arith.muli %add3A_458, %mul3A_459 : i32
        %get3A_461 = arith.index_cast %mul3A_460 : i32 to index
        %get3A_462 = tpu.vector_load %arg6[%get3A_461] {strides = array<i32>} : memref<1024xi32, #tpu.memory_space<vmem>>, vector<16xi32>,
        %gt3A_463 = arith.constant 0 : i32
        %gt3A_464 = vector.broadcast %gt3A_463 : i32 to vector<16xi32>
        %gt3A_465 = arith.cmpi sgt, %get3A_462, %gt3A_464 : vector<16xi32>
        %sub3A_466 = arith.constant 1 : i32
        %sub3A_467 = vector.broadcast %sub3A_466 : i32 to vector<16xi32>
        %sub3A_468 = arith.subi %get3A_462, %sub3A_467 : vector<16xi32>
        %add3A_469 = arith.constant 64 : i32
        %add3A_470 = vector.broadcast %add3A_469 : i32 to vector<16xi32>
        %add3A_471 = arith.addi %add3A_470, %iota3A : vector<16xi32>
        %select_n3A_472 = arith.select %gt3A_465, %sub3A_468, %add3A_471 : vector<16xi1>, vector<16xi32>
        %mul3A_473 = arith.constant 16 : i32
        %mul3A_474 = arith.muli %add3A_458, %mul3A_473 : i32
        %add3A_475 = arith.constant 0 : i32
        %add3A_476 = arith.addi %mul3A_474, %add3A_475 : i32
        %add3A_477 = vector.broadcast %add3A_476 : i32 to vector<16xi32>
        %add3A_478 = arith.addi %iota3A, %add3A_477 : vector<16xi32>
        tpu.vector_store_idx %arg9[%select_n3A_472], %add3A_478 : memref<80xi32, #tpu.memory_space<vmem>>[vector<16xi32>], vector<16xi32>,
        %scan3A_479 = arith.constant 0 : i32
        scf.yield %scan3A_479 : i32
      }
      %scan3A_249 = arith.constant 16 : i32
      %gt3A_250 = arith.constant 0 : i32
      %gt3A_251 = arith.cmpi sgt, %scan3A_55, %gt3A_250 : i32
      %convert_element_type3A_252 = arith.extui %gt3A_251 : i1 to i32
      %cond3A_253 = arith.constant 0 : i32
      %cond3A_254 = arith.cmpi ne, %convert_element_type3A_252, %cond3A_253 : i32
      scf.if %cond3A_254 {
        %sub3A_381 = arith.constant 2 : i32
        %sub3A_382 = arith.subi %add3A_219, %sub3A_381 : i32
        %add3A_383 = arith.addi %mul3A_2, %sub3A_382 : i32
        %dma_wait3A_384 = arith.constant 0 : i32
        %dma_wait3A_385 = arith.constant 0 : i32
        %dma_wait3A_386 = tpu.memref_slice %arg4[%add3A_383, %dma_wait3A_384, %dma_wait3A_385] : memref<8192x64x3xf32, #tpu.memory_space<hbm>> -> memref<1x64x3xf32, #tpu.memory_space<hbm>>
        %dma_wait3A_387 = tpu.memref_squeeze %dma_wait3A_386 : memref<1x64x3xf32, #tpu.memory_space<hbm>> -> memref<64x3xf32, #tpu.memory_space<hbm>>
        %dma_wait3A_388 = arith.constant 0 : i32
        %dma_wait3A_389 = arith.constant 0 : i32
        %dma_wait3A_390 = tpu.memref_slice %arg4[%add3A_383, %dma_wait3A_388, %dma_wait3A_389] : memref<8192x64x3xf32, #tpu.memory_space<hbm>> -> memref<1x64x3xf32, #tpu.memory_space<hbm>>
        %dma_wait3A_391 = tpu.memref_squeeze %dma_wait3A_390 : memref<1x64x3xf32, #tpu.memory_space<hbm>> -> memref<64x3xf32, #tpu.memory_space<hbm>>
        tpu.wait_dma2 semaphore(%arg15 : memref<!tpu.dma_semaphore, #tpu.memory_space<semaphore_mem>>) src(%arg11 : memref<64x3xf32, #tpu.memory_space<vmem>>) dst(%dma_wait3A_391 : memref<64x3xf32, #tpu.memory_space<hbm>>)
      } else {
      }
      %add3A_255 = arith.constant 0 : i32
      %add3A_256 = vector.broadcast %add3A_255 : i32 to vector<16xi32>
      %add3A_257 = arith.addi %iota3A, %add3A_256 : vector<16xi32>
      %get3A_258 = arith.constant 0 : index
      %get3A_259 = tpu.vector_load %arg9[%get3A_258] {strides = array<i32>} : memref<80xi32, #tpu.memory_space<vmem>>, vector<16xi32>,
      %sub3A_260 = arith.constant 0 : i32
      %sub3A_261 = vector.broadcast %sub3A_260 : i32 to vector<16xi32>
      %sub3A_262 = arith.subi %get3A_259, %sub3A_261 : vector<16xi32>
      %mul3A_263 = arith.constant 3 : i32
      %mul3A_264 = vector.broadcast %mul3A_263 : i32 to vector<16xi32>
      %mul3A_265 = arith.muli %sub3A_262, %mul3A_264 : vector<16xi32>
      %add3A_266 = arith.constant 0 : i32
      %add3A_267 = vector.broadcast %add3A_266 : i32 to vector<16xi32>
      %add3A_268 = arith.addi %mul3A_265, %add3A_267 : vector<16xi32>
      %gather3A_269 = tpu.vector_load_idx %arg7[%add3A_268] : memref<3072xf32, #tpu.memory_space<vmem>>[vector<16xi32>], vector<16xf32>,
      %broadcast_in_dim3A_270 = arith.constant 0 : i32
      %broadcast_in_dim3A_271 = vector.broadcast %broadcast_in_dim3A_270 : i32 to vector<16xi32>
      tpu.vector_store_idx %arg11[%add3A_257, %broadcast_in_dim3A_271], %gather3A_269 : memref<64x3xf32, #tpu.memory_space<vmem>>[vector<16xi32>, vector<16xi32>], vector<16xf32>,
      %add3A_272 = arith.constant 1 : i32
      %add3A_273 = vector.broadcast %add3A_272 : i32 to vector<16xi32>
      %add3A_274 = arith.addi %mul3A_265, %add3A_273 : vector<16xi32>
      %gather3A_275 = tpu.vector_load_idx %arg7[%add3A_274] : memref<3072xf32, #tpu.memory_space<vmem>>[vector<16xi32>], vector<16xf32>,
      %broadcast_in_dim3A_276 = arith.constant 1 : i32
      %broadcast_in_dim3A_277 = vector.broadcast %broadcast_in_dim3A_276 : i32 to vector<16xi32>
      tpu.vector_store_idx %arg11[%add3A_257, %broadcast_in_dim3A_277], %gather3A_275 : memref<64x3xf32, #tpu.memory_space<vmem>>[vector<16xi32>, vector<16xi32>], vector<16xf32>,
      %add3A_278 = arith.constant 2 : i32
      %add3A_279 = vector.broadcast %add3A_278 : i32 to vector<16xi32>
      %add3A_280 = arith.addi %mul3A_265, %add3A_279 : vector<16xi32>
      %gather3A_281 = tpu.vector_load_idx %arg7[%add3A_280] : memref<3072xf32, #tpu.memory_space<vmem>>[vector<16xi32>], vector<16xf32>,
      %broadcast_in_dim3A_282 = arith.constant 2 : i32
      %broadcast_in_dim3A_283 = vector.broadcast %broadcast_in_dim3A_282 : i32 to vector<16xi32>
      tpu.vector_store_idx %arg11[%add3A_257, %broadcast_in_dim3A_283], %gather3A_281 : memref<64x3xf32, #tpu.memory_space<vmem>>[vector<16xi32>, vector<16xi32>], vector<16xf32>,
      %add3A_284 = arith.constant 16 : i32
      %add3A_285 = vector.broadcast %add3A_284 : i32 to vector<16xi32>
      %add3A_286 = arith.addi %iota3A, %add3A_285 : vector<16xi32>
      %get3A_287 = arith.constant 16 : index
      %get3A_288 = tpu.vector_load %arg9[%get3A_287] {strides = array<i32>} : memref<80xi32, #tpu.memory_space<vmem>>, vector<16xi32>,
      %sub3A_289 = arith.constant 0 : i32
      %sub3A_290 = vector.broadcast %sub3A_289 : i32 to vector<16xi32>
      %sub3A_291 = arith.subi %get3A_288, %sub3A_290 : vector<16xi32>
      %mul3A_292 = arith.constant 3 : i32
      %mul3A_293 = vector.broadcast %mul3A_292 : i32 to vector<16xi32>
      %mul3A_294 = arith.muli %sub3A_291, %mul3A_293 : vector<16xi32>
      %add3A_295 = arith.constant 0 : i32
      %add3A_296 = vector.broadcast %add3A_295 : i32 to vector<16xi32>
      %add3A_297 = arith.addi %mul3A_294, %add3A_296 : vector<16xi32>
      %gather3A_298 = tpu.vector_load_idx %arg7[%add3A_297] : memref<3072xf32, #tpu.memory_space<vmem>>[vector<16xi32>], vector<16xf32>,
      %broadcast_in_dim3A_299 = arith.constant 0 : i32
      %broadcast_in_dim3A_300 = vector.broadcast %broadcast_in_dim3A_299 : i32 to vector<16xi32>
      tpu.vector_store_idx %arg11[%add3A_286, %broadcast_in_dim3A_300], %gather3A_298 : memref<64x3xf32, #tpu.memory_space<vmem>>[vector<16xi32>, vector<16xi32>], vector<16xf32>,
      %add3A_301 = arith.constant 1 : i32
      %add3A_302 = vector.broadcast %add3A_301 : i32 to vector<16xi32>
      %add3A_303 = arith.addi %mul3A_294, %add3A_302 : vector<16xi32>
      %gather3A_304 = tpu.vector_load_idx %arg7[%add3A_303] : memref<3072xf32, #tpu.memory_space<vmem>>[vector<16xi32>], vector<16xf32>,
      %broadcast_in_dim3A_305 = arith.constant 1 : i32
      %broadcast_in_dim3A_306 = vector.broadcast %broadcast_in_dim3A_305 : i32 to vector<16xi32>
      tpu.vector_store_idx %arg11[%add3A_286, %broadcast_in_dim3A_306], %gather3A_304 : memref<64x3xf32, #tpu.memory_space<vmem>>[vector<16xi32>, vector<16xi32>], vector<16xf32>,
      %add3A_307 = arith.constant 2 : i32
      %add3A_308 = vector.broadcast %add3A_307 : i32 to vector<16xi32>
      %add3A_309 = arith.addi %mul3A_294, %add3A_308 : vector<16xi32>
      %gather3A_310 = tpu.vector_load_idx %arg7[%add3A_309] : memref<3072xf32, #tpu.memory_space<vmem>>[vector<16xi32>], vector<16xf32>,
      %broadcast_in_dim3A_311 = arith.constant 2 : i32
      %broadcast_in_dim3A_312 = vector.broadcast %broadcast_in_dim3A_311 : i32 to vector<16xi32>
      tpu.vector_store_idx %arg11[%add3A_286, %broadcast_in_dim3A_312], %gather3A_310 : memref<64x3xf32, #tpu.memory_space<vmem>>[vector<16xi32>, vector<16xi32>], vector<16xf32>,
      %add3A_313 = arith.constant 32 : i32
      %add3A_314 = vector.broadcast %add3A_313 : i32 to vector<16xi32>
      %add3A_315 = arith.addi %iota3A, %add3A_314 : vector<16xi32>
      %get3A_316 = arith.constant 32 : index
      %get3A_317 = tpu.vector_load %arg9[%get3A_316] {strides = array<i32>} : memref<80xi32, #tpu.memory_space<vmem>>, vector<16xi32>,
      %sub3A_318 = arith.constant 0 : i32
      %sub3A_319 = vector.broadcast %sub3A_318 : i32 to vector<16xi32>
      %sub3A_320 = arith.subi %get3A_317, %sub3A_319 : vector<16xi32>
      %mul3A_321 = arith.constant 3 : i32
      %mul3A_322 = vector.broadcast %mul3A_321 : i32 to vector<16xi32>
      %mul3A_323 = arith.muli %sub3A_320, %mul3A_322 : vector<16xi32>
      %add3A_324 = arith.constant 0 : i32
      %add3A_325 = vector.broadcast %add3A_324 : i32 to vector<16xi32>
      %add3A_326 = arith.addi %mul3A_323, %add3A_325 : vector<16xi32>
      %gather3A_327 = tpu.vector_load_idx %arg7[%add3A_326] : memref<3072xf32, #tpu.memory_space<vmem>>[vector<16xi32>], vector<16xf32>,
      %broadcast_in_dim3A_328 = arith.constant 0 : i32
      %broadcast_in_dim3A_329 = vector.broadcast %broadcast_in_dim3A_328 : i32 to vector<16xi32>
      tpu.vector_store_idx %arg11[%add3A_315, %broadcast_in_dim3A_329], %gather3A_327 : memref<64x3xf32, #tpu.memory_space<vmem>>[vector<16xi32>, vector<16xi32>], vector<16xf32>,
      %add3A_330 = arith.constant 1 : i32
      %add3A_331 = vector.broadcast %add3A_330 : i32 to vector<16xi32>
      %add3A_332 = arith.addi %mul3A_323, %add3A_331 : vector<16xi32>
      %gather3A_333 = tpu.vector_load_idx %arg7[%add3A_332] : memref<3072xf32, #tpu.memory_space<vmem>>[vector<16xi32>], vector<16xf32>,
      %broadcast_in_dim3A_334 = arith.constant 1 : i32
      %broadcast_in_dim3A_335 = vector.broadcast %broadcast_in_dim3A_334 : i32 to vector<16xi32>
      tpu.vector_store_idx %arg11[%add3A_315, %broadcast_in_dim3A_335], %gather3A_333 : memref<64x3xf32, #tpu.memory_space<vmem>>[vector<16xi32>, vector<16xi32>], vector<16xf32>,
      %add3A_336 = arith.constant 2 : i32
      %add3A_337 = vector.broadcast %add3A_336 : i32 to vector<16xi32>
      %add3A_338 = arith.addi %mul3A_323, %add3A_337 : vector<16xi32>
      %gather3A_339 = tpu.vector_load_idx %arg7[%add3A_338] : memref<3072xf32, #tpu.memory_space<vmem>>[vector<16xi32>], vector<16xf32>,
      %broadcast_in_dim3A_340 = arith.constant 2 : i32
      %broadcast_in_dim3A_341 = vector.broadcast %broadcast_in_dim3A_340 : i32 to vector<16xi32>
      tpu.vector_store_idx %arg11[%add3A_315, %broadcast_in_dim3A_341], %gather3A_339 : memref<64x3xf32, #tpu.memory_space<vmem>>[vector<16xi32>, vector<16xi32>], vector<16xf32>,
      %add3A_342 = arith.constant 48 : i32
      %add3A_343 = vector.broadcast %add3A_342 : i32 to vector<16xi32>
      %add3A_344 = arith.addi %iota3A, %add3A_343 : vector<16xi32>
      %get3A_345 = arith.constant 48 : index
      %get3A_346 = tpu.vector_load %arg9[%get3A_345] {strides = array<i32>} : memref<80xi32, #tpu.memory_space<vmem>>, vector<16xi32>,
      %sub3A_347 = arith.constant 0 : i32
      %sub3A_348 = vector.broadcast %sub3A_347 : i32 to vector<16xi32>
      %sub3A_349 = arith.subi %get3A_346, %sub3A_348 : vector<16xi32>
      %mul3A_350 = arith.constant 3 : i32
      %mul3A_351 = vector.broadcast %mul3A_350 : i32 to vector<16xi32>
      %mul3A_352 = arith.muli %sub3A_349, %mul3A_351 : vector<16xi32>
      %add3A_353 = arith.constant 0 : i32
      %add3A_354 = vector.broadcast %add3A_353 : i32 to vector<16xi32>
      %add3A_355 = arith.addi %mul3A_352, %add3A_354 : vector<16xi32>
      %gather3A_356 = tpu.vector_load_idx %arg7[%add3A_355] : memref<3072xf32, #tpu.memory_space<vmem>>[vector<16xi32>], vector<16xf32>,
      %broadcast_in_dim3A_357 = arith.constant 0 : i32
      %broadcast_in_dim3A_358 = vector.broadcast %broadcast_in_dim3A_357 : i32 to vector<16xi32>
      tpu.vector_store_idx %arg11[%add3A_344, %broadcast_in_dim3A_358], %gather3A_356 : memref<64x3xf32, #tpu.memory_space<vmem>>[vector<16xi32>, vector<16xi32>], vector<16xf32>,
      %add3A_359 = arith.constant 1 : i32
      %add3A_360 = vector.broadcast %add3A_359 : i32 to vector<16xi32>
      %add3A_361 = arith.addi %mul3A_352, %add3A_360 : vector<16xi32>
      %gather3A_362 = tpu.vector_load_idx %arg7[%add3A_361] : memref<3072xf32, #tpu.memory_space<vmem>>[vector<16xi32>], vector<16xf32>,
      %broadcast_in_dim3A_363 = arith.constant 1 : i32
      %broadcast_in_dim3A_364 = vector.broadcast %broadcast_in_dim3A_363 : i32 to vector<16xi32>
      tpu.vector_store_idx %arg11[%add3A_344, %broadcast_in_dim3A_364], %gather3A_362 : memref<64x3xf32, #tpu.memory_space<vmem>>[vector<16xi32>, vector<16xi32>], vector<16xf32>,
      %add3A_365 = arith.constant 2 : i32
      %add3A_366 = vector.broadcast %add3A_365 : i32 to vector<16xi32>
      %add3A_367 = arith.addi %mul3A_352, %add3A_366 : vector<16xi32>
      %gather3A_368 = tpu.vector_load_idx %arg7[%add3A_367] : memref<3072xf32, #tpu.memory_space<vmem>>[vector<16xi32>], vector<16xf32>,
      %broadcast_in_dim3A_369 = arith.constant 2 : i32
      %broadcast_in_dim3A_370 = vector.broadcast %broadcast_in_dim3A_369 : i32 to vector<16xi32>
      tpu.vector_store_idx %arg11[%add3A_344, %broadcast_in_dim3A_370], %gather3A_368 : memref<64x3xf32, #tpu.memory_space<vmem>>[vector<16xi32>, vector<16xi32>], vector<16xf32>,
      %add3A_371 = arith.addi %mul3A_2, %add3A_219 : i32
      %dma_start3A_372 = arith.constant 0 : i32
      %dma_start3A_373 = arith.constant 0 : i32
      %dma_start3A_374 = tpu.memref_slice %arg4[%add3A_371, %dma_start3A_372, %dma_start3A_373] : memref<8192x64x3xf32, #tpu.memory_space<hbm>> -> memref<1x64x3xf32, #tpu.memory_space<hbm>>
      %dma_start3A_375 = tpu.memref_squeeze %dma_start3A_374 : memref<1x64x3xf32, #tpu.memory_space<hbm>> -> memref<64x3xf32, #tpu.memory_space<hbm>>
      %dma_start3A_376 = arith.constant 0 : i32
      %dma_start3A_377 = arith.constant 0 : i32
      %dma_start3A_378 = tpu.memref_slice %arg4[%add3A_371, %dma_start3A_376, %dma_start3A_377] : memref<8192x64x3xf32, #tpu.memory_space<hbm>> -> memref<1x64x3xf32, #tpu.memory_space<hbm>>
      %dma_start3A_379 = tpu.memref_squeeze %dma_start3A_378 : memref<1x64x3xf32, #tpu.memory_space<hbm>> -> memref<64x3xf32, #tpu.memory_space<hbm>>
      tpu.enqueue_dma source(%arg11 : memref<64x3xf32, #tpu.memory_space<vmem>>) target(%dma_start3A_379 : memref<64x3xf32, #tpu.memory_space<hbm>>) target_semaphore(%arg15 : memref<!tpu.dma_semaphore, #tpu.memory_space<semaphore_mem>>)
      %scan3A_380 = arith.constant 0 : i32
      scf.yield %scan3A_380 : i32
    }
    %scan3A_35 = arith.constant 128 : i32
    %add3A_36 = arith.constant 254 : i32
    %add3A_37 = arith.addi %mul3A_2, %add3A_36 : i32
    %dma_wait3A = arith.constant 0 : i32
    %dma_wait3A_38 = arith.constant 0 : i32
    %dma_wait3A_39 = tpu.memref_slice %arg4[%add3A_37, %dma_wait3A, %dma_wait3A_38] : memref<8192x64x3xf32, #tpu.memory_space<hbm>> -> memref<1x64x3xf32, #tpu.memory_space<hbm>>
    %dma_wait3A_40 = tpu.memref_squeeze %dma_wait3A_39 : memref<1x64x3xf32, #tpu.memory_space<hbm>> -> memref<64x3xf32, #tpu.memory_space<hbm>>
    %dma_wait3A_41 = arith.constant 0 : i32
    %dma_wait3A_42 = arith.constant 0 : i32
    %dma_wait3A_43 = tpu.memref_slice %arg4[%add3A_37, %dma_wait3A_41, %dma_wait3A_42] : memref<8192x64x3xf32, #tpu.memory_space<hbm>> -> memref<1x64x3xf32, #tpu.memory_space<hbm>>
    %dma_wait3A_44 = tpu.memref_squeeze %dma_wait3A_43 : memref<1x64x3xf32, #tpu.memory_space<hbm>> -> memref<64x3xf32, #tpu.memory_space<hbm>>
    tpu.wait_dma2 semaphore(%arg14 : memref<!tpu.dma_semaphore, #tpu.memory_space<semaphore_mem>>) src(%arg10 : memref<64x3xf32, #tpu.memory_space<vmem>>) dst(%dma_wait3A_44 : memref<64x3xf32, #tpu.memory_space<hbm>>)
    %add3A_45 = arith.constant 255 : i32
    %add3A_46 = arith.addi %mul3A_2, %add3A_45 : i32
    %dma_wait3A_47 = arith.constant 0 : i32
    %dma_wait3A_48 = arith.constant 0 : i32
    %dma_wait3A_49 = tpu.memref_slice %arg4[%add3A_46, %dma_wait3A_47, %dma_wait3A_48] : memref<8192x64x3xf32, #tpu.memory_space<hbm>> -> memref<1x64x3xf32, #tpu.memory_space<hbm>>
    %dma_wait3A_50 = tpu.memref_squeeze %dma_wait3A_49 : memref<1x64x3xf32, #tpu.memory_space<hbm>> -> memref<64x3xf32, #tpu.memory_space<hbm>>
    %dma_wait3A_51 = arith.constant 0 : i32
    %dma_wait3A_52 = arith.constant 0 : i32
    %dma_wait3A_53 = tpu.memref_slice %arg4[%add3A_46, %dma_wait3A_51, %dma_wait3A_52] : memref<8192x64x3xf32, #tpu.memory_space<hbm>> -> memref<1x64x3xf32, #tpu.memory_space<hbm>>
    %dma_wait3A_54 = tpu.memref_squeeze %dma_wait3A_53 : memref<1x64x3xf32, #tpu.memory_space<hbm>> -> memref<64x3xf32, #tpu.memory_space<hbm>>
    tpu.wait_dma2 semaphore(%arg15 : memref<!tpu.dma_semaphore, #tpu.memory_space<semaphore_mem>>) src(%arg11 : memref<64x3xf32, #tpu.memory_space<vmem>>) dst(%dma_wait3A_54 : memref<64x3xf32, #tpu.memory_space<hbm>>)
    return
  }
}

module attributes {stable_mosaic.version = 14 : i64} {
  func.func @_fps_kernel(%arg0: memref<3x16x1024xf32, #tpu.memory_space<vmem>>, %arg1: memref<512x16x3xf32, #tpu.memory_space<vmem>>) attributes {dimension_semantics = [], scalar_prefetch = 0 : i64, scratch_operands = 0 : i64, tpu.core_type = #tpu.core_type<tc>} {
    %get3A = arith.constant 0 : index
    %get3A_0 = arith.constant 0 : index
    %get3A_1 = arith.constant 0 : index
    %get3A_2 = vector.load %arg0[%get3A, %get3A_0, %get3A_1] : memref<3x16x1024xf32, #tpu.memory_space<vmem>>, vector<3x16x1024xf32>
    %slice3A = vector.extract_strided_slice %get3A_2 {offsets = [0, 0, 0], sizes = [1, 16, 1024], strides = [1, 1, 1]} : vector<3x16x1024xf32> to vector<1x16x1024xf32>
    %squeeze3A = vector.shape_cast %slice3A : vector<1x16x1024xf32> to vector<16x1024xf32>
    %slice3A_3 = vector.extract_strided_slice %get3A_2 {offsets = [1, 0, 0], sizes = [1, 16, 1024], strides = [1, 1, 1]} : vector<3x16x1024xf32> to vector<1x16x1024xf32>
    %squeeze3A_4 = vector.shape_cast %slice3A_3 : vector<1x16x1024xf32> to vector<16x1024xf32>
    %slice3A_5 = vector.extract_strided_slice %get3A_2 {offsets = [2, 0, 0], sizes = [1, 16, 1024], strides = [1, 1, 1]} : vector<3x16x1024xf32> to vector<1x16x1024xf32>
    %squeeze3A_6 = vector.shape_cast %slice3A_5 : vector<1x16x1024xf32> to vector<16x1024xf32>
    %iota3A = tpu.iota {dimensions = array<i32: 1>} : vector<16x1024xi32>
    %broadcast_in_dim3A = arith.constant 0x7F800000 : f32
    %broadcast_in_dim3A_7 = vector.broadcast %broadcast_in_dim3A : f32 to vector<16x1024xf32>
    %slice3A_8 = vector.extract_strided_slice %squeeze3A {offsets = [0, 0], sizes = [16, 1], strides = [1, 1]} : vector<16x1024xf32> to vector<16x1xf32>
    %slice3A_9 = vector.extract_strided_slice %squeeze3A_4 {offsets = [0, 0], sizes = [16, 1], strides = [1, 1]} : vector<16x1024xf32> to vector<16x1xf32>
    %slice3A_10 = vector.extract_strided_slice %squeeze3A_6 {offsets = [0, 0], sizes = [16, 1], strides = [1, 1]} : vector<16x1024xf32> to vector<16x1xf32>
    %scan3A = arith.constant 0 : i32
    %scan3A_11 = arith.constant 512 : i32
    %scan3A_12 = arith.addi %scan3A, %scan3A_11 : i32
    %scan3A_13 = arith.constant 1 : i32
    %scan3A_14:4 = scf.for %scan3A_16 = %scan3A to %scan3A_12 step %scan3A_13 iter_args(%scan3A_17 = %broadcast_in_dim3A_7, %scan3A_18 = %slice3A_8, %scan3A_19 = %slice3A_9, %scan3A_20 = %slice3A_10) -> (vector<16x1024xf32>, vector<16x1xf32>, vector<16x1xf32>, vector<16x1xf32>)  : i32 {
      %concatenate3A = tpu.concatenate %scan3A_18, %scan3A_19, %scan3A_20 in 1 : vector<16x1xf32>, vector<16x1xf32>, vector<16x1xf32> -> vector<16x3xf32>
      %broadcast_in_dim3A_21 = vector.shape_cast %concatenate3A : vector<16x3xf32> to vector<1x16x3xf32>
      %swap3A = arith.index_cast %scan3A_16 : i32 to index
      %swap3A_22 = arith.constant 0 : index
      %swap3A_23 = arith.constant 0 : index
      %swap3A_24 = vector.load %arg1[%swap3A, %swap3A_22, %swap3A_23] : memref<512x16x3xf32, #tpu.memory_space<vmem>>, vector<1x16x3xf32>
      tpu.vector_store %arg1[%swap3A, %swap3A_22, %swap3A_23], %broadcast_in_dim3A_21 {strides = array<i32>} : memref<512x16x3xf32, #tpu.memory_space<vmem>>, vector<1x16x3xf32>,
      %sub3A = vector.broadcast %scan3A_18 : vector<16x1xf32> to vector<16x1024xf32>
      %sub3A_25 = arith.subf %squeeze3A, %sub3A : vector<16x1024xf32>
      %integer_pow3A = arith.mulf %sub3A_25, %sub3A_25 : vector<16x1024xf32>
      %sub3A_26 = vector.broadcast %scan3A_19 : vector<16x1xf32> to vector<16x1024xf32>
      %sub3A_27 = arith.subf %squeeze3A_4, %sub3A_26 : vector<16x1024xf32>
      %integer_pow3A_28 = arith.mulf %sub3A_27, %sub3A_27 : vector<16x1024xf32>
      %add3A = arith.addf %integer_pow3A, %integer_pow3A_28 : vector<16x1024xf32>
      %sub3A_29 = vector.broadcast %scan3A_20 : vector<16x1xf32> to vector<16x1024xf32>
      %sub3A_30 = arith.subf %squeeze3A_6, %sub3A_29 : vector<16x1024xf32>
      %integer_pow3A_31 = arith.mulf %sub3A_30, %sub3A_30 : vector<16x1024xf32>
      %add3A_32 = arith.addf %add3A, %integer_pow3A_31 : vector<16x1024xf32>
      %min3A = arith.minimumf %scan3A_17, %add3A_32 : vector<16x1024xf32>
      %reduce_max3A = arith.constant dense<0xFF800000> : vector<16xf32>
      %reduce_max3A_33 = vector.multi_reduction <maximumf>, %min3A, %reduce_max3A [1] : vector<16x1024xf32> to vector<16xf32>
      %broadcast_in_dim3A_34 = vector.shape_cast %reduce_max3A_33 : vector<16xf32> to vector<16x1xf32>
      %eq3A = vector.broadcast %broadcast_in_dim3A_34 : vector<16x1xf32> to vector<16x1024xf32>
      %eq3A_35 = arith.cmpf oeq, %min3A, %eq3A : vector<16x1024xf32>
      %jit3A = arith.constant 1024 : i32
      %broadcast_in_dim3A_36 = vector.broadcast %jit3A : i32 to vector<16x1024xi32>
      %select_n3A = arith.select %eq3A_35, %iota3A, %broadcast_in_dim3A_36 : vector<16x1024xi1>, vector<16x1024xi32>
      %reduce_min3A = arith.constant dense<2147483647> : vector<16xi32>
      %reduce_min3A_37 = vector.multi_reduction <minsi>, %select_n3A, %reduce_min3A [1] : vector<16x1024xi32> to vector<16xi32>
      %broadcast_in_dim3A_38 = vector.shape_cast %reduce_min3A_37 : vector<16xi32> to vector<16x1xi32>
      %eq3A_39 = vector.broadcast %broadcast_in_dim3A_38 : vector<16x1xi32> to vector<16x1024xi32>
      %eq3A_40 = arith.cmpi eq, %iota3A, %eq3A_39 : vector<16x1024xi32>
      %jit3A_41 = arith.constant 0.000000e+00 : f32
      %broadcast_in_dim3A_42 = vector.broadcast %jit3A_41 : f32 to vector<16x1024xf32>
      %select_n3A_43 = arith.select %eq3A_40, %squeeze3A, %broadcast_in_dim3A_42 : vector<16x1024xi1>, vector<16x1024xf32>
      %reduce_sum3A = arith.constant dense<0.000000e+00> : vector<16xf32>
      %reduce_sum3A_44 = vector.multi_reduction <add>, %select_n3A_43, %reduce_sum3A [1] : vector<16x1024xf32> to vector<16xf32>
      %broadcast_in_dim3A_45 = vector.shape_cast %reduce_sum3A_44 : vector<16xf32> to vector<16x1xf32>
      %jit3A_46 = arith.constant 0.000000e+00 : f32
      %broadcast_in_dim3A_47 = vector.broadcast %jit3A_46 : f32 to vector<16x1024xf32>
      %select_n3A_48 = arith.select %eq3A_40, %squeeze3A_4, %broadcast_in_dim3A_47 : vector<16x1024xi1>, vector<16x1024xf32>
      %reduce_sum3A_49 = arith.constant dense<0.000000e+00> : vector<16xf32>
      %reduce_sum3A_50 = vector.multi_reduction <add>, %select_n3A_48, %reduce_sum3A_49 [1] : vector<16x1024xf32> to vector<16xf32>
      %broadcast_in_dim3A_51 = vector.shape_cast %reduce_sum3A_50 : vector<16xf32> to vector<16x1xf32>
      %jit3A_52 = arith.constant 0.000000e+00 : f32
      %broadcast_in_dim3A_53 = vector.broadcast %jit3A_52 : f32 to vector<16x1024xf32>
      %select_n3A_54 = arith.select %eq3A_40, %squeeze3A_6, %broadcast_in_dim3A_53 : vector<16x1024xi1>, vector<16x1024xf32>
      %reduce_sum3A_55 = arith.constant dense<0.000000e+00> : vector<16xf32>
      %reduce_sum3A_56 = vector.multi_reduction <add>, %select_n3A_54, %reduce_sum3A_55 [1] : vector<16x1024xf32> to vector<16xf32>
      %broadcast_in_dim3A_57 = vector.shape_cast %reduce_sum3A_56 : vector<16xf32> to vector<16x1xf32>
      scf.yield %min3A, %broadcast_in_dim3A_45, %broadcast_in_dim3A_51, %broadcast_in_dim3A_57 : vector<16x1024xf32>, vector<16x1xf32>, vector<16x1xf32>, vector<16x1xf32>
    }
    %scan3A_15 = arith.constant 512 : i32
    return
  }
}

module attributes {stable_mosaic.version = 14 : i64} {
  func.func @_sel_kernel(%arg0: i32, %arg1: i32, %arg2: memref<1x3x1024xf32, #tpu.memory_space<vmem>>, %arg3: memref<1x256x3xf32, #tpu.memory_space<vmem>>, %arg4: memref<1024x1024xf32, #tpu.memory_space<vmem>>, %arg5: memref<1x256x1024xi32, #tpu.memory_space<vmem>>, %arg6: memref<1x256x1xi32, #tpu.memory_space<vmem>>) attributes {dimension_semantics = [#tpu.dimension_semantics<arbitrary>, #tpu.dimension_semantics<arbitrary>], iteration_bounds = array<i64: 16, 2>, scalar_prefetch = 0 : i64, scratch_operands = 0 : i64, tpu.core_type = #tpu.core_type<tc>, window_params = [{transform_indices = @transform_0, window_bounds = array<i64: 1, 3, 1024>}, {transform_indices = @transform_1, window_bounds = array<i64: 1, 256, 3>}, {pipeline_mode = #tpu.pipeline_mode<synchronous>, transform_indices = @transform_2, window_bounds = array<i64: 1024, 1024>}, {transform_indices = @transform_3, window_bounds = array<i64: 1, 256, 1024>}, {transform_indices = @transform_4, window_bounds = array<i64: 1, 256, 1>}]} {
    %get3A = arith.constant 0 : index
    %get3A_0 = arith.constant 0 : index
    %get3A_1 = arith.constant 0 : index
    %get3A_2 = vector.load %arg2[%get3A, %get3A_0, %get3A_1] : memref<1x3x1024xf32, #tpu.memory_space<vmem>>, vector<1x3x1024xf32>
    %get3A_3 = vector.shape_cast %get3A_2 : vector<1x3x1024xf32> to vector<3x1024xf32>
    %get3A_4 = arith.constant 0 : index
    %get3A_5 = arith.constant 0 : index
    %get3A_6 = arith.constant 0 : index
    %get3A_7 = vector.load %arg3[%get3A_4, %get3A_5, %get3A_6] : memref<1x256x3xf32, #tpu.memory_space<vmem>>, vector<1x256x3xf32>
    %get3A_8 = vector.shape_cast %get3A_7 : vector<1x256x3xf32> to vector<256x3xf32>
    %slice3A = vector.extract_strided_slice %get3A_8 {offsets = [0, 0], sizes = [256, 1], strides = [1, 1]} : vector<256x3xf32> to vector<256x1xf32>
    %slice3A_9 = vector.extract_strided_slice %get3A_3 {offsets = [0, 0], sizes = [1, 1024], strides = [1, 1]} : vector<3x1024xf32> to vector<1x1024xf32>
    %squeeze3A = vector.shape_cast %slice3A_9 : vector<1x1024xf32> to vector<1024xf32>
    %broadcast_in_dim3A = vector.shape_cast %squeeze3A : vector<1024xf32> to vector<1x1024xf32>
    %sub3A = vector.broadcast %slice3A : vector<256x1xf32> to vector<256x1024xf32>
    %sub3A_10 = vector.broadcast %broadcast_in_dim3A : vector<1x1024xf32> to vector<256x1024xf32>
    %sub3A_11 = arith.subf %sub3A, %sub3A_10 : vector<256x1024xf32>
    %integer_pow3A = arith.mulf %sub3A_11, %sub3A_11 : vector<256x1024xf32>
    %slice3A_12 = vector.extract_strided_slice %get3A_8 {offsets = [0, 1], sizes = [256, 1], strides = [1, 1]} : vector<256x3xf32> to vector<256x1xf32>
    %slice3A_13 = vector.extract_strided_slice %get3A_3 {offsets = [1, 0], sizes = [1, 1024], strides = [1, 1]} : vector<3x1024xf32> to vector<1x1024xf32>
    %squeeze3A_14 = vector.shape_cast %slice3A_13 : vector<1x1024xf32> to vector<1024xf32>
    %broadcast_in_dim3A_15 = vector.shape_cast %squeeze3A_14 : vector<1024xf32> to vector<1x1024xf32>
    %sub3A_16 = vector.broadcast %slice3A_12 : vector<256x1xf32> to vector<256x1024xf32>
    %sub3A_17 = vector.broadcast %broadcast_in_dim3A_15 : vector<1x1024xf32> to vector<256x1024xf32>
    %sub3A_18 = arith.subf %sub3A_16, %sub3A_17 : vector<256x1024xf32>
    %integer_pow3A_19 = arith.mulf %sub3A_18, %sub3A_18 : vector<256x1024xf32>
    %add3A = arith.addf %integer_pow3A, %integer_pow3A_19 : vector<256x1024xf32>
    %slice3A_20 = vector.extract_strided_slice %get3A_8 {offsets = [0, 2], sizes = [256, 1], strides = [1, 1]} : vector<256x3xf32> to vector<256x1xf32>
    %slice3A_21 = vector.extract_strided_slice %get3A_3 {offsets = [2, 0], sizes = [1, 1024], strides = [1, 1]} : vector<3x1024xf32> to vector<1x1024xf32>
    %squeeze3A_22 = vector.shape_cast %slice3A_21 : vector<1x1024xf32> to vector<1024xf32>
    %broadcast_in_dim3A_23 = vector.shape_cast %squeeze3A_22 : vector<1024xf32> to vector<1x1024xf32>
    %sub3A_24 = vector.broadcast %slice3A_20 : vector<256x1xf32> to vector<256x1024xf32>
    %sub3A_25 = vector.broadcast %broadcast_in_dim3A_23 : vector<1x1024xf32> to vector<256x1024xf32>
    %sub3A_26 = arith.subf %sub3A_24, %sub3A_25 : vector<256x1024xf32>
    %integer_pow3A_27 = arith.mulf %sub3A_26, %sub3A_26 : vector<256x1024xf32>
    %add3A_28 = arith.addf %add3A, %integer_pow3A_27 : vector<256x1024xf32>
    %bitcast_convert_type3A = tpu.bitcast %add3A_28 : vector<256x1024xf32> -> vector<256x1024xi32>
    %le3A = arith.constant 4.000000e-02 : f32
    %le3A_29 = vector.broadcast %le3A : f32 to vector<256x1024xf32>
    %le3A_30 = arith.cmpf ole, %add3A_28, %le3A_29 : vector<256x1024xf32>
    %iota3A = tpu.iota {dimensions = array<i32: 1>} : vector<256x1024xi32>
    %convert_element_type3A = arith.extui %le3A_30 : vector<256x1024xi1> to vector<256x1024xi32>
    %reduce_sum3A = arith.constant dense<0> : vector<256xi32>
    %reduce_sum3A_31 = vector.multi_reduction <add>, %convert_element_type3A, %reduce_sum3A [1] : vector<256x1024xi32> to vector<256xi32>
    %broadcast_in_dim3A_32 = vector.shape_cast %reduce_sum3A_31 : vector<256xi32> to vector<256x1xi32>
    %reduce_max3A = vector.shape_cast %broadcast_in_dim3A_32 : vector<256x1xi32> to vector<1x256x1xi32>
    %reduce_max3A_33 = arith.constant dense<-2147483648> : vector<1xi32>
    %reduce_max3A_34 = vector.multi_reduction <maxsi>, %reduce_max3A, %reduce_max3A_33 [1, 2] : vector<1x256x1xi32> to vector<1xi32>
    %reduce_max3A_35 = vector.shape_cast %reduce_max3A_34 : vector<1xi32> to vector<1x1x1xi32>
    %reduce_max3A_36 = vector.extract %reduce_max3A_35[0, 0, 0] : i32 from vector<1x1x1xi32>
    %gt3A = arith.constant 64 : i32
    %gt3A_37 = arith.cmpi sgt, %reduce_max3A_36, %gt3A : i32
    %convert_element_type3A_38 = arith.extui %gt3A_37 : i1 to i32
    %cond3A = arith.constant 0 : i32
    %cond3A_39 = arith.cmpi ne, %convert_element_type3A_38, %cond3A : i32
    %cond3A_40:2 = scf.if %cond3A_39 -> (vector<256x1xi32>, vector<256x1xi32>) {
      %broadcast_in_dim3A_66 = arith.constant 0 : i32
      %broadcast_in_dim3A_67 = vector.broadcast %broadcast_in_dim3A_66 : i32 to vector<256x1xi32>
      %broadcast_in_dim3A_68 = arith.constant 1025758986 : i32
      %broadcast_in_dim3A_69 = vector.broadcast %broadcast_in_dim3A_68 : i32 to vector<256x1xi32>
      %scan3A = arith.constant 0 : i32
      %scan3A_70 = arith.constant 31 : i32
      %scan3A_71 = arith.addi %scan3A, %scan3A_70 : i32
      %scan3A_72 = arith.constant 1 : i32
      %scan3A_73:2 = scf.for %scan3A_102 = %scan3A to %scan3A_71 step %scan3A_72 iter_args(%scan3A_103 = %broadcast_in_dim3A_67, %scan3A_104 = %broadcast_in_dim3A_69) -> (vector<256x1xi32>, vector<256x1xi32>)  : i32 {
        %sub3A_105 = arith.subi %scan3A_104, %scan3A_103 : vector<256x1xi32>
        %jit3A_106 = arith.constant 2 : i32
        %div3A = vector.broadcast %jit3A_106 : i32 to vector<256x1xi32>
        %div3A_107 = arith.divsi %sub3A_105, %div3A : vector<256x1xi32>
        %sign3A = arith.constant 0 : i32
        %sign3A_108 = vector.broadcast %sign3A : i32 to vector<256x1xi32>
        %sign3A_109 = arith.cmpi sgt, %sub3A_105, %sign3A_108 : vector<256x1xi32>
        %sign3A_110 = arith.extui %sign3A_109 : vector<256x1xi1> to vector<256x1xi32>
        %sign3A_111 = arith.constant 0 : i32
        %sign3A_112 = vector.broadcast %sign3A_111 : i32 to vector<256x1xi32>
        %sign3A_113 = arith.cmpi slt, %sub3A_105, %sign3A_112 : vector<256x1xi32>
        %sign3A_114 = arith.extui %sign3A_113 : vector<256x1xi1> to vector<256x1xi32>
        %sign3A_115 = arith.subi %sign3A_110, %sign3A_114 : vector<256x1xi32>
        %sign3A_116 = arith.constant 0 : i32
        %sign3A_117 = arith.cmpi sgt, %jit3A_106, %sign3A_116 : i32
        %sign3A_118 = arith.extui %sign3A_117 : i1 to i32
        %sign3A_119 = arith.constant 0 : i32
        %sign3A_120 = arith.cmpi slt, %jit3A_106, %sign3A_119 : i32
        %sign3A_121 = arith.extui %sign3A_120 : i1 to i32
        %sign3A_122 = arith.subi %sign3A_118, %sign3A_121 : i32
        %ne3A = vector.broadcast %sign3A_122 : i32 to vector<256x1xi32>
        %ne3A_123 = arith.cmpi ne, %sign3A_115, %ne3A : vector<256x1xi32>
        %rem3A = vector.broadcast %jit3A_106 : i32 to vector<256x1xi32>
        %rem3A_124 = arith.remsi %sub3A_105, %rem3A : vector<256x1xi32>
        %ne3A_125 = arith.constant 0 : i32
        %ne3A_126 = vector.broadcast %ne3A_125 : i32 to vector<256x1xi32>
        %ne3A_127 = arith.cmpi ne, %rem3A_124, %ne3A_126 : vector<256x1xi32>
        %and3A_128 = arith.andi %ne3A_123, %ne3A_127 : vector<256x1xi1>
        %sub3A_129 = arith.constant 1 : i32
        %sub3A_130 = vector.broadcast %sub3A_129 : i32 to vector<256x1xi32>
        %sub3A_131 = arith.subi %div3A_107, %sub3A_130 : vector<256x1xi32>
        %select_n3A_132 = arith.select %and3A_128, %sub3A_131, %div3A_107 : vector<256x1xi1>, vector<256x1xi32>
        %add3A_133 = arith.addi %scan3A_103, %select_n3A_132 : vector<256x1xi32>
        %le3A_134 = vector.broadcast %add3A_133 : vector<256x1xi32> to vector<256x1024xi32>
        %le3A_135 = arith.cmpi sle, %bitcast_convert_type3A, %le3A_134 : vector<256x1024xi32>
        %and3A_136 = arith.andi %le3A_30, %le3A_135 : vector<256x1024xi1>
        %convert_element_type3A_137 = arith.extui %and3A_136 : vector<256x1024xi1> to vector<256x1024xi32>
        %reduce_sum3A_138 = arith.constant dense<0> : vector<256xi32>
        %reduce_sum3A_139 = vector.multi_reduction <add>, %convert_element_type3A_137, %reduce_sum3A_138 [1] : vector<256x1024xi32> to vector<256xi32>
        %broadcast_in_dim3A_140 = vector.shape_cast %reduce_sum3A_139 : vector<256xi32> to vector<256x1xi32>
        %ge3A = arith.constant 64 : i32
        %ge3A_141 = vector.broadcast %ge3A : i32 to vector<256x1xi32>
        %ge3A_142 = arith.cmpi sge, %broadcast_in_dim3A_140, %ge3A_141 : vector<256x1xi32>
        %add3A_143 = arith.constant 1 : i32
        %add3A_144 = vector.broadcast %add3A_143 : i32 to vector<256x1xi32>
        %add3A_145 = arith.addi %add3A_133, %add3A_144 : vector<256x1xi32>
        %select_n3A_146 = arith.select %ge3A_142, %scan3A_103, %add3A_145 : vector<256x1xi1>, vector<256x1xi32>
        %select_n3A_147 = arith.select %ge3A_142, %add3A_133, %scan3A_104 : vector<256x1xi1>, vector<256x1xi32>
        scf.yield %select_n3A_146, %select_n3A_147 : vector<256x1xi32>, vector<256x1xi32>
      }
      %lt3A_74 = vector.broadcast %scan3A_73#1 : vector<256x1xi32> to vector<256x1024xi32>
      %lt3A_75 = arith.cmpi slt, %bitcast_convert_type3A, %lt3A_74 : vector<256x1024xi32>
      %and3A_76 = arith.andi %le3A_30, %lt3A_75 : vector<256x1024xi1>
      %convert_element_type3A_77 = arith.extui %and3A_76 : vector<256x1024xi1> to vector<256x1024xi32>
      %reduce_sum3A_78 = arith.constant dense<0> : vector<256xi32>
      %reduce_sum3A_79 = vector.multi_reduction <add>, %convert_element_type3A_77, %reduce_sum3A_78 [1] : vector<256x1024xi32> to vector<256xi32>
      %broadcast_in_dim3A_80 = vector.shape_cast %reduce_sum3A_79 : vector<256xi32> to vector<256x1xi32>
      %sub3A_81 = arith.constant 64 : i32
      %sub3A_82 = vector.broadcast %sub3A_81 : i32 to vector<256x1xi32>
      %sub3A_83 = arith.subi %sub3A_82, %broadcast_in_dim3A_80 : vector<256x1xi32>
      %broadcast_in_dim3A_84 = arith.constant 0 : i32
      %broadcast_in_dim3A_85 = vector.broadcast %broadcast_in_dim3A_84 : i32 to vector<256x1xi32>
      %broadcast_in_dim3A_86 = arith.constant 1023 : i32
      %broadcast_in_dim3A_87 = vector.broadcast %broadcast_in_dim3A_86 : i32 to vector<256x1xi32>
      %scan3A_88 = arith.constant 0 : i32
      %scan3A_89 = arith.constant 11 : i32
      %scan3A_90 = arith.addi %scan3A_88, %scan3A_89 : i32
      %scan3A_91 = arith.constant 1 : i32
      %scan3A_92:2 = scf.for %scan3A_102 = %scan3A_88 to %scan3A_90 step %scan3A_91 iter_args(%scan3A_103 = %broadcast_in_dim3A_85, %scan3A_104 = %broadcast_in_dim3A_87) -> (vector<256x1xi32>, vector<256x1xi32>)  : i32 {
        %sub3A_105 = arith.subi %scan3A_104, %scan3A_103 : vector<256x1xi32>
        %jit3A_106 = arith.constant 2 : i32
        %div3A = vector.broadcast %jit3A_106 : i32 to vector<256x1xi32>
        %div3A_107 = arith.divsi %sub3A_105, %div3A : vector<256x1xi32>
        %sign3A = arith.constant 0 : i32
        %sign3A_108 = vector.broadcast %sign3A : i32 to vector<256x1xi32>
        %sign3A_109 = arith.cmpi sgt, %sub3A_105, %sign3A_108 : vector<256x1xi32>
        %sign3A_110 = arith.extui %sign3A_109 : vector<256x1xi1> to vector<256x1xi32>
        %sign3A_111 = arith.constant 0 : i32
        %sign3A_112 = vector.broadcast %sign3A_111 : i32 to vector<256x1xi32>
        %sign3A_113 = arith.cmpi slt, %sub3A_105, %sign3A_112 : vector<256x1xi32>
        %sign3A_114 = arith.extui %sign3A_113 : vector<256x1xi1> to vector<256x1xi32>
        %sign3A_115 = arith.subi %sign3A_110, %sign3A_114 : vector<256x1xi32>
        %sign3A_116 = arith.constant 0 : i32
        %sign3A_117 = arith.cmpi sgt, %jit3A_106, %sign3A_116 : i32
        %sign3A_118 = arith.extui %sign3A_117 : i1 to i32
        %sign3A_119 = arith.constant 0 : i32
        %sign3A_120 = arith.cmpi slt, %jit3A_106, %sign3A_119 : i32
        %sign3A_121 = arith.extui %sign3A_120 : i1 to i32
        %sign3A_122 = arith.subi %sign3A_118, %sign3A_121 : i32
        %ne3A = vector.broadcast %sign3A_122 : i32 to vector<256x1xi32>
        %ne3A_123 = arith.cmpi ne, %sign3A_115, %ne3A : vector<256x1xi32>
        %rem3A = vector.broadcast %jit3A_106 : i32 to vector<256x1xi32>
        %rem3A_124 = arith.remsi %sub3A_105, %rem3A : vector<256x1xi32>
        %ne3A_125 = arith.constant 0 : i32
        %ne3A_126 = vector.broadcast %ne3A_125 : i32 to vector<256x1xi32>
        %ne3A_127 = arith.cmpi ne, %rem3A_124, %ne3A_126 : vector<256x1xi32>
        %and3A_128 = arith.andi %ne3A_123, %ne3A_127 : vector<256x1xi1>
        %sub3A_129 = arith.constant 1 : i32
        %sub3A_130 = vector.broadcast %sub3A_129 : i32 to vector<256x1xi32>
        %sub3A_131 = arith.subi %div3A_107, %sub3A_130 : vector<256x1xi32>
        %select_n3A_132 = arith.select %and3A_128, %sub3A_131, %div3A_107 : vector<256x1xi1>, vector<256x1xi32>
        %add3A_133 = arith.addi %scan3A_103, %select_n3A_132 : vector<256x1xi32>
        %eq3A_134 = vector.broadcast %scan3A_73#1 : vector<256x1xi32> to vector<256x1024xi32>
        %eq3A_135 = arith.cmpi eq, %bitcast_convert_type3A, %eq3A_134 : vector<256x1024xi32>
        %and3A_136 = arith.andi %le3A_30, %eq3A_135 : vector<256x1024xi1>
        %le3A_137 = vector.broadcast %add3A_133 : vector<256x1xi32> to vector<256x1024xi32>
        %le3A_138 = arith.cmpi sle, %iota3A, %le3A_137 : vector<256x1024xi32>
        %and3A_139 = arith.andi %and3A_136, %le3A_138 : vector<256x1024xi1>
        %convert_element_type3A_140 = arith.extui %and3A_139 : vector<256x1024xi1> to vector<256x1024xi32>
        %reduce_sum3A_141 = arith.constant dense<0> : vector<256xi32>
        %reduce_sum3A_142 = vector.multi_reduction <add>, %convert_element_type3A_140, %reduce_sum3A_141 [1] : vector<256x1024xi32> to vector<256xi32>
        %broadcast_in_dim3A_143 = vector.shape_cast %reduce_sum3A_142 : vector<256xi32> to vector<256x1xi32>
        %ge3A = arith.cmpi sge, %broadcast_in_dim3A_143, %sub3A_83 : vector<256x1xi32>
        %add3A_144 = arith.constant 1 : i32
        %add3A_145 = vector.broadcast %add3A_144 : i32 to vector<256x1xi32>
        %add3A_146 = arith.addi %add3A_133, %add3A_145 : vector<256x1xi32>
        %select_n3A_147 = arith.select %ge3A, %scan3A_103, %add3A_146 : vector<256x1xi1>, vector<256x1xi32>
        %select_n3A_148 = arith.select %ge3A, %add3A_133, %scan3A_104 : vector<256x1xi1>, vector<256x1xi32>
        scf.yield %select_n3A_147, %select_n3A_148 : vector<256x1xi32>, vector<256x1xi32>
      }
      %gt3A_93 = arith.constant 64 : i32
      %gt3A_94 = vector.broadcast %gt3A_93 : i32 to vector<256x1xi32>
      %gt3A_95 = arith.cmpi sgt, %broadcast_in_dim3A_32, %gt3A_94 : vector<256x1xi32>
      %jit3A_96 = arith.constant 1025758986 : i32
      %broadcast_in_dim3A_97 = vector.broadcast %jit3A_96 : i32 to vector<256x1xi32>
      %select_n3A_98 = arith.select %gt3A_95, %scan3A_73#1, %broadcast_in_dim3A_97 : vector<256x1xi1>, vector<256x1xi32>
      %jit3A_99 = arith.constant 1024 : i32
      %broadcast_in_dim3A_100 = vector.broadcast %jit3A_99 : i32 to vector<256x1xi32>
      %select_n3A_101 = arith.select %gt3A_95, %scan3A_92#1, %broadcast_in_dim3A_100 : vector<256x1xi1>, vector<256x1xi32>
      scf.yield %select_n3A_98, %select_n3A_101 : vector<256x1xi32>, vector<256x1xi32>
    } else {
      %broadcast_in_dim3A_66 = arith.constant 1025758986 : i32
      %broadcast_in_dim3A_67 = vector.broadcast %broadcast_in_dim3A_66 : i32 to vector<256x1xi32>
      %broadcast_in_dim3A_68 = arith.constant 1024 : i32
      %broadcast_in_dim3A_69 = vector.broadcast %broadcast_in_dim3A_68 : i32 to vector<256x1xi32>
      scf.yield %broadcast_in_dim3A_67, %broadcast_in_dim3A_69 : vector<256x1xi32>, vector<256x1xi32>
    }
    %lt3A = vector.broadcast %cond3A_40#0 : vector<256x1xi32> to vector<256x1024xi32>
    %lt3A_41 = arith.cmpi slt, %bitcast_convert_type3A, %lt3A : vector<256x1024xi32>
    %eq3A = vector.broadcast %cond3A_40#0 : vector<256x1xi32> to vector<256x1024xi32>
    %eq3A_42 = arith.cmpi eq, %bitcast_convert_type3A, %eq3A : vector<256x1024xi32>
    %le3A_43 = vector.broadcast %cond3A_40#1 : vector<256x1xi32> to vector<256x1024xi32>
    %le3A_44 = arith.cmpi sle, %iota3A, %le3A_43 : vector<256x1024xi32>
    %and3A = arith.andi %eq3A_42, %le3A_44 : vector<256x1024xi1>
    %or3A = arith.ori %lt3A_41, %and3A : vector<256x1024xi1>
    %and3A_45 = arith.andi %le3A_30, %or3A : vector<256x1024xi1>
    %convert_element_type3A_46 = arith.extui %and3A_45 : vector<256x1024xi1> to vector<256x1024xi32>
    %convert_element_type3A_47 = arith.sitofp %convert_element_type3A_46 : vector<256x1024xi32> to vector<256x1024xf32>
    %get3A_48 = arith.constant 0 : index
    %get3A_49 = arith.constant 0 : index
    %get3A_50 = vector.load %arg4[%get3A_48, %get3A_49] : memref<1024x1024xf32, #tpu.memory_space<vmem>>, vector<1024x1024xf32>
    %dot_general3A = arith.constant dense<0.000000e+00> : vector<256x1024xf32>
    %dot_general3A_51 = tpu.matmul %convert_element_type3A_47, %get3A_50, %dot_general3A {dimension_numbers = #tpu.dot_dimension_numbers<[1], [0], [0], [1], [0, 0, 1, 1], [], []>, transpose_lhs_hint = false} : vector<256x1024xf32>, vector<1024x1024xf32>, vector<256x1024xf32> -> vector<256x1024xf32>
    %convert_element_type3A_52 = arith.fptosi %dot_general3A_51 : vector<256x1024xf32> to vector<256x1024xi32>
    %jit3A = arith.constant 0 : i32
    %broadcast_in_dim3A_53 = vector.broadcast %jit3A : i32 to vector<256x1024xi32>
    %select_n3A = arith.select %and3A_45, %convert_element_type3A_52, %broadcast_in_dim3A_53 : vector<256x1024xi1>, vector<256x1024xi32>
    %swap3A = arith.constant 0 : index
    %swap3A_54 = arith.constant 0 : index
    %swap3A_55 = arith.constant 0 : index
    %swap3A_56 = vector.load %arg5[%swap3A, %swap3A_54, %swap3A_55] : memref<1x256x1024xi32, #tpu.memory_space<vmem>>, vector<1x256x1024xi32>
    %swap3A_57 = vector.shape_cast %swap3A_56 : vector<1x256x1024xi32> to vector<256x1024xi32>
    %swap3A_58 = vector.shape_cast %select_n3A : vector<256x1024xi32> to vector<1x256x1024xi32>
    tpu.vector_store %arg5[%swap3A, %swap3A_54, %swap3A_55], %swap3A_58 {strides = array<i32>} : memref<1x256x1024xi32, #tpu.memory_space<vmem>>, vector<1x256x1024xi32>,
    %slice3A_59 = vector.extract_strided_slice %convert_element_type3A_52 {offsets = [0, 1023], sizes = [256, 1], strides = [1, 1]} : vector<256x1024xi32> to vector<256x1xi32>
    %swap3A_60 = arith.constant 0 : index
    %swap3A_61 = arith.constant 0 : index
    %swap3A_62 = arith.constant 0 : index
    %swap3A_63 = vector.load %arg6[%swap3A_60, %swap3A_61, %swap3A_62] : memref<1x256x1xi32, #tpu.memory_space<vmem>>, vector<1x256x1xi32>
    %swap3A_64 = vector.shape_cast %swap3A_63 : vector<1x256x1xi32> to vector<256x1xi32>
    %swap3A_65 = vector.shape_cast %slice3A_59 : vector<256x1xi32> to vector<1x256x1xi32>
    tpu.vector_store %arg6[%swap3A_60, %swap3A_61, %swap3A_62], %swap3A_65 {strides = array<i32>} : memref<1x256x1xi32, #tpu.memory_space<vmem>>, vector<1x256x1xi32>,
    return
  }
  func.func @transform_0(%arg0: i32, %arg1: i32) -> (i32, i32, i32) {
    %c0_i32 = arith.constant 0 : i32
    %c0_i32_0 = arith.constant 0 : i32
    %c0_i32_1 = arith.constant 0 : i32
    return %arg0, %c0_i32, %c0_i32_0 : i32, i32, i32
  }
  func.func @transform_1(%arg0: i32, %arg1: i32) -> (i32, i32, i32) {
    %c0_i32 = arith.constant 0 : i32
    %c0_i32_0 = arith.constant 0 : i32
    return %arg0, %arg1, %c0_i32 : i32, i32, i32
  }
  func.func @transform_2(%arg0: i32, %arg1: i32) -> (i32, i32) {
    %c0_i32 = arith.constant 0 : i32
    %c0_i32_0 = arith.constant 0 : i32
    %c0_i32_1 = arith.constant 0 : i32
    return %c0_i32, %c0_i32_0 : i32, i32
  }
  func.func @transform_3(%arg0: i32, %arg1: i32) -> (i32, i32, i32) {
    %mul3A = arith.constant 2 : i32
    %mul3A_0 = arith.muli %arg0, %mul3A : i32
    %add3A = arith.addi %mul3A_0, %arg1 : i32
    %c0_i32 = arith.constant 0 : i32
    %c0_i32_1 = arith.constant 0 : i32
    %c0_i32_2 = arith.constant 0 : i32
    return %add3A, %c0_i32, %c0_i32_1 : i32, i32, i32
  }
  func.func @transform_4(%arg0: i32, %arg1: i32) -> (i32, i32, i32) {
    %mul3A = arith.constant 2 : i32
    %mul3A_0 = arith.muli %arg0, %mul3A : i32
    %add3A = arith.addi %mul3A_0, %arg1 : i32
    %c0_i32 = arith.constant 0 : i32
    %c0_i32_1 = arith.constant 0 : i32
    %c0_i32_2 = arith.constant 0 : i32
    return %add3A, %c0_i32, %c0_i32_1 : i32, i32, i32
  }
}

module attributes {stable_mosaic.version = 14 : i64} {
  func.func @_fps_kernel(%arg0: memref<3x16x512xf32, #tpu.memory_space<vmem>>, %arg1: memref<128x16x3xf32, #tpu.memory_space<vmem>>) attributes {dimension_semantics = [], scalar_prefetch = 0 : i64, scratch_operands = 0 : i64, tpu.core_type = #tpu.core_type<tc>} {
    %get3A = arith.constant 0 : index
    %get3A_0 = arith.constant 0 : index
    %get3A_1 = arith.constant 0 : index
    %get3A_2 = vector.load %arg0[%get3A, %get3A_0, %get3A_1] : memref<3x16x512xf32, #tpu.memory_space<vmem>>, vector<3x16x512xf32>
    %slice3A = vector.extract_strided_slice %get3A_2 {offsets = [0, 0, 0], sizes = [1, 16, 512], strides = [1, 1, 1]} : vector<3x16x512xf32> to vector<1x16x512xf32>
    %squeeze3A = vector.shape_cast %slice3A : vector<1x16x512xf32> to vector<16x512xf32>
    %slice3A_3 = vector.extract_strided_slice %get3A_2 {offsets = [1, 0, 0], sizes = [1, 16, 512], strides = [1, 1, 1]} : vector<3x16x512xf32> to vector<1x16x512xf32>
    %squeeze3A_4 = vector.shape_cast %slice3A_3 : vector<1x16x512xf32> to vector<16x512xf32>
    %slice3A_5 = vector.extract_strided_slice %get3A_2 {offsets = [2, 0, 0], sizes = [1, 16, 512], strides = [1, 1, 1]} : vector<3x16x512xf32> to vector<1x16x512xf32>
    %squeeze3A_6 = vector.shape_cast %slice3A_5 : vector<1x16x512xf32> to vector<16x512xf32>
    %iota3A = tpu.iota {dimensions = array<i32: 1>} : vector<16x512xi32>
    %broadcast_in_dim3A = arith.constant 0x7F800000 : f32
    %broadcast_in_dim3A_7 = vector.broadcast %broadcast_in_dim3A : f32 to vector<16x512xf32>
    %slice3A_8 = vector.extract_strided_slice %squeeze3A {offsets = [0, 0], sizes = [16, 1], strides = [1, 1]} : vector<16x512xf32> to vector<16x1xf32>
    %slice3A_9 = vector.extract_strided_slice %squeeze3A_4 {offsets = [0, 0], sizes = [16, 1], strides = [1, 1]} : vector<16x512xf32> to vector<16x1xf32>
    %slice3A_10 = vector.extract_strided_slice %squeeze3A_6 {offsets = [0, 0], sizes = [16, 1], strides = [1, 1]} : vector<16x512xf32> to vector<16x1xf32>
    %scan3A = arith.constant 0 : i32
    %scan3A_11 = arith.constant 128 : i32
    %scan3A_12 = arith.addi %scan3A, %scan3A_11 : i32
    %scan3A_13 = arith.constant 1 : i32
    %scan3A_14:4 = scf.for %scan3A_16 = %scan3A to %scan3A_12 step %scan3A_13 iter_args(%scan3A_17 = %broadcast_in_dim3A_7, %scan3A_18 = %slice3A_8, %scan3A_19 = %slice3A_9, %scan3A_20 = %slice3A_10) -> (vector<16x512xf32>, vector<16x1xf32>, vector<16x1xf32>, vector<16x1xf32>)  : i32 {
      %concatenate3A = tpu.concatenate %scan3A_18, %scan3A_19, %scan3A_20 in 1 : vector<16x1xf32>, vector<16x1xf32>, vector<16x1xf32> -> vector<16x3xf32>
      %broadcast_in_dim3A_21 = vector.shape_cast %concatenate3A : vector<16x3xf32> to vector<1x16x3xf32>
      %swap3A = arith.index_cast %scan3A_16 : i32 to index
      %swap3A_22 = arith.constant 0 : index
      %swap3A_23 = arith.constant 0 : index
      %swap3A_24 = vector.load %arg1[%swap3A, %swap3A_22, %swap3A_23] : memref<128x16x3xf32, #tpu.memory_space<vmem>>, vector<1x16x3xf32>
      tpu.vector_store %arg1[%swap3A, %swap3A_22, %swap3A_23], %broadcast_in_dim3A_21 {strides = array<i32>} : memref<128x16x3xf32, #tpu.memory_space<vmem>>, vector<1x16x3xf32>,
      %sub3A = vector.broadcast %scan3A_18 : vector<16x1xf32> to vector<16x512xf32>
      %sub3A_25 = arith.subf %squeeze3A, %sub3A : vector<16x512xf32>
      %integer_pow3A = arith.mulf %sub3A_25, %sub3A_25 : vector<16x512xf32>
      %sub3A_26 = vector.broadcast %scan3A_19 : vector<16x1xf32> to vector<16x512xf32>
      %sub3A_27 = arith.subf %squeeze3A_4, %sub3A_26 : vector<16x512xf32>
      %integer_pow3A_28 = arith.mulf %sub3A_27, %sub3A_27 : vector<16x512xf32>
      %add3A = arith.addf %integer_pow3A, %integer_pow3A_28 : vector<16x512xf32>
      %sub3A_29 = vector.broadcast %scan3A_20 : vector<16x1xf32> to vector<16x512xf32>
      %sub3A_30 = arith.subf %squeeze3A_6, %sub3A_29 : vector<16x512xf32>
      %integer_pow3A_31 = arith.mulf %sub3A_30, %sub3A_30 : vector<16x512xf32>
      %add3A_32 = arith.addf %add3A, %integer_pow3A_31 : vector<16x512xf32>
      %min3A = arith.minimumf %scan3A_17, %add3A_32 : vector<16x512xf32>
      %reduce_max3A = arith.constant dense<0xFF800000> : vector<16xf32>
      %reduce_max3A_33 = vector.multi_reduction <maximumf>, %min3A, %reduce_max3A [1] : vector<16x512xf32> to vector<16xf32>
      %broadcast_in_dim3A_34 = vector.shape_cast %reduce_max3A_33 : vector<16xf32> to vector<16x1xf32>
      %eq3A = vector.broadcast %broadcast_in_dim3A_34 : vector<16x1xf32> to vector<16x512xf32>
      %eq3A_35 = arith.cmpf oeq, %min3A, %eq3A : vector<16x512xf32>
      %jit3A = arith.constant 512 : i32
      %broadcast_in_dim3A_36 = vector.broadcast %jit3A : i32 to vector<16x512xi32>
      %select_n3A = arith.select %eq3A_35, %iota3A, %broadcast_in_dim3A_36 : vector<16x512xi1>, vector<16x512xi32>
      %reduce_min3A = arith.constant dense<2147483647> : vector<16xi32>
      %reduce_min3A_37 = vector.multi_reduction <minsi>, %select_n3A, %reduce_min3A [1] : vector<16x512xi32> to vector<16xi32>
      %broadcast_in_dim3A_38 = vector.shape_cast %reduce_min3A_37 : vector<16xi32> to vector<16x1xi32>
      %eq3A_39 = vector.broadcast %broadcast_in_dim3A_38 : vector<16x1xi32> to vector<16x512xi32>
      %eq3A_40 = arith.cmpi eq, %iota3A, %eq3A_39 : vector<16x512xi32>
      %jit3A_41 = arith.constant 0.000000e+00 : f32
      %broadcast_in_dim3A_42 = vector.broadcast %jit3A_41 : f32 to vector<16x512xf32>
      %select_n3A_43 = arith.select %eq3A_40, %squeeze3A, %broadcast_in_dim3A_42 : vector<16x512xi1>, vector<16x512xf32>
      %reduce_sum3A = arith.constant dense<0.000000e+00> : vector<16xf32>
      %reduce_sum3A_44 = vector.multi_reduction <add>, %select_n3A_43, %reduce_sum3A [1] : vector<16x512xf32> to vector<16xf32>
      %broadcast_in_dim3A_45 = vector.shape_cast %reduce_sum3A_44 : vector<16xf32> to vector<16x1xf32>
      %jit3A_46 = arith.constant 0.000000e+00 : f32
      %broadcast_in_dim3A_47 = vector.broadcast %jit3A_46 : f32 to vector<16x512xf32>
      %select_n3A_48 = arith.select %eq3A_40, %squeeze3A_4, %broadcast_in_dim3A_47 : vector<16x512xi1>, vector<16x512xf32>
      %reduce_sum3A_49 = arith.constant dense<0.000000e+00> : vector<16xf32>
      %reduce_sum3A_50 = vector.multi_reduction <add>, %select_n3A_48, %reduce_sum3A_49 [1] : vector<16x512xf32> to vector<16xf32>
      %broadcast_in_dim3A_51 = vector.shape_cast %reduce_sum3A_50 : vector<16xf32> to vector<16x1xf32>
      %jit3A_52 = arith.constant 0.000000e+00 : f32
      %broadcast_in_dim3A_53 = vector.broadcast %jit3A_52 : f32 to vector<16x512xf32>
      %select_n3A_54 = arith.select %eq3A_40, %squeeze3A_6, %broadcast_in_dim3A_53 : vector<16x512xi1>, vector<16x512xf32>
      %reduce_sum3A_55 = arith.constant dense<0.000000e+00> : vector<16xf32>
      %reduce_sum3A_56 = vector.multi_reduction <add>, %select_n3A_54, %reduce_sum3A_55 [1] : vector<16x512xf32> to vector<16xf32>
      %broadcast_in_dim3A_57 = vector.shape_cast %reduce_sum3A_56 : vector<16xf32> to vector<16x1xf32>
      scf.yield %min3A, %broadcast_in_dim3A_45, %broadcast_in_dim3A_51, %broadcast_in_dim3A_57 : vector<16x512xf32>, vector<16x1xf32>, vector<16x1xf32>, vector<16x1xf32>
    }
    %scan3A_15 = arith.constant 128 : i32
    return
  }
}

module attributes {stable_mosaic.version = 14 : i64} {
  func.func @_sel_kernel(%arg0: i32, %arg1: i32, %arg2: memref<1x3x512xf32, #tpu.memory_space<vmem>>, %arg3: memref<1x128x3xf32, #tpu.memory_space<vmem>>, %arg4: memref<512x512xf32, #tpu.memory_space<vmem>>, %arg5: memref<1x128x512xi32, #tpu.memory_space<vmem>>, %arg6: memref<1x128x1xi32, #tpu.memory_space<vmem>>) attributes {dimension_semantics = [#tpu.dimension_semantics<arbitrary>, #tpu.dimension_semantics<arbitrary>], iteration_bounds = array<i64: 16, 1>, scalar_prefetch = 0 : i64, scratch_operands = 0 : i64, tpu.core_type = #tpu.core_type<tc>, window_params = [{transform_indices = @transform_0, window_bounds = array<i64: 1, 3, 512>}, {transform_indices = @transform_1, window_bounds = array<i64: 1, 128, 3>}, {pipeline_mode = #tpu.pipeline_mode<synchronous>, transform_indices = @transform_2, window_bounds = array<i64: 512, 512>}, {transform_indices = @transform_3, window_bounds = array<i64: 1, 128, 512>}, {transform_indices = @transform_4, window_bounds = array<i64: 1, 128, 1>}]} {
    %get3A = arith.constant 0 : index
    %get3A_0 = arith.constant 0 : index
    %get3A_1 = arith.constant 0 : index
    %get3A_2 = vector.load %arg2[%get3A, %get3A_0, %get3A_1] : memref<1x3x512xf32, #tpu.memory_space<vmem>>, vector<1x3x512xf32>
    %get3A_3 = vector.shape_cast %get3A_2 : vector<1x3x512xf32> to vector<3x512xf32>
    %get3A_4 = arith.constant 0 : index
    %get3A_5 = arith.constant 0 : index
    %get3A_6 = arith.constant 0 : index
    %get3A_7 = vector.load %arg3[%get3A_4, %get3A_5, %get3A_6] : memref<1x128x3xf32, #tpu.memory_space<vmem>>, vector<1x128x3xf32>
    %get3A_8 = vector.shape_cast %get3A_7 : vector<1x128x3xf32> to vector<128x3xf32>
    %slice3A = vector.extract_strided_slice %get3A_8 {offsets = [0, 0], sizes = [128, 1], strides = [1, 1]} : vector<128x3xf32> to vector<128x1xf32>
    %slice3A_9 = vector.extract_strided_slice %get3A_3 {offsets = [0, 0], sizes = [1, 512], strides = [1, 1]} : vector<3x512xf32> to vector<1x512xf32>
    %squeeze3A = vector.shape_cast %slice3A_9 : vector<1x512xf32> to vector<512xf32>
    %broadcast_in_dim3A = vector.shape_cast %squeeze3A : vector<512xf32> to vector<1x512xf32>
    %sub3A = vector.broadcast %slice3A : vector<128x1xf32> to vector<128x512xf32>
    %sub3A_10 = vector.broadcast %broadcast_in_dim3A : vector<1x512xf32> to vector<128x512xf32>
    %sub3A_11 = arith.subf %sub3A, %sub3A_10 : vector<128x512xf32>
    %integer_pow3A = arith.mulf %sub3A_11, %sub3A_11 : vector<128x512xf32>
    %slice3A_12 = vector.extract_strided_slice %get3A_8 {offsets = [0, 1], sizes = [128, 1], strides = [1, 1]} : vector<128x3xf32> to vector<128x1xf32>
    %slice3A_13 = vector.extract_strided_slice %get3A_3 {offsets = [1, 0], sizes = [1, 512], strides = [1, 1]} : vector<3x512xf32> to vector<1x512xf32>
    %squeeze3A_14 = vector.shape_cast %slice3A_13 : vector<1x512xf32> to vector<512xf32>
    %broadcast_in_dim3A_15 = vector.shape_cast %squeeze3A_14 : vector<512xf32> to vector<1x512xf32>
    %sub3A_16 = vector.broadcast %slice3A_12 : vector<128x1xf32> to vector<128x512xf32>
    %sub3A_17 = vector.broadcast %broadcast_in_dim3A_15 : vector<1x512xf32> to vector<128x512xf32>
    %sub3A_18 = arith.subf %sub3A_16, %sub3A_17 : vector<128x512xf32>
    %integer_pow3A_19 = arith.mulf %sub3A_18, %sub3A_18 : vector<128x512xf32>
    %add3A = arith.addf %integer_pow3A, %integer_pow3A_19 : vector<128x512xf32>
    %slice3A_20 = vector.extract_strided_slice %get3A_8 {offsets = [0, 2], sizes = [128, 1], strides = [1, 1]} : vector<128x3xf32> to vector<128x1xf32>
    %slice3A_21 = vector.extract_strided_slice %get3A_3 {offsets = [2, 0], sizes = [1, 512], strides = [1, 1]} : vector<3x512xf32> to vector<1x512xf32>
    %squeeze3A_22 = vector.shape_cast %slice3A_21 : vector<1x512xf32> to vector<512xf32>
    %broadcast_in_dim3A_23 = vector.shape_cast %squeeze3A_22 : vector<512xf32> to vector<1x512xf32>
    %sub3A_24 = vector.broadcast %slice3A_20 : vector<128x1xf32> to vector<128x512xf32>
    %sub3A_25 = vector.broadcast %broadcast_in_dim3A_23 : vector<1x512xf32> to vector<128x512xf32>
    %sub3A_26 = arith.subf %sub3A_24, %sub3A_25 : vector<128x512xf32>
    %integer_pow3A_27 = arith.mulf %sub3A_26, %sub3A_26 : vector<128x512xf32>
    %add3A_28 = arith.addf %add3A, %integer_pow3A_27 : vector<128x512xf32>
    %bitcast_convert_type3A = tpu.bitcast %add3A_28 : vector<128x512xf32> -> vector<128x512xi32>
    %le3A = arith.constant 1.600000e-01 : f32
    %le3A_29 = vector.broadcast %le3A : f32 to vector<128x512xf32>
    %le3A_30 = arith.cmpf ole, %add3A_28, %le3A_29 : vector<128x512xf32>
    %iota3A = tpu.iota {dimensions = array<i32: 1>} : vector<128x512xi32>
    %convert_element_type3A = arith.extui %le3A_30 : vector<128x512xi1> to vector<128x512xi32>
    %reduce_sum3A = arith.constant dense<0> : vector<128xi32>
    %reduce_sum3A_31 = vector.multi_reduction <add>, %convert_element_type3A, %reduce_sum3A [1] : vector<128x512xi32> to vector<128xi32>
    %broadcast_in_dim3A_32 = vector.shape_cast %reduce_sum3A_31 : vector<128xi32> to vector<128x1xi32>
    %reduce_max3A = vector.shape_cast %broadcast_in_dim3A_32 : vector<128x1xi32> to vector<1x128x1xi32>
    %reduce_max3A_33 = arith.constant dense<-2147483648> : vector<1xi32>
    %reduce_max3A_34 = vector.multi_reduction <maxsi>, %reduce_max3A, %reduce_max3A_33 [1, 2] : vector<1x128x1xi32> to vector<1xi32>
    %reduce_max3A_35 = vector.shape_cast %reduce_max3A_34 : vector<1xi32> to vector<1x1x1xi32>
    %reduce_max3A_36 = vector.extract %reduce_max3A_35[0, 0, 0] : i32 from vector<1x1x1xi32>
    %gt3A = arith.constant 64 : i32
    %gt3A_37 = arith.cmpi sgt, %reduce_max3A_36, %gt3A : i32
    %convert_element_type3A_38 = arith.extui %gt3A_37 : i1 to i32
    %cond3A = arith.constant 0 : i32
    %cond3A_39 = arith.cmpi ne, %convert_element_type3A_38, %cond3A : i32
    %cond3A_40:2 = scf.if %cond3A_39 -> (vector<128x1xi32>, vector<128x1xi32>) {
      %broadcast_in_dim3A_66 = arith.constant 0 : i32
      %broadcast_in_dim3A_67 = vector.broadcast %broadcast_in_dim3A_66 : i32 to vector<128x1xi32>
      %broadcast_in_dim3A_68 = arith.constant 1042536202 : i32
      %broadcast_in_dim3A_69 = vector.broadcast %broadcast_in_dim3A_68 : i32 to vector<128x1xi32>
      %scan3A = arith.constant 0 : i32
      %scan3A_70 = arith.constant 31 : i32
      %scan3A_71 = arith.addi %scan3A, %scan3A_70 : i32
      %scan3A_72 = arith.constant 1 : i32
      %scan3A_73:2 = scf.for %scan3A_102 = %scan3A to %scan3A_71 step %scan3A_72 iter_args(%scan3A_103 = %broadcast_in_dim3A_67, %scan3A_104 = %broadcast_in_dim3A_69) -> (vector<128x1xi32>, vector<128x1xi32>)  : i32 {
        %sub3A_105 = arith.subi %scan3A_104, %scan3A_103 : vector<128x1xi32>
        %jit3A_106 = arith.constant 2 : i32
        %div3A = vector.broadcast %jit3A_106 : i32 to vector<128x1xi32>
        %div3A_107 = arith.divsi %sub3A_105, %div3A : vector<128x1xi32>
        %sign3A = arith.constant 0 : i32
        %sign3A_108 = vector.broadcast %sign3A : i32 to vector<128x1xi32>
        %sign3A_109 = arith.cmpi sgt, %sub3A_105, %sign3A_108 : vector<128x1xi32>
        %sign3A_110 = arith.extui %sign3A_109 : vector<128x1xi1> to vector<128x1xi32>
        %sign3A_111 = arith.constant 0 : i32
        %sign3A_112 = vector.broadcast %sign3A_111 : i32 to vector<128x1xi32>
        %sign3A_113 = arith.cmpi slt, %sub3A_105, %sign3A_112 : vector<128x1xi32>
        %sign3A_114 = arith.extui %sign3A_113 : vector<128x1xi1> to vector<128x1xi32>
        %sign3A_115 = arith.subi %sign3A_110, %sign3A_114 : vector<128x1xi32>
        %sign3A_116 = arith.constant 0 : i32
        %sign3A_117 = arith.cmpi sgt, %jit3A_106, %sign3A_116 : i32
        %sign3A_118 = arith.extui %sign3A_117 : i1 to i32
        %sign3A_119 = arith.constant 0 : i32
        %sign3A_120 = arith.cmpi slt, %jit3A_106, %sign3A_119 : i32
        %sign3A_121 = arith.extui %sign3A_120 : i1 to i32
        %sign3A_122 = arith.subi %sign3A_118, %sign3A_121 : i32
        %ne3A = vector.broadcast %sign3A_122 : i32 to vector<128x1xi32>
        %ne3A_123 = arith.cmpi ne, %sign3A_115, %ne3A : vector<128x1xi32>
        %rem3A = vector.broadcast %jit3A_106 : i32 to vector<128x1xi32>
        %rem3A_124 = arith.remsi %sub3A_105, %rem3A : vector<128x1xi32>
        %ne3A_125 = arith.constant 0 : i32
        %ne3A_126 = vector.broadcast %ne3A_125 : i32 to vector<128x1xi32>
        %ne3A_127 = arith.cmpi ne, %rem3A_124, %ne3A_126 : vector<128x1xi32>
        %and3A_128 = arith.andi %ne3A_123, %ne3A_127 : vector<128x1xi1>
        %sub3A_129 = arith.constant 1 : i32
        %sub3A_130 = vector.broadcast %sub3A_129 : i32 to vector<128x1xi32>
        %sub3A_131 = arith.subi %div3A_107, %sub3A_130 : vector<128x1xi32>
        %select_n3A_132 = arith.select %and3A_128, %sub3A_131, %div3A_107 : vector<128x1xi1>, vector<128x1xi32>
        %add3A_133 = arith.addi %scan3A_103, %select_n3A_132 : vector<128x1xi32>
        %le3A_134 = vector.broadcast %add3A_133 : vector<128x1xi32> to vector<128x512xi32>
        %le3A_135 = arith.cmpi sle, %bitcast_convert_type3A, %le3A_134 : vector<128x512xi32>
        %and3A_136 = arith.andi %le3A_30, %le3A_135 : vector<128x512xi1>
        %convert_element_type3A_137 = arith.extui %and3A_136 : vector<128x512xi1> to vector<128x512xi32>
        %reduce_sum3A_138 = arith.constant dense<0> : vector<128xi32>
        %reduce_sum3A_139 = vector.multi_reduction <add>, %convert_element_type3A_137, %reduce_sum3A_138 [1] : vector<128x512xi32> to vector<128xi32>
        %broadcast_in_dim3A_140 = vector.shape_cast %reduce_sum3A_139 : vector<128xi32> to vector<128x1xi32>
        %ge3A = arith.constant 64 : i32
        %ge3A_141 = vector.broadcast %ge3A : i32 to vector<128x1xi32>
        %ge3A_142 = arith.cmpi sge, %broadcast_in_dim3A_140, %ge3A_141 : vector<128x1xi32>
        %add3A_143 = arith.constant 1 : i32
        %add3A_144 = vector.broadcast %add3A_143 : i32 to vector<128x1xi32>
        %add3A_145 = arith.addi %add3A_133, %add3A_144 : vector<128x1xi32>
        %select_n3A_146 = arith.select %ge3A_142, %scan3A_103, %add3A_145 : vector<128x1xi1>, vector<128x1xi32>
        %select_n3A_147 = arith.select %ge3A_142, %add3A_133, %scan3A_104 : vector<128x1xi1>, vector<128x1xi32>
        scf.yield %select_n3A_146, %select_n3A_147 : vector<128x1xi32>, vector<128x1xi32>
      }
      %lt3A_74 = vector.broadcast %scan3A_73#1 : vector<128x1xi32> to vector<128x512xi32>
      %lt3A_75 = arith.cmpi slt, %bitcast_convert_type3A, %lt3A_74 : vector<128x512xi32>
      %and3A_76 = arith.andi %le3A_30, %lt3A_75 : vector<128x512xi1>
      %convert_element_type3A_77 = arith.extui %and3A_76 : vector<128x512xi1> to vector<128x512xi32>
      %reduce_sum3A_78 = arith.constant dense<0> : vector<128xi32>
      %reduce_sum3A_79 = vector.multi_reduction <add>, %convert_element_type3A_77, %reduce_sum3A_78 [1] : vector<128x512xi32> to vector<128xi32>
      %broadcast_in_dim3A_80 = vector.shape_cast %reduce_sum3A_79 : vector<128xi32> to vector<128x1xi32>
      %sub3A_81 = arith.constant 64 : i32
      %sub3A_82 = vector.broadcast %sub3A_81 : i32 to vector<128x1xi32>
      %sub3A_83 = arith.subi %sub3A_82, %broadcast_in_dim3A_80 : vector<128x1xi32>
      %broadcast_in_dim3A_84 = arith.constant 0 : i32
      %broadcast_in_dim3A_85 = vector.broadcast %broadcast_in_dim3A_84 : i32 to vector<128x1xi32>
      %broadcast_in_dim3A_86 = arith.constant 511 : i32
      %broadcast_in_dim3A_87 = vector.broadcast %broadcast_in_dim3A_86 : i32 to vector<128x1xi32>
      %scan3A_88 = arith.constant 0 : i32
      %scan3A_89 = arith.constant 11 : i32
      %scan3A_90 = arith.addi %scan3A_88, %scan3A_89 : i32
      %scan3A_91 = arith.constant 1 : i32
      %scan3A_92:2 = scf.for %scan3A_102 = %scan3A_88 to %scan3A_90 step %scan3A_91 iter_args(%scan3A_103 = %broadcast_in_dim3A_85, %scan3A_104 = %broadcast_in_dim3A_87) -> (vector<128x1xi32>, vector<128x1xi32>)  : i32 {
        %sub3A_105 = arith.subi %scan3A_104, %scan3A_103 : vector<128x1xi32>
        %jit3A_106 = arith.constant 2 : i32
        %div3A = vector.broadcast %jit3A_106 : i32 to vector<128x1xi32>
        %div3A_107 = arith.divsi %sub3A_105, %div3A : vector<128x1xi32>
        %sign3A = arith.constant 0 : i32
        %sign3A_108 = vector.broadcast %sign3A : i32 to vector<128x1xi32>
        %sign3A_109 = arith.cmpi sgt, %sub3A_105, %sign3A_108 : vector<128x1xi32>
        %sign3A_110 = arith.extui %sign3A_109 : vector<128x1xi1> to vector<128x1xi32>
        %sign3A_111 = arith.constant 0 : i32
        %sign3A_112 = vector.broadcast %sign3A_111 : i32 to vector<128x1xi32>
        %sign3A_113 = arith.cmpi slt, %sub3A_105, %sign3A_112 : vector<128x1xi32>
        %sign3A_114 = arith.extui %sign3A_113 : vector<128x1xi1> to vector<128x1xi32>
        %sign3A_115 = arith.subi %sign3A_110, %sign3A_114 : vector<128x1xi32>
        %sign3A_116 = arith.constant 0 : i32
        %sign3A_117 = arith.cmpi sgt, %jit3A_106, %sign3A_116 : i32
        %sign3A_118 = arith.extui %sign3A_117 : i1 to i32
        %sign3A_119 = arith.constant 0 : i32
        %sign3A_120 = arith.cmpi slt, %jit3A_106, %sign3A_119 : i32
        %sign3A_121 = arith.extui %sign3A_120 : i1 to i32
        %sign3A_122 = arith.subi %sign3A_118, %sign3A_121 : i32
        %ne3A = vector.broadcast %sign3A_122 : i32 to vector<128x1xi32>
        %ne3A_123 = arith.cmpi ne, %sign3A_115, %ne3A : vector<128x1xi32>
        %rem3A = vector.broadcast %jit3A_106 : i32 to vector<128x1xi32>
        %rem3A_124 = arith.remsi %sub3A_105, %rem3A : vector<128x1xi32>
        %ne3A_125 = arith.constant 0 : i32
        %ne3A_126 = vector.broadcast %ne3A_125 : i32 to vector<128x1xi32>
        %ne3A_127 = arith.cmpi ne, %rem3A_124, %ne3A_126 : vector<128x1xi32>
        %and3A_128 = arith.andi %ne3A_123, %ne3A_127 : vector<128x1xi1>
        %sub3A_129 = arith.constant 1 : i32
        %sub3A_130 = vector.broadcast %sub3A_129 : i32 to vector<128x1xi32>
        %sub3A_131 = arith.subi %div3A_107, %sub3A_130 : vector<128x1xi32>
        %select_n3A_132 = arith.select %and3A_128, %sub3A_131, %div3A_107 : vector<128x1xi1>, vector<128x1xi32>
        %add3A_133 = arith.addi %scan3A_103, %select_n3A_132 : vector<128x1xi32>
        %eq3A_134 = vector.broadcast %scan3A_73#1 : vector<128x1xi32> to vector<128x512xi32>
        %eq3A_135 = arith.cmpi eq, %bitcast_convert_type3A, %eq3A_134 : vector<128x512xi32>
        %and3A_136 = arith.andi %le3A_30, %eq3A_135 : vector<128x512xi1>
        %le3A_137 = vector.broadcast %add3A_133 : vector<128x1xi32> to vector<128x512xi32>
        %le3A_138 = arith.cmpi sle, %iota3A, %le3A_137 : vector<128x512xi32>
        %and3A_139 = arith.andi %and3A_136, %le3A_138 : vector<128x512xi1>
        %convert_element_type3A_140 = arith.extui %and3A_139 : vector<128x512xi1> to vector<128x512xi32>
        %reduce_sum3A_141 = arith.constant dense<0> : vector<128xi32>
        %reduce_sum3A_142 = vector.multi_reduction <add>, %convert_element_type3A_140, %reduce_sum3A_141 [1] : vector<128x512xi32> to vector<128xi32>
        %broadcast_in_dim3A_143 = vector.shape_cast %reduce_sum3A_142 : vector<128xi32> to vector<128x1xi32>
        %ge3A = arith.cmpi sge, %broadcast_in_dim3A_143, %sub3A_83 : vector<128x1xi32>
        %add3A_144 = arith.constant 1 : i32
        %add3A_145 = vector.broadcast %add3A_144 : i32 to vector<128x1xi32>
        %add3A_146 = arith.addi %add3A_133, %add3A_145 : vector<128x1xi32>
        %select_n3A_147 = arith.select %ge3A, %scan3A_103, %add3A_146 : vector<128x1xi1>, vector<128x1xi32>
        %select_n3A_148 = arith.select %ge3A, %add3A_133, %scan3A_104 : vector<128x1xi1>, vector<128x1xi32>
        scf.yield %select_n3A_147, %select_n3A_148 : vector<128x1xi32>, vector<128x1xi32>
      }
      %gt3A_93 = arith.constant 64 : i32
      %gt3A_94 = vector.broadcast %gt3A_93 : i32 to vector<128x1xi32>
      %gt3A_95 = arith.cmpi sgt, %broadcast_in_dim3A_32, %gt3A_94 : vector<128x1xi32>
      %jit3A_96 = arith.constant 1042536202 : i32
      %broadcast_in_dim3A_97 = vector.broadcast %jit3A_96 : i32 to vector<128x1xi32>
      %select_n3A_98 = arith.select %gt3A_95, %scan3A_73#1, %broadcast_in_dim3A_97 : vector<128x1xi1>, vector<128x1xi32>
      %jit3A_99 = arith.constant 512 : i32
      %broadcast_in_dim3A_100 = vector.broadcast %jit3A_99 : i32 to vector<128x1xi32>
      %select_n3A_101 = arith.select %gt3A_95, %scan3A_92#1, %broadcast_in_dim3A_100 : vector<128x1xi1>, vector<128x1xi32>
      scf.yield %select_n3A_98, %select_n3A_101 : vector<128x1xi32>, vector<128x1xi32>
    } else {
      %broadcast_in_dim3A_66 = arith.constant 1042536202 : i32
      %broadcast_in_dim3A_67 = vector.broadcast %broadcast_in_dim3A_66 : i32 to vector<128x1xi32>
      %broadcast_in_dim3A_68 = arith.constant 512 : i32
      %broadcast_in_dim3A_69 = vector.broadcast %broadcast_in_dim3A_68 : i32 to vector<128x1xi32>
      scf.yield %broadcast_in_dim3A_67, %broadcast_in_dim3A_69 : vector<128x1xi32>, vector<128x1xi32>
    }
    %lt3A = vector.broadcast %cond3A_40#0 : vector<128x1xi32> to vector<128x512xi32>
    %lt3A_41 = arith.cmpi slt, %bitcast_convert_type3A, %lt3A : vector<128x512xi32>
    %eq3A = vector.broadcast %cond3A_40#0 : vector<128x1xi32> to vector<128x512xi32>
    %eq3A_42 = arith.cmpi eq, %bitcast_convert_type3A, %eq3A : vector<128x512xi32>
    %le3A_43 = vector.broadcast %cond3A_40#1 : vector<128x1xi32> to vector<128x512xi32>
    %le3A_44 = arith.cmpi sle, %iota3A, %le3A_43 : vector<128x512xi32>
    %and3A = arith.andi %eq3A_42, %le3A_44 : vector<128x512xi1>
    %or3A = arith.ori %lt3A_41, %and3A : vector<128x512xi1>
    %and3A_45 = arith.andi %le3A_30, %or3A : vector<128x512xi1>
    %convert_element_type3A_46 = arith.extui %and3A_45 : vector<128x512xi1> to vector<128x512xi32>
    %convert_element_type3A_47 = arith.sitofp %convert_element_type3A_46 : vector<128x512xi32> to vector<128x512xf32>
    %get3A_48 = arith.constant 0 : index
    %get3A_49 = arith.constant 0 : index
    %get3A_50 = vector.load %arg4[%get3A_48, %get3A_49] : memref<512x512xf32, #tpu.memory_space<vmem>>, vector<512x512xf32>
    %dot_general3A = arith.constant dense<0.000000e+00> : vector<128x512xf32>
    %dot_general3A_51 = tpu.matmul %convert_element_type3A_47, %get3A_50, %dot_general3A {dimension_numbers = #tpu.dot_dimension_numbers<[1], [0], [0], [1], [0, 0, 1, 1], [], []>, transpose_lhs_hint = false} : vector<128x512xf32>, vector<512x512xf32>, vector<128x512xf32> -> vector<128x512xf32>
    %convert_element_type3A_52 = arith.fptosi %dot_general3A_51 : vector<128x512xf32> to vector<128x512xi32>
    %jit3A = arith.constant 0 : i32
    %broadcast_in_dim3A_53 = vector.broadcast %jit3A : i32 to vector<128x512xi32>
    %select_n3A = arith.select %and3A_45, %convert_element_type3A_52, %broadcast_in_dim3A_53 : vector<128x512xi1>, vector<128x512xi32>
    %swap3A = arith.constant 0 : index
    %swap3A_54 = arith.constant 0 : index
    %swap3A_55 = arith.constant 0 : index
    %swap3A_56 = vector.load %arg5[%swap3A, %swap3A_54, %swap3A_55] : memref<1x128x512xi32, #tpu.memory_space<vmem>>, vector<1x128x512xi32>
    %swap3A_57 = vector.shape_cast %swap3A_56 : vector<1x128x512xi32> to vector<128x512xi32>
    %swap3A_58 = vector.shape_cast %select_n3A : vector<128x512xi32> to vector<1x128x512xi32>
    tpu.vector_store %arg5[%swap3A, %swap3A_54, %swap3A_55], %swap3A_58 {strides = array<i32>} : memref<1x128x512xi32, #tpu.memory_space<vmem>>, vector<1x128x512xi32>,
    %slice3A_59 = vector.extract_strided_slice %convert_element_type3A_52 {offsets = [0, 511], sizes = [128, 1], strides = [1, 1]} : vector<128x512xi32> to vector<128x1xi32>
    %swap3A_60 = arith.constant 0 : index
    %swap3A_61 = arith.constant 0 : index
    %swap3A_62 = arith.constant 0 : index
    %swap3A_63 = vector.load %arg6[%swap3A_60, %swap3A_61, %swap3A_62] : memref<1x128x1xi32, #tpu.memory_space<vmem>>, vector<1x128x1xi32>
    %swap3A_64 = vector.shape_cast %swap3A_63 : vector<1x128x1xi32> to vector<128x1xi32>
    %swap3A_65 = vector.shape_cast %slice3A_59 : vector<128x1xi32> to vector<1x128x1xi32>
    tpu.vector_store %arg6[%swap3A_60, %swap3A_61, %swap3A_62], %swap3A_65 {strides = array<i32>} : memref<1x128x1xi32, #tpu.memory_space<vmem>>, vector<1x128x1xi32>,
    return
  }
  func.func @transform_0(%arg0: i32, %arg1: i32) -> (i32, i32, i32) {
    %c0_i32 = arith.constant 0 : i32
    %c0_i32_0 = arith.constant 0 : i32
    %c0_i32_1 = arith.constant 0 : i32
    return %arg0, %c0_i32, %c0_i32_0 : i32, i32, i32
  }
  func.func @transform_1(%arg0: i32, %arg1: i32) -> (i32, i32, i32) {
    %c0_i32 = arith.constant 0 : i32
    %c0_i32_0 = arith.constant 0 : i32
    return %arg0, %arg1, %c0_i32 : i32, i32, i32
  }
  func.func @transform_2(%arg0: i32, %arg1: i32) -> (i32, i32) {
    %c0_i32 = arith.constant 0 : i32
    %c0_i32_0 = arith.constant 0 : i32
    %c0_i32_1 = arith.constant 0 : i32
    return %c0_i32, %c0_i32_0 : i32, i32
  }
  func.func @transform_3(%arg0: i32, %arg1: i32) -> (i32, i32, i32) {
    %mul3A = arith.constant 1 : i32
    %mul3A_0 = arith.muli %arg0, %mul3A : i32
    %add3A = arith.addi %mul3A_0, %arg1 : i32
    %c0_i32 = arith.constant 0 : i32
    %c0_i32_1 = arith.constant 0 : i32
    %c0_i32_2 = arith.constant 0 : i32
    return %add3A, %c0_i32, %c0_i32_1 : i32, i32, i32
  }
  func.func @transform_4(%arg0: i32, %arg1: i32) -> (i32, i32, i32) {
    %mul3A = arith.constant 1 : i32
    %mul3A_0 = arith.muli %arg0, %mul3A : i32
    %add3A = arith.addi %mul3A_0, %arg1 : i32
    %c0_i32 = arith.constant 0 : i32
    %c0_i32_1 = arith.constant 0 : i32
    %c0_i32_2 = arith.constant 0 : i32
    return %add3A, %c0_i32, %c0_i32_1 : i32, i32, i32
  }
}

module attributes {stable_mosaic.version = 14 : i64} {
  func.func @_cagg_kernel(%arg0: i32, %arg1: i32, %arg2: memref<256x64x3xf32, #tpu.memory_space<vmem>>, %arg3: memref<1x256x1xi32, #tpu.memory_space<vmem>>, %arg4: memref<1x256x3xf32, #tpu.memory_space<vmem>>, %arg5: memref<3x64xf32, #tpu.memory_space<vmem>>, %arg6: memref<1x64xf32, #tpu.memory_space<vmem>>, %arg7: memref<1x64xf32, #tpu.memory_space<vmem>>, %arg8: memref<1x64xf32, #tpu.memory_space<vmem>>, %arg9: memref<64x64xf32, #tpu.memory_space<vmem>>, %arg10: memref<1x64xf32, #tpu.memory_space<vmem>>, %arg11: memref<1x64xf32, #tpu.memory_space<vmem>>, %arg12: memref<1x64xf32, #tpu.memory_space<vmem>>, %arg13: memref<64x128xf32, #tpu.memory_space<vmem>>, %arg14: memref<1x128xf32, #tpu.memory_space<vmem>>, %arg15: memref<1x128xf32, #tpu.memory_space<vmem>>, %arg16: memref<1x128xf32, #tpu.memory_space<vmem>>, %arg17: memref<1x256x128xf32, #tpu.memory_space<vmem>>) attributes {dimension_semantics = [#tpu.dimension_semantics<arbitrary>, #tpu.dimension_semantics<arbitrary>], iteration_bounds = array<i64: 16, 2>, scalar_prefetch = 0 : i64, scratch_operands = 0 : i64, tpu.core_type = #tpu.core_type<tc>, window_params = [{transform_indices = @transform_0, window_bounds = array<i64: 256, 64, 3>}, {transform_indices = @transform_1, window_bounds = array<i64: 1, 256, 1>}, {transform_indices = @transform_2, window_bounds = array<i64: 1, 256, 3>}, {pipeline_mode = #tpu.pipeline_mode<synchronous>, transform_indices = @transform_3, window_bounds = array<i64: 3, 64>}, {pipeline_mode = #tpu.pipeline_mode<synchronous>, transform_indices = @transform_4, window_bounds = array<i64: 1, 64>}, {pipeline_mode = #tpu.pipeline_mode<synchronous>, transform_indices = @transform_5, window_bounds = array<i64: 1, 64>}, {pipeline_mode = #tpu.pipeline_mode<synchronous>, transform_indices = @transform_6, window_bounds = array<i64: 1, 64>}, {pipeline_mode = #tpu.pipeline_mode<synchronous>, transform_indices = @transform_7, window_bounds = array<i64: 64, 64>}, {pipeline_mode = #tpu.pipeline_mode<synchronous>, transform_indices = @transform_8, window_bounds = array<i64: 1, 64>}, {pipeline_mode = #tpu.pipeline_mode<synchronous>, transform_indices = @transform_9, window_bounds = array<i64: 1, 64>}, {pipeline_mode = #tpu.pipeline_mode<synchronous>, transform_indices = @transform_10, window_bounds = array<i64: 1, 64>}, {pipeline_mode = #tpu.pipeline_mode<synchronous>, transform_indices = @transform_11, window_bounds = array<i64: 64, 128>}, {pipeline_mode = #tpu.pipeline_mode<synchronous>, transform_indices = @transform_12, window_bounds = array<i64: 1, 128>}, {pipeline_mode = #tpu.pipeline_mode<synchronous>, transform_indices = @transform_13, window_bounds = array<i64: 1, 128>}, {pipeline_mode = #tpu.pipeline_mode<synchronous>, transform_indices = @transform_14, window_bounds = array<i64: 1, 128>}, {transform_indices = @transform_15, window_bounds = array<i64: 1, 256, 128>}]} {
    %get3A = arith.constant 0 : index
    %get3A_0 = arith.constant 0 : index
    %get3A_1 = vector.load %arg5[%get3A, %get3A_0] : memref<3x64xf32, #tpu.memory_space<vmem>>, vector<3x64xf32>
    %get3A_2 = arith.constant 0 : index
    %get3A_3 = arith.constant 0 : index
    %get3A_4 = arith.constant 0 : index
    %get3A_5 = vector.load %arg4[%get3A_2, %get3A_3, %get3A_4] : memref<1x256x3xf32, #tpu.memory_space<vmem>>, vector<1x256x3xf32>
    %get3A_6 = vector.shape_cast %get3A_5 : vector<1x256x3xf32> to vector<256x3xf32>
    %dot_general3A = arith.constant dense<0.000000e+00> : vector<256x64xf32>
    %dot_general3A_7 = tpu.matmul %get3A_6, %get3A_1, %dot_general3A {dimension_numbers = #tpu.dot_dimension_numbers<[1], [0], [0], [1], [0, 0, 1, 1], [], []>, transpose_lhs_hint = false} : vector<256x3xf32>, vector<3x64xf32>, vector<256x64xf32> -> vector<256x64xf32>
    %get3A_8 = arith.constant 0 : index
    %get3A_9 = arith.constant 0 : index
    %get3A_10 = arith.constant 0 : index
    %get3A_11 = vector.load %arg2[%get3A_8, %get3A_9, %get3A_10] : memref<256x64x3xf32, #tpu.memory_space<vmem>>, vector<256x64x3xf32>
    %reshape3A = vector.shape_cast %get3A_11 : vector<256x64x3xf32> to vector<16384x3xf32>
    %dot_general3A_12 = arith.constant dense<0.000000e+00> : vector<16384x64xf32>
    %dot_general3A_13 = tpu.matmul %reshape3A, %get3A_1, %dot_general3A_12 {dimension_numbers = #tpu.dot_dimension_numbers<[1], [0], [0], [1], [0, 0, 1, 1], [], []>, transpose_lhs_hint = false} : vector<16384x3xf32>, vector<3x64xf32>, vector<16384x64xf32> -> vector<16384x64xf32>
    %reshape3A_14 = vector.shape_cast %dot_general3A_13 : vector<16384x64xf32> to vector<256x64x64xf32>
    %broadcast_in_dim3A = vector.shape_cast %dot_general3A_7 : vector<256x64xf32> to vector<256x1x64xf32>
    %broadcast_in_dim3A_15 = vector.broadcast %broadcast_in_dim3A : vector<256x1x64xf32> to vector<256x64x64xf32>
    %sub3A = arith.subf %reshape3A_14, %broadcast_in_dim3A_15 : vector<256x64x64xf32>
    %get3A_16 = arith.constant 0 : index
    %get3A_17 = arith.constant 0 : index
    %get3A_18 = vector.load %arg6[%get3A_16, %get3A_17] : memref<1x64xf32, #tpu.memory_space<vmem>>, vector<1x64xf32>
    %broadcast_in_dim3A_19 = vector.shape_cast %get3A_18 : vector<1x64xf32> to vector<1x1x64xf32>
    %broadcast_in_dim3A_20 = vector.broadcast %broadcast_in_dim3A_19 : vector<1x1x64xf32> to vector<256x64x64xf32>
    %add3A = arith.addf %sub3A, %broadcast_in_dim3A_20 : vector<256x64x64xf32>
    %max3A = arith.constant 0.000000e+00 : f32
    %max3A_21 = vector.broadcast %max3A : f32 to vector<256x64x64xf32>
    %max3A_22 = arith.maximumf %add3A, %max3A_21 : vector<256x64x64xf32>
    %get3A_23 = arith.constant 0 : index
    %get3A_24 = arith.constant 0 : index
    %get3A_25 = vector.load %arg7[%get3A_23, %get3A_24] : memref<1x64xf32, #tpu.memory_space<vmem>>, vector<1x64xf32>
    %broadcast_in_dim3A_26 = vector.shape_cast %get3A_25 : vector<1x64xf32> to vector<1x1x64xf32>
    %broadcast_in_dim3A_27 = vector.broadcast %broadcast_in_dim3A_26 : vector<1x1x64xf32> to vector<256x64x64xf32>
    %mul3A = arith.mulf %max3A_22, %broadcast_in_dim3A_27 : vector<256x64x64xf32>
    %get3A_28 = arith.constant 0 : index
    %get3A_29 = arith.constant 0 : index
    %get3A_30 = vector.load %arg8[%get3A_28, %get3A_29] : memref<1x64xf32, #tpu.memory_space<vmem>>, vector<1x64xf32>
    %broadcast_in_dim3A_31 = vector.shape_cast %get3A_30 : vector<1x64xf32> to vector<1x1x64xf32>
    %broadcast_in_dim3A_32 = vector.broadcast %broadcast_in_dim3A_31 : vector<1x1x64xf32> to vector<256x64x64xf32>
    %add3A_33 = arith.addf %mul3A, %broadcast_in_dim3A_32 : vector<256x64x64xf32>
    %reshape3A_34 = vector.shape_cast %add3A_33 : vector<256x64x64xf32> to vector<16384x64xf32>
    %get3A_35 = arith.constant 0 : index
    %get3A_36 = arith.constant 0 : index
    %get3A_37 = vector.load %arg9[%get3A_35, %get3A_36] : memref<64x64xf32, #tpu.memory_space<vmem>>, vector<64x64xf32>
    %dot_general3A_38 = arith.constant dense<0.000000e+00> : vector<16384x64xf32>
    %dot_general3A_39 = tpu.matmul %reshape3A_34, %get3A_37, %dot_general3A_38 {dimension_numbers = #tpu.dot_dimension_numbers<[1], [0], [0], [1], [0, 0, 1, 1], [], []>, transpose_lhs_hint = false} : vector<16384x64xf32>, vector<64x64xf32>, vector<16384x64xf32> -> vector<16384x64xf32>
    %get3A_40 = arith.constant 0 : index
    %get3A_41 = arith.constant 0 : index
    %get3A_42 = vector.load %arg10[%get3A_40, %get3A_41] : memref<1x64xf32, #tpu.memory_space<vmem>>, vector<1x64xf32>
    %add3A_43 = vector.broadcast %get3A_42 : vector<1x64xf32> to vector<16384x64xf32>
    %add3A_44 = arith.addf %dot_general3A_39, %add3A_43 : vector<16384x64xf32>
    %max3A_45 = arith.constant 0.000000e+00 : f32
    %max3A_46 = vector.broadcast %max3A_45 : f32 to vector<16384x64xf32>
    %max3A_47 = arith.maximumf %add3A_44, %max3A_46 : vector<16384x64xf32>
    %get3A_48 = arith.constant 0 : index
    %get3A_49 = arith.constant 0 : index
    %get3A_50 = vector.load %arg11[%get3A_48, %get3A_49] : memref<1x64xf32, #tpu.memory_space<vmem>>, vector<1x64xf32>
    %mul3A_51 = vector.broadcast %get3A_50 : vector<1x64xf32> to vector<16384x64xf32>
    %mul3A_52 = arith.mulf %max3A_47, %mul3A_51 : vector<16384x64xf32>
    %get3A_53 = arith.constant 0 : index
    %get3A_54 = arith.constant 0 : index
    %get3A_55 = vector.load %arg12[%get3A_53, %get3A_54] : memref<1x64xf32, #tpu.memory_space<vmem>>, vector<1x64xf32>
    %add3A_56 = vector.broadcast %get3A_55 : vector<1x64xf32> to vector<16384x64xf32>
    %add3A_57 = arith.addf %mul3A_52, %add3A_56 : vector<16384x64xf32>
    %get3A_58 = arith.constant 0 : index
    %get3A_59 = arith.constant 0 : index
    %get3A_60 = vector.load %arg13[%get3A_58, %get3A_59] : memref<64x128xf32, #tpu.memory_space<vmem>>, vector<64x128xf32>
    %dot_general3A_61 = arith.constant dense<0.000000e+00> : vector<16384x128xf32>
    %dot_general3A_62 = tpu.matmul %add3A_57, %get3A_60, %dot_general3A_61 {dimension_numbers = #tpu.dot_dimension_numbers<[1], [0], [0], [1], [0, 0, 1, 1], [], []>, transpose_lhs_hint = false} : vector<16384x64xf32>, vector<64x128xf32>, vector<16384x128xf32> -> vector<16384x128xf32>
    %get3A_63 = arith.constant 0 : index
    %get3A_64 = arith.constant 0 : index
    %get3A_65 = vector.load %arg14[%get3A_63, %get3A_64] : memref<1x128xf32, #tpu.memory_space<vmem>>, vector<1x128xf32>
    %add3A_66 = vector.broadcast %get3A_65 : vector<1x128xf32> to vector<16384x128xf32>
    %add3A_67 = arith.addf %dot_general3A_62, %add3A_66 : vector<16384x128xf32>
    %max3A_68 = arith.constant 0.000000e+00 : f32
    %max3A_69 = vector.broadcast %max3A_68 : f32 to vector<16384x128xf32>
    %max3A_70 = arith.maximumf %add3A_67, %max3A_69 : vector<16384x128xf32>
    %get3A_71 = arith.constant 0 : index
    %get3A_72 = arith.constant 0 : index
    %get3A_73 = vector.load %arg15[%get3A_71, %get3A_72] : memref<1x128xf32, #tpu.memory_space<vmem>>, vector<1x128xf32>
    %mul3A_74 = vector.broadcast %get3A_73 : vector<1x128xf32> to vector<16384x128xf32>
    %mul3A_75 = arith.mulf %max3A_70, %mul3A_74 : vector<16384x128xf32>
    %get3A_76 = arith.constant 0 : index
    %get3A_77 = arith.constant 0 : index
    %get3A_78 = vector.load %arg16[%get3A_76, %get3A_77] : memref<1x128xf32, #tpu.memory_space<vmem>>, vector<1x128xf32>
    %add3A_79 = vector.broadcast %get3A_78 : vector<1x128xf32> to vector<16384x128xf32>
    %add3A_80 = arith.addf %mul3A_75, %add3A_79 : vector<16384x128xf32>
    %reshape3A_81 = vector.shape_cast %add3A_80 : vector<16384x128xf32> to vector<256x64x128xf32>
    %get3A_82 = arith.constant 0 : index
    %get3A_83 = arith.constant 0 : index
    %get3A_84 = arith.constant 0 : index
    %get3A_85 = vector.load %arg3[%get3A_82, %get3A_83, %get3A_84] : memref<1x256x1xi32, #tpu.memory_space<vmem>>, vector<1x256x1xi32>
    %get3A_86 = vector.shape_cast %get3A_85 : vector<1x256x1xi32> to vector<256x1xi32>
    %iota3A = tpu.iota {dimensions = array<i32: 1>} : vector<256x64xi32>
    %lt3A = vector.broadcast %get3A_86 : vector<256x1xi32> to vector<256x64xi32>
    %lt3A_87 = arith.cmpi slt, %iota3A, %lt3A : vector<256x64xi32>
    %jit3A = arith.constant 0.000000e+00 : f32
    %jit3A_88 = arith.constant 0xFF800000 : f32
    %broadcast_in_dim3A_89 = vector.broadcast %jit3A : f32 to vector<256x64xf32>
    %broadcast_in_dim3A_90 = vector.broadcast %jit3A_88 : f32 to vector<256x64xf32>
    %select_n3A = arith.select %lt3A_87, %broadcast_in_dim3A_89, %broadcast_in_dim3A_90 : vector<256x64xi1>, vector<256x64xf32>
    %broadcast_in_dim3A_91 = vector.shape_cast %select_n3A : vector<256x64xf32> to vector<256x64x1xf32>
    %broadcast_in_dim3A_92 = vector.broadcast %broadcast_in_dim3A_91 : vector<256x64x1xf32> to vector<256x64x128xf32>
    %add3A_93 = arith.addf %reshape3A_81, %broadcast_in_dim3A_92 : vector<256x64x128xf32>
    %reduce_max3A = arith.constant dense<0xFF800000> : vector<256x128xf32>
    %reduce_max3A_94 = vector.multi_reduction <maximumf>, %add3A_93, %reduce_max3A [1] : vector<256x64x128xf32> to vector<256x128xf32>
    %gt3A = arith.constant 0 : i32
    %gt3A_95 = vector.broadcast %gt3A : i32 to vector<256x1xi32>
    %gt3A_96 = arith.cmpi sgt, %get3A_86, %gt3A_95 : vector<256x1xi32>
    %jit3A_97 = arith.constant 0.000000e+00 : f32
    %broadcast_in_dim3A_98 = vector.shape_cast %gt3A_96 : vector<256x1xi1> to vector<256x1xi1>
    %broadcast_in_dim3A_99 = vector.broadcast %broadcast_in_dim3A_98 : vector<256x1xi1> to vector<256x128xi1>
    %broadcast_in_dim3A_100 = vector.broadcast %jit3A_97 : f32 to vector<256x128xf32>
    %select_n3A_101 = arith.select %broadcast_in_dim3A_99, %reduce_max3A_94, %broadcast_in_dim3A_100 : vector<256x128xi1>, vector<256x128xf32>
    %swap3A = arith.constant 0 : index
    %swap3A_102 = arith.constant 0 : index
    %swap3A_103 = arith.constant 0 : index
    %swap3A_104 = vector.load %arg17[%swap3A, %swap3A_102, %swap3A_103] : memref<1x256x128xf32, #tpu.memory_space<vmem>>, vector<1x256x128xf32>
    %swap3A_105 = vector.shape_cast %swap3A_104 : vector<1x256x128xf32> to vector<256x128xf32>
    %swap3A_106 = vector.shape_cast %select_n3A_101 : vector<256x128xf32> to vector<1x256x128xf32>
    tpu.vector_store %arg17[%swap3A, %swap3A_102, %swap3A_103], %swap3A_106 {strides = array<i32>} : memref<1x256x128xf32, #tpu.memory_space<vmem>>, vector<1x256x128xf32>,
    return
  }
  func.func @transform_0(%arg0: i32, %arg1: i32) -> (i32, i32, i32) {
    %mul3A = arith.constant 2 : i32
    %mul3A_0 = arith.muli %arg0, %mul3A : i32
    %add3A = arith.addi %mul3A_0, %arg1 : i32
    %c0_i32 = arith.constant 0 : i32
    %c0_i32_1 = arith.constant 0 : i32
    %c0_i32_2 = arith.constant 0 : i32
    return %add3A, %c0_i32, %c0_i32_1 : i32, i32, i32
  }
  func.func @transform_1(%arg0: i32, %arg1: i32) -> (i32, i32, i32) {
    %mul3A = arith.constant 2 : i32
    %mul3A_0 = arith.muli %arg0, %mul3A : i32
    %add3A = arith.addi %mul3A_0, %arg1 : i32
    %c0_i32 = arith.constant 0 : i32
    %c0_i32_1 = arith.constant 0 : i32
    %c0_i32_2 = arith.constant 0 : i32
    return %add3A, %c0_i32, %c0_i32_1 : i32, i32, i32
  }
  func.func @transform_2(%arg0: i32, %arg1: i32) -> (i32, i32, i32) {
    %c0_i32 = arith.constant 0 : i32
    %c0_i32_0 = arith.constant 0 : i32
    return %arg0, %arg1, %c0_i32 : i32, i32, i32
  }
  func.func @transform_3(%arg0: i32, %arg1: i32) -> (i32, i32) {
    %c0_i32 = arith.constant 0 : i32
    %c0_i32_0 = arith.constant 0 : i32
    %c0_i32_1 = arith.constant 0 : i32
    return %c0_i32, %c0_i32_0 : i32, i32
  }
  func.func @transform_4(%arg0: i32, %arg1: i32) -> (i32, i32) {
    %c0_i32 = arith.constant 0 : i32
    %c0_i32_0 = arith.constant 0 : i32
    %c0_i32_1 = arith.constant 0 : i32
    return %c0_i32, %c0_i32_0 : i32, i32
  }
  func.func @transform_5(%arg0: i32, %arg1: i32) -> (i32, i32) {
    %c0_i32 = arith.constant 0 : i32
    %c0_i32_0 = arith.constant 0 : i32
    %c0_i32_1 = arith.constant 0 : i32
    return %c0_i32, %c0_i32_0 : i32, i32
  }
  func.func @transform_6(%arg0: i32, %arg1: i32) -> (i32, i32) {
    %c0_i32 = arith.constant 0 : i32
    %c0_i32_0 = arith.constant 0 : i32
    %c0_i32_1 = arith.constant 0 : i32
    return %c0_i32, %c0_i32_0 : i32, i32
  }
  func.func @transform_7(%arg0: i32, %arg1: i32) -> (i32, i32) {
    %c0_i32 = arith.constant 0 : i32
    %c0_i32_0 = arith.constant 0 : i32
    %c0_i32_1 = arith.constant 0 : i32
    return %c0_i32, %c0_i32_0 : i32, i32
  }
  func.func @transform_8(%arg0: i32, %arg1: i32) -> (i32, i32) {
    %c0_i32 = arith.constant 0 : i32
    %c0_i32_0 = arith.constant 0 : i32
    %c0_i32_1 = arith.constant 0 : i32
    return %c0_i32, %c0_i32_0 : i32, i32
  }
  func.func @transform_9(%arg0: i32, %arg1: i32) -> (i32, i32) {
    %c0_i32 = arith.constant 0 : i32
    %c0_i32_0 = arith.constant 0 : i32
    %c0_i32_1 = arith.constant 0 : i32
    return %c0_i32, %c0_i32_0 : i32, i32
  }
  func.func @transform_10(%arg0: i32, %arg1: i32) -> (i32, i32) {
    %c0_i32 = arith.constant 0 : i32
    %c0_i32_0 = arith.constant 0 : i32
    %c0_i32_1 = arith.constant 0 : i32
    return %c0_i32, %c0_i32_0 : i32, i32
  }
  func.func @transform_11(%arg0: i32, %arg1: i32) -> (i32, i32) {
    %c0_i32 = arith.constant 0 : i32
    %c0_i32_0 = arith.constant 0 : i32
    %c0_i32_1 = arith.constant 0 : i32
    return %c0_i32, %c0_i32_0 : i32, i32
  }
  func.func @transform_12(%arg0: i32, %arg1: i32) -> (i32, i32) {
    %c0_i32 = arith.constant 0 : i32
    %c0_i32_0 = arith.constant 0 : i32
    %c0_i32_1 = arith.constant 0 : i32
    return %c0_i32, %c0_i32_0 : i32, i32
  }
  func.func @transform_13(%arg0: i32, %arg1: i32) -> (i32, i32) {
    %c0_i32 = arith.constant 0 : i32
    %c0_i32_0 = arith.constant 0 : i32
    %c0_i32_1 = arith.constant 0 : i32
    return %c0_i32, %c0_i32_0 : i32, i32
  }
  func.func @transform_14(%arg0: i32, %arg1: i32) -> (i32, i32) {
    %c0_i32 = arith.constant 0 : i32
    %c0_i32_0 = arith.constant 0 : i32
    %c0_i32_1 = arith.constant 0 : i32
    return %c0_i32, %c0_i32_0 : i32, i32
  }
  func.func @transform_15(%arg0: i32, %arg1: i32) -> (i32, i32, i32) {
    %c0_i32 = arith.constant 0 : i32
    %c0_i32_0 = arith.constant 0 : i32
    return %arg0, %arg1, %c0_i32 : i32, i32, i32
  }
}

module attributes {stable_mosaic.version = 14 : i64} {
  func.func @_cagg_kernel(%arg0: i32, %arg1: i32, %arg2: memref<128x64x128xf32, #tpu.memory_space<vmem>>, %arg3: memref<128x64x3xf32, #tpu.memory_space<vmem>>, %arg4: memref<1x128x1xi32, #tpu.memory_space<vmem>>, %arg5: memref<1x128x3xf32, #tpu.memory_space<vmem>>, %arg6: memref<128x128xf32, #tpu.memory_space<vmem>>, %arg7: memref<3x128xf32, #tpu.memory_space<vmem>>, %arg8: memref<1x128xf32, #tpu.memory_space<vmem>>, %arg9: memref<1x128xf32, #tpu.memory_space<vmem>>, %arg10: memref<1x128xf32, #tpu.memory_space<vmem>>, %arg11: memref<128x128xf32, #tpu.memory_space<vmem>>, %arg12: memref<1x128xf32, #tpu.memory_space<vmem>>, %arg13: memref<1x128xf32, #tpu.memory_space<vmem>>, %arg14: memref<1x128xf32, #tpu.memory_space<vmem>>, %arg15: memref<128x256xf32, #tpu.memory_space<vmem>>, %arg16: memref<1x256xf32, #tpu.memory_space<vmem>>, %arg17: memref<1x256xf32, #tpu.memory_space<vmem>>, %arg18: memref<1x256xf32, #tpu.memory_space<vmem>>, %arg19: memref<1x128x256xf32, #tpu.memory_space<vmem>>) attributes {dimension_semantics = [#tpu.dimension_semantics<arbitrary>, #tpu.dimension_semantics<arbitrary>], iteration_bounds = array<i64: 16, 1>, scalar_prefetch = 0 : i64, scratch_operands = 0 : i64, tpu.core_type = #tpu.core_type<tc>, window_params = [{transform_indices = @transform_0, window_bounds = array<i64: 128, 64, 128>}, {transform_indices = @transform_1, window_bounds = array<i64: 128, 64, 3>}, {transform_indices = @transform_2, window_bounds = array<i64: 1, 128, 1>}, {transform_indices = @transform_3, window_bounds = array<i64: 1, 128, 3>}, {pipeline_mode = #tpu.pipeline_mode<synchronous>, transform_indices = @transform_4, window_bounds = array<i64: 128, 128>}, {pipeline_mode = #tpu.pipeline_mode<synchronous>, transform_indices = @transform_5, window_bounds = array<i64: 3, 128>}, {pipeline_mode = #tpu.pipeline_mode<synchronous>, transform_indices = @transform_6, window_bounds = array<i64: 1, 128>}, {pipeline_mode = #tpu.pipeline_mode<synchronous>, transform_indices = @transform_7, window_bounds = array<i64: 1, 128>}, {pipeline_mode = #tpu.pipeline_mode<synchronous>, transform_indices = @transform_8, window_bounds = array<i64: 1, 128>}, {pipeline_mode = #tpu.pipeline_mode<synchronous>, transform_indices = @transform_9, window_bounds = array<i64: 128, 128>}, {pipeline_mode = #tpu.pipeline_mode<synchronous>, transform_indices = @transform_10, window_bounds = array<i64: 1, 128>}, {pipeline_mode = #tpu.pipeline_mode<synchronous>, transform_indices = @transform_11, window_bounds = array<i64: 1, 128>}, {pipeline_mode = #tpu.pipeline_mode<synchronous>, transform_indices = @transform_12, window_bounds = array<i64: 1, 128>}, {pipeline_mode = #tpu.pipeline_mode<synchronous>, transform_indices = @transform_13, window_bounds = array<i64: 128, 256>}, {pipeline_mode = #tpu.pipeline_mode<synchronous>, transform_indices = @transform_14, window_bounds = array<i64: 1, 256>}, {pipeline_mode = #tpu.pipeline_mode<synchronous>, transform_indices = @transform_15, window_bounds = array<i64: 1, 256>}, {pipeline_mode = #tpu.pipeline_mode<synchronous>, transform_indices = @transform_16, window_bounds = array<i64: 1, 256>}, {transform_indices = @transform_17, window_bounds = array<i64: 1, 128, 256>}]} {
    %get3A = arith.constant 0 : index
    %get3A_0 = arith.constant 0 : index
    %get3A_1 = vector.load %arg7[%get3A, %get3A_0] : memref<3x128xf32, #tpu.memory_space<vmem>>, vector<3x128xf32>
    %get3A_2 = arith.constant 0 : index
    %get3A_3 = arith.constant 0 : index
    %get3A_4 = arith.constant 0 : index
    %get3A_5 = vector.load %arg5[%get3A_2, %get3A_3, %get3A_4] : memref<1x128x3xf32, #tpu.memory_space<vmem>>, vector<1x128x3xf32>
    %get3A_6 = vector.shape_cast %get3A_5 : vector<1x128x3xf32> to vector<128x3xf32>
    %dot_general3A = arith.constant dense<0.000000e+00> : vector<128x128xf32>
    %dot_general3A_7 = tpu.matmul %get3A_6, %get3A_1, %dot_general3A {dimension_numbers = #tpu.dot_dimension_numbers<[1], [0], [0], [1], [0, 0, 1, 1], [], []>, transpose_lhs_hint = false} : vector<128x3xf32>, vector<3x128xf32>, vector<128x128xf32> -> vector<128x128xf32>
    %get3A_8 = arith.constant 0 : index
    %get3A_9 = arith.constant 0 : index
    %get3A_10 = arith.constant 0 : index
    %get3A_11 = vector.load %arg3[%get3A_8, %get3A_9, %get3A_10] : memref<128x64x3xf32, #tpu.memory_space<vmem>>, vector<128x64x3xf32>
    %reshape3A = vector.shape_cast %get3A_11 : vector<128x64x3xf32> to vector<8192x3xf32>
    %dot_general3A_12 = arith.constant dense<0.000000e+00> : vector<8192x128xf32>
    %dot_general3A_13 = tpu.matmul %reshape3A, %get3A_1, %dot_general3A_12 {dimension_numbers = #tpu.dot_dimension_numbers<[1], [0], [0], [1], [0, 0, 1, 1], [], []>, transpose_lhs_hint = false} : vector<8192x3xf32>, vector<3x128xf32>, vector<8192x128xf32> -> vector<8192x128xf32>
    %get3A_14 = arith.constant 0 : index
    %get3A_15 = arith.constant 0 : index
    %get3A_16 = arith.constant 0 : index
    %get3A_17 = vector.load %arg2[%get3A_14, %get3A_15, %get3A_16] : memref<128x64x128xf32, #tpu.memory_space<vmem>>, vector<128x64x128xf32>
    %reshape3A_18 = vector.shape_cast %get3A_17 : vector<128x64x128xf32> to vector<8192x128xf32>
    %get3A_19 = arith.constant 0 : index
    %get3A_20 = arith.constant 0 : index
    %get3A_21 = vector.load %arg6[%get3A_19, %get3A_20] : memref<128x128xf32, #tpu.memory_space<vmem>>, vector<128x128xf32>
    %dot_general3A_22 = arith.constant dense<0.000000e+00> : vector<8192x128xf32>
    %dot_general3A_23 = tpu.matmul %reshape3A_18, %get3A_21, %dot_general3A_22 {dimension_numbers = #tpu.dot_dimension_numbers<[1], [0], [0], [1], [0, 0, 1, 1], [], []>, transpose_lhs_hint = false} : vector<8192x128xf32>, vector<128x128xf32>, vector<8192x128xf32> -> vector<8192x128xf32>
    %add3A = arith.addf %dot_general3A_13, %dot_general3A_23 : vector<8192x128xf32>
    %reshape3A_24 = vector.shape_cast %add3A : vector<8192x128xf32> to vector<128x64x128xf32>
    %broadcast_in_dim3A = vector.shape_cast %dot_general3A_7 : vector<128x128xf32> to vector<128x1x128xf32>
    %broadcast_in_dim3A_25 = vector.broadcast %broadcast_in_dim3A : vector<128x1x128xf32> to vector<128x64x128xf32>
    %sub3A = arith.subf %reshape3A_24, %broadcast_in_dim3A_25 : vector<128x64x128xf32>
    %get3A_26 = arith.constant 0 : index
    %get3A_27 = arith.constant 0 : index
    %get3A_28 = vector.load %arg8[%get3A_26, %get3A_27] : memref<1x128xf32, #tpu.memory_space<vmem>>, vector<1x128xf32>
    %broadcast_in_dim3A_29 = vector.shape_cast %get3A_28 : vector<1x128xf32> to vector<1x1x128xf32>
    %broadcast_in_dim3A_30 = vector.broadcast %broadcast_in_dim3A_29 : vector<1x1x128xf32> to vector<128x64x128xf32>
    %add3A_31 = arith.addf %sub3A, %broadcast_in_dim3A_30 : vector<128x64x128xf32>
    %max3A = arith.constant 0.000000e+00 : f32
    %max3A_32 = vector.broadcast %max3A : f32 to vector<128x64x128xf32>
    %max3A_33 = arith.maximumf %add3A_31, %max3A_32 : vector<128x64x128xf32>
    %get3A_34 = arith.constant 0 : index
    %get3A_35 = arith.constant 0 : index
    %get3A_36 = vector.load %arg9[%get3A_34, %get3A_35] : memref<1x128xf32, #tpu.memory_space<vmem>>, vector<1x128xf32>
    %broadcast_in_dim3A_37 = vector.shape_cast %get3A_36 : vector<1x128xf32> to vector<1x1x128xf32>
    %broadcast_in_dim3A_38 = vector.broadcast %broadcast_in_dim3A_37 : vector<1x1x128xf32> to vector<128x64x128xf32>
    %mul3A = arith.mulf %max3A_33, %broadcast_in_dim3A_38 : vector<128x64x128xf32>
    %get3A_39 = arith.constant 0 : index
    %get3A_40 = arith.constant 0 : index
    %get3A_41 = vector.load %arg10[%get3A_39, %get3A_40] : memref<1x128xf32, #tpu.memory_space<vmem>>, vector<1x128xf32>
    %broadcast_in_dim3A_42 = vector.shape_cast %get3A_41 : vector<1x128xf32> to vector<1x1x128xf32>
    %broadcast_in_dim3A_43 = vector.broadcast %broadcast_in_dim3A_42 : vector<1x1x128xf32> to vector<128x64x128xf32>
    %add3A_44 = arith.addf %mul3A, %broadcast_in_dim3A_43 : vector<128x64x128xf32>
    %reshape3A_45 = vector.shape_cast %add3A_44 : vector<128x64x128xf32> to vector<8192x128xf32>
    %get3A_46 = arith.constant 0 : index
    %get3A_47 = arith.constant 0 : index
    %get3A_48 = vector.load %arg11[%get3A_46, %get3A_47] : memref<128x128xf32, #tpu.memory_space<vmem>>, vector<128x128xf32>
    %dot_general3A_49 = arith.constant dense<0.000000e+00> : vector<8192x128xf32>
    %dot_general3A_50 = tpu.matmul %reshape3A_45, %get3A_48, %dot_general3A_49 {dimension_numbers = #tpu.dot_dimension_numbers<[1], [0], [0], [1], [0, 0, 1, 1], [], []>, transpose_lhs_hint = false} : vector<8192x128xf32>, vector<128x128xf32>, vector<8192x128xf32> -> vector<8192x128xf32>
    %get3A_51 = arith.constant 0 : index
    %get3A_52 = arith.constant 0 : index
    %get3A_53 = vector.load %arg12[%get3A_51, %get3A_52] : memref<1x128xf32, #tpu.memory_space<vmem>>, vector<1x128xf32>
    %add3A_54 = vector.broadcast %get3A_53 : vector<1x128xf32> to vector<8192x128xf32>
    %add3A_55 = arith.addf %dot_general3A_50, %add3A_54 : vector<8192x128xf32>
    %max3A_56 = arith.constant 0.000000e+00 : f32
    %max3A_57 = vector.broadcast %max3A_56 : f32 to vector<8192x128xf32>
    %max3A_58 = arith.maximumf %add3A_55, %max3A_57 : vector<8192x128xf32>
    %get3A_59 = arith.constant 0 : index
    %get3A_60 = arith.constant 0 : index
    %get3A_61 = vector.load %arg13[%get3A_59, %get3A_60] : memref<1x128xf32, #tpu.memory_space<vmem>>, vector<1x128xf32>
    %mul3A_62 = vector.broadcast %get3A_61 : vector<1x128xf32> to vector<8192x128xf32>
    %mul3A_63 = arith.mulf %max3A_58, %mul3A_62 : vector<8192x128xf32>
    %get3A_64 = arith.constant 0 : index
    %get3A_65 = arith.constant 0 : index
    %get3A_66 = vector.load %arg14[%get3A_64, %get3A_65] : memref<1x128xf32, #tpu.memory_space<vmem>>, vector<1x128xf32>
    %add3A_67 = vector.broadcast %get3A_66 : vector<1x128xf32> to vector<8192x128xf32>
    %add3A_68 = arith.addf %mul3A_63, %add3A_67 : vector<8192x128xf32>
    %get3A_69 = arith.constant 0 : index
    %get3A_70 = arith.constant 0 : index
    %get3A_71 = vector.load %arg15[%get3A_69, %get3A_70] : memref<128x256xf32, #tpu.memory_space<vmem>>, vector<128x256xf32>
    %dot_general3A_72 = arith.constant dense<0.000000e+00> : vector<8192x256xf32>
    %dot_general3A_73 = tpu.matmul %add3A_68, %get3A_71, %dot_general3A_72 {dimension_numbers = #tpu.dot_dimension_numbers<[1], [0], [0], [1], [0, 0, 1, 1], [], []>, transpose_lhs_hint = false} : vector<8192x128xf32>, vector<128x256xf32>, vector<8192x256xf32> -> vector<8192x256xf32>
    %get3A_74 = arith.constant 0 : index
    %get3A_75 = arith.constant 0 : index
    %get3A_76 = vector.load %arg16[%get3A_74, %get3A_75] : memref<1x256xf32, #tpu.memory_space<vmem>>, vector<1x256xf32>
    %add3A_77 = vector.broadcast %get3A_76 : vector<1x256xf32> to vector<8192x256xf32>
    %add3A_78 = arith.addf %dot_general3A_73, %add3A_77 : vector<8192x256xf32>
    %max3A_79 = arith.constant 0.000000e+00 : f32
    %max3A_80 = vector.broadcast %max3A_79 : f32 to vector<8192x256xf32>
    %max3A_81 = arith.maximumf %add3A_78, %max3A_80 : vector<8192x256xf32>
    %get3A_82 = arith.constant 0 : index
    %get3A_83 = arith.constant 0 : index
    %get3A_84 = vector.load %arg17[%get3A_82, %get3A_83] : memref<1x256xf32, #tpu.memory_space<vmem>>, vector<1x256xf32>
    %mul3A_85 = vector.broadcast %get3A_84 : vector<1x256xf32> to vector<8192x256xf32>
    %mul3A_86 = arith.mulf %max3A_81, %mul3A_85 : vector<8192x256xf32>
    %get3A_87 = arith.constant 0 : index
    %get3A_88 = arith.constant 0 : index
    %get3A_89 = vector.load %arg18[%get3A_87, %get3A_88] : memref<1x256xf32, #tpu.memory_space<vmem>>, vector<1x256xf32>
    %add3A_90 = vector.broadcast %get3A_89 : vector<1x256xf32> to vector<8192x256xf32>
    %add3A_91 = arith.addf %mul3A_86, %add3A_90 : vector<8192x256xf32>
    %reshape3A_92 = vector.shape_cast %add3A_91 : vector<8192x256xf32> to vector<128x64x256xf32>
    %get3A_93 = arith.constant 0 : index
    %get3A_94 = arith.constant 0 : index
    %get3A_95 = arith.constant 0 : index
    %get3A_96 = vector.load %arg4[%get3A_93, %get3A_94, %get3A_95] : memref<1x128x1xi32, #tpu.memory_space<vmem>>, vector<1x128x1xi32>
    %get3A_97 = vector.shape_cast %get3A_96 : vector<1x128x1xi32> to vector<128x1xi32>
    %iota3A = tpu.iota {dimensions = array<i32: 1>} : vector<128x64xi32>
    %lt3A = vector.broadcast %get3A_97 : vector<128x1xi32> to vector<128x64xi32>
    %lt3A_98 = arith.cmpi slt, %iota3A, %lt3A : vector<128x64xi32>
    %jit3A = arith.constant 0.000000e+00 : f32
    %jit3A_99 = arith.constant 0xFF800000 : f32
    %broadcast_in_dim3A_100 = vector.broadcast %jit3A : f32 to vector<128x64xf32>
    %broadcast_in_dim3A_101 = vector.broadcast %jit3A_99 : f32 to vector<128x64xf32>
    %select_n3A = arith.select %lt3A_98, %broadcast_in_dim3A_100, %broadcast_in_dim3A_101 : vector<128x64xi1>, vector<128x64xf32>
    %broadcast_in_dim3A_102 = vector.shape_cast %select_n3A : vector<128x64xf32> to vector<128x64x1xf32>
    %broadcast_in_dim3A_103 = vector.broadcast %broadcast_in_dim3A_102 : vector<128x64x1xf32> to vector<128x64x256xf32>
    %add3A_104 = arith.addf %reshape3A_92, %broadcast_in_dim3A_103 : vector<128x64x256xf32>
    %reduce_max3A = arith.constant dense<0xFF800000> : vector<128x256xf32>
    %reduce_max3A_105 = vector.multi_reduction <maximumf>, %add3A_104, %reduce_max3A [1] : vector<128x64x256xf32> to vector<128x256xf32>
    %gt3A = arith.constant 0 : i32
    %gt3A_106 = vector.broadcast %gt3A : i32 to vector<128x1xi32>
    %gt3A_107 = arith.cmpi sgt, %get3A_97, %gt3A_106 : vector<128x1xi32>
    %jit3A_108 = arith.constant 0.000000e+00 : f32
    %broadcast_in_dim3A_109 = vector.shape_cast %gt3A_107 : vector<128x1xi1> to vector<128x1xi1>
    %broadcast_in_dim3A_110 = vector.broadcast %broadcast_in_dim3A_109 : vector<128x1xi1> to vector<128x256xi1>
    %broadcast_in_dim3A_111 = vector.broadcast %jit3A_108 : f32 to vector<128x256xf32>
    %select_n3A_112 = arith.select %broadcast_in_dim3A_110, %reduce_max3A_105, %broadcast_in_dim3A_111 : vector<128x256xi1>, vector<128x256xf32>
    %swap3A = arith.constant 0 : index
    %swap3A_113 = arith.constant 0 : index
    %swap3A_114 = arith.constant 0 : index
    %swap3A_115 = vector.load %arg19[%swap3A, %swap3A_113, %swap3A_114] : memref<1x128x256xf32, #tpu.memory_space<vmem>>, vector<1x128x256xf32>
    %swap3A_116 = vector.shape_cast %swap3A_115 : vector<1x128x256xf32> to vector<128x256xf32>
    %swap3A_117 = vector.shape_cast %select_n3A_112 : vector<128x256xf32> to vector<1x128x256xf32>
    tpu.vector_store %arg19[%swap3A, %swap3A_113, %swap3A_114], %swap3A_117 {strides = array<i32>} : memref<1x128x256xf32, #tpu.memory_space<vmem>>, vector<1x128x256xf32>,
    return
  }
  func.func @transform_0(%arg0: i32, %arg1: i32) -> (i32, i32, i32) {
    %mul3A = arith.constant 1 : i32
    %mul3A_0 = arith.muli %arg0, %mul3A : i32
    %add3A = arith.addi %mul3A_0, %arg1 : i32
    %c0_i32 = arith.constant 0 : i32
    %c0_i32_1 = arith.constant 0 : i32
    %c0_i32_2 = arith.constant 0 : i32
    return %add3A, %c0_i32, %c0_i32_1 : i32, i32, i32
  }
  func.func @transform_1(%arg0: i32, %arg1: i32) -> (i32, i32, i32) {
    %mul3A = arith.constant 1 : i32
    %mul3A_0 = arith.muli %arg0, %mul3A : i32
    %add3A = arith.addi %mul3A_0, %arg1 : i32
    %c0_i32 = arith.constant 0 : i32
    %c0_i32_1 = arith.constant 0 : i32
    %c0_i32_2 = arith.constant 0 : i32
    return %add3A, %c0_i32, %c0_i32_1 : i32, i32, i32
  }
  func.func @transform_2(%arg0: i32, %arg1: i32) -> (i32, i32, i32) {
    %mul3A = arith.constant 1 : i32
    %mul3A_0 = arith.muli %arg0, %mul3A : i32
    %add3A = arith.addi %mul3A_0, %arg1 : i32
    %c0_i32 = arith.constant 0 : i32
    %c0_i32_1 = arith.constant 0 : i32
    %c0_i32_2 = arith.constant 0 : i32
    return %add3A, %c0_i32, %c0_i32_1 : i32, i32, i32
  }
  func.func @transform_3(%arg0: i32, %arg1: i32) -> (i32, i32, i32) {
    %c0_i32 = arith.constant 0 : i32
    %c0_i32_0 = arith.constant 0 : i32
    return %arg0, %arg1, %c0_i32 : i32, i32, i32
  }
  func.func @transform_4(%arg0: i32, %arg1: i32) -> (i32, i32) {
    %c0_i32 = arith.constant 0 : i32
    %c0_i32_0 = arith.constant 0 : i32
    %c0_i32_1 = arith.constant 0 : i32
    return %c0_i32, %c0_i32_0 : i32, i32
  }
  func.func @transform_5(%arg0: i32, %arg1: i32) -> (i32, i32) {
    %c0_i32 = arith.constant 0 : i32
    %c0_i32_0 = arith.constant 0 : i32
    %c0_i32_1 = arith.constant 0 : i32
    return %c0_i32, %c0_i32_0 : i32, i32
  }
  func.func @transform_6(%arg0: i32, %arg1: i32) -> (i32, i32) {
    %c0_i32 = arith.constant 0 : i32
    %c0_i32_0 = arith.constant 0 : i32
    %c0_i32_1 = arith.constant 0 : i32
    return %c0_i32, %c0_i32_0 : i32, i32
  }
  func.func @transform_7(%arg0: i32, %arg1: i32) -> (i32, i32) {
    %c0_i32 = arith.constant 0 : i32
    %c0_i32_0 = arith.constant 0 : i32
    %c0_i32_1 = arith.constant 0 : i32
    return %c0_i32, %c0_i32_0 : i32, i32
  }
  func.func @transform_8(%arg0: i32, %arg1: i32) -> (i32, i32) {
    %c0_i32 = arith.constant 0 : i32
    %c0_i32_0 = arith.constant 0 : i32
    %c0_i32_1 = arith.constant 0 : i32
    return %c0_i32, %c0_i32_0 : i32, i32
  }
  func.func @transform_9(%arg0: i32, %arg1: i32) -> (i32, i32) {
    %c0_i32 = arith.constant 0 : i32
    %c0_i32_0 = arith.constant 0 : i32
    %c0_i32_1 = arith.constant 0 : i32
    return %c0_i32, %c0_i32_0 : i32, i32
  }
  func.func @transform_10(%arg0: i32, %arg1: i32) -> (i32, i32) {
    %c0_i32 = arith.constant 0 : i32
    %c0_i32_0 = arith.constant 0 : i32
    %c0_i32_1 = arith.constant 0 : i32
    return %c0_i32, %c0_i32_0 : i32, i32
  }
  func.func @transform_11(%arg0: i32, %arg1: i32) -> (i32, i32) {
    %c0_i32 = arith.constant 0 : i32
    %c0_i32_0 = arith.constant 0 : i32
    %c0_i32_1 = arith.constant 0 : i32
    return %c0_i32, %c0_i32_0 : i32, i32
  }
  func.func @transform_12(%arg0: i32, %arg1: i32) -> (i32, i32) {
    %c0_i32 = arith.constant 0 : i32
    %c0_i32_0 = arith.constant 0 : i32
    %c0_i32_1 = arith.constant 0 : i32
    return %c0_i32, %c0_i32_0 : i32, i32
  }
  func.func @transform_13(%arg0: i32, %arg1: i32) -> (i32, i32) {
    %c0_i32 = arith.constant 0 : i32
    %c0_i32_0 = arith.constant 0 : i32
    %c0_i32_1 = arith.constant 0 : i32
    return %c0_i32, %c0_i32_0 : i32, i32
  }
  func.func @transform_14(%arg0: i32, %arg1: i32) -> (i32, i32) {
    %c0_i32 = arith.constant 0 : i32
    %c0_i32_0 = arith.constant 0 : i32
    %c0_i32_1 = arith.constant 0 : i32
    return %c0_i32, %c0_i32_0 : i32, i32
  }
  func.func @transform_15(%arg0: i32, %arg1: i32) -> (i32, i32) {
    %c0_i32 = arith.constant 0 : i32
    %c0_i32_0 = arith.constant 0 : i32
    %c0_i32_1 = arith.constant 0 : i32
    return %c0_i32, %c0_i32_0 : i32, i32
  }
  func.func @transform_16(%arg0: i32, %arg1: i32) -> (i32, i32) {
    %c0_i32 = arith.constant 0 : i32
    %c0_i32_0 = arith.constant 0 : i32
    %c0_i32_1 = arith.constant 0 : i32
    return %c0_i32, %c0_i32_0 : i32, i32
  }
  func.func @transform_17(%arg0: i32, %arg1: i32) -> (i32, i32, i32) {
    %c0_i32 = arith.constant 0 : i32
    %c0_i32_0 = arith.constant 0 : i32
    return %arg0, %arg1, %c0_i32 : i32, i32, i32
  }
}

module attributes {stable_mosaic.version = 14 : i64} {
  func.func @_head_kernel(%arg0: memref<16x128x256xf32, #tpu.memory_space<vmem>>, %arg1: memref<16x128x3xf32, #tpu.memory_space<vmem>>, %arg2: memref<256x256xf32, #tpu.memory_space<vmem>>, %arg3: memref<3x256xf32, #tpu.memory_space<vmem>>, %arg4: memref<1x256xf32, #tpu.memory_space<vmem>>, %arg5: memref<1x256xf32, #tpu.memory_space<vmem>>, %arg6: memref<1x256xf32, #tpu.memory_space<vmem>>, %arg7: memref<256x512xf32, #tpu.memory_space<vmem>>, %arg8: memref<1x512xf32, #tpu.memory_space<vmem>>, %arg9: memref<1x512xf32, #tpu.memory_space<vmem>>, %arg10: memref<1x512xf32, #tpu.memory_space<vmem>>, %arg11: memref<512x1024xf32, #tpu.memory_space<vmem>>, %arg12: memref<1x1024xf32, #tpu.memory_space<vmem>>, %arg13: memref<1x1024xf32, #tpu.memory_space<vmem>>, %arg14: memref<1x1024xf32, #tpu.memory_space<vmem>>, %arg15: memref<2048x1024xf32, #tpu.memory_space<vmem>>, %arg16: memref<1x1024xf32, #tpu.memory_space<vmem>>, %arg17: memref<1024x512xf32, #tpu.memory_space<vmem>>, %arg18: memref<1x512xf32, #tpu.memory_space<vmem>>, %arg19: memref<512x256xf32, #tpu.memory_space<vmem>>, %arg20: memref<1x256xf32, #tpu.memory_space<vmem>>, %arg21: memref<256x8xf32, #tpu.memory_space<vmem>>, %arg22: memref<1x8xf32, #tpu.memory_space<vmem>>, %arg23: memref<8x8xf32, #tpu.memory_space<vmem>>) attributes {dimension_semantics = [], scalar_prefetch = 0 : i64, scratch_operands = 0 : i64, tpu.core_type = #tpu.core_type<tc>} {
    %get3A = arith.constant 0 : index
    %get3A_0 = arith.constant 0 : index
    %get3A_1 = arith.constant 0 : index
    %get3A_2 = vector.load %arg0[%get3A, %get3A_0, %get3A_1] : memref<16x128x256xf32, #tpu.memory_space<vmem>>, vector<16x128x256xf32>
    %get3A_3 = arith.constant 0 : index
    %get3A_4 = arith.constant 0 : index
    %get3A_5 = arith.constant 0 : index
    %get3A_6 = vector.load %arg1[%get3A_3, %get3A_4, %get3A_5] : memref<16x128x3xf32, #tpu.memory_space<vmem>>, vector<16x128x3xf32>
    %reshape3A = vector.shape_cast %get3A_2 : vector<16x128x256xf32> to vector<2048x256xf32>
    %get3A_7 = arith.constant 0 : index
    %get3A_8 = arith.constant 0 : index
    %get3A_9 = vector.load %arg2[%get3A_7, %get3A_8] : memref<256x256xf32, #tpu.memory_space<vmem>>, vector<256x256xf32>
    %dot_general3A = arith.constant dense<0.000000e+00> : vector<2048x256xf32>
    %dot_general3A_10 = tpu.matmul %reshape3A, %get3A_9, %dot_general3A {dimension_numbers = #tpu.dot_dimension_numbers<[1], [0], [0], [1], [0, 0, 1, 1], [], []>, transpose_lhs_hint = false} : vector<2048x256xf32>, vector<256x256xf32>, vector<2048x256xf32> -> vector<2048x256xf32>
    %reshape3A_11 = vector.shape_cast %get3A_6 : vector<16x128x3xf32> to vector<2048x3xf32>
    %get3A_12 = arith.constant 0 : index
    %get3A_13 = arith.constant 0 : index
    %get3A_14 = vector.load %arg3[%get3A_12, %get3A_13] : memref<3x256xf32, #tpu.memory_space<vmem>>, vector<3x256xf32>
    %dot_general3A_15 = arith.constant dense<0.000000e+00> : vector<2048x256xf32>
    %dot_general3A_16 = tpu.matmul %reshape3A_11, %get3A_14, %dot_general3A_15 {dimension_numbers = #tpu.dot_dimension_numbers<[1], [0], [0], [1], [0, 0, 1, 1], [], []>, transpose_lhs_hint = false} : vector<2048x3xf32>, vector<3x256xf32>, vector<2048x256xf32> -> vector<2048x256xf32>
    %add3A = arith.addf %dot_general3A_10, %dot_general3A_16 : vector<2048x256xf32>
    %get3A_17 = arith.constant 0 : index
    %get3A_18 = arith.constant 0 : index
    %get3A_19 = vector.load %arg4[%get3A_17, %get3A_18] : memref<1x256xf32, #tpu.memory_space<vmem>>, vector<1x256xf32>
    %add3A_20 = vector.broadcast %get3A_19 : vector<1x256xf32> to vector<2048x256xf32>
    %add3A_21 = arith.addf %add3A, %add3A_20 : vector<2048x256xf32>
    %max3A = arith.constant 0.000000e+00 : f32
    %max3A_22 = vector.broadcast %max3A : f32 to vector<2048x256xf32>
    %max3A_23 = arith.maximumf %add3A_21, %max3A_22 : vector<2048x256xf32>
    %get3A_24 = arith.constant 0 : index
    %get3A_25 = arith.constant 0 : index
    %get3A_26 = vector.load %arg5[%get3A_24, %get3A_25] : memref<1x256xf32, #tpu.memory_space<vmem>>, vector<1x256xf32>
    %mul3A = vector.broadcast %get3A_26 : vector<1x256xf32> to vector<2048x256xf32>
    %mul3A_27 = arith.mulf %max3A_23, %mul3A : vector<2048x256xf32>
    %get3A_28 = arith.constant 0 : index
    %get3A_29 = arith.constant 0 : index
    %get3A_30 = vector.load %arg6[%get3A_28, %get3A_29] : memref<1x256xf32, #tpu.memory_space<vmem>>, vector<1x256xf32>
    %add3A_31 = vector.broadcast %get3A_30 : vector<1x256xf32> to vector<2048x256xf32>
    %add3A_32 = arith.addf %mul3A_27, %add3A_31 : vector<2048x256xf32>
    %get3A_33 = arith.constant 0 : index
    %get3A_34 = arith.constant 0 : index
    %get3A_35 = vector.load %arg7[%get3A_33, %get3A_34] : memref<256x512xf32, #tpu.memory_space<vmem>>, vector<256x512xf32>
    %dot_general3A_36 = arith.constant dense<0.000000e+00> : vector<2048x512xf32>
    %dot_general3A_37 = tpu.matmul %add3A_32, %get3A_35, %dot_general3A_36 {dimension_numbers = #tpu.dot_dimension_numbers<[1], [0], [0], [1], [0, 0, 1, 1], [], []>, transpose_lhs_hint = false} : vector<2048x256xf32>, vector<256x512xf32>, vector<2048x512xf32> -> vector<2048x512xf32>
    %get3A_38 = arith.constant 0 : index
    %get3A_39 = arith.constant 0 : index
    %get3A_40 = vector.load %arg8[%get3A_38, %get3A_39] : memref<1x512xf32, #tpu.memory_space<vmem>>, vector<1x512xf32>
    %add3A_41 = vector.broadcast %get3A_40 : vector<1x512xf32> to vector<2048x512xf32>
    %add3A_42 = arith.addf %dot_general3A_37, %add3A_41 : vector<2048x512xf32>
    %max3A_43 = arith.constant 0.000000e+00 : f32
    %max3A_44 = vector.broadcast %max3A_43 : f32 to vector<2048x512xf32>
    %max3A_45 = arith.maximumf %add3A_42, %max3A_44 : vector<2048x512xf32>
    %get3A_46 = arith.constant 0 : index
    %get3A_47 = arith.constant 0 : index
    %get3A_48 = vector.load %arg9[%get3A_46, %get3A_47] : memref<1x512xf32, #tpu.memory_space<vmem>>, vector<1x512xf32>
    %mul3A_49 = vector.broadcast %get3A_48 : vector<1x512xf32> to vector<2048x512xf32>
    %mul3A_50 = arith.mulf %max3A_45, %mul3A_49 : vector<2048x512xf32>
    %get3A_51 = arith.constant 0 : index
    %get3A_52 = arith.constant 0 : index
    %get3A_53 = vector.load %arg10[%get3A_51, %get3A_52] : memref<1x512xf32, #tpu.memory_space<vmem>>, vector<1x512xf32>
    %add3A_54 = vector.broadcast %get3A_53 : vector<1x512xf32> to vector<2048x512xf32>
    %add3A_55 = arith.addf %mul3A_50, %add3A_54 : vector<2048x512xf32>
    %get3A_56 = arith.constant 0 : index
    %get3A_57 = arith.constant 0 : index
    %get3A_58 = vector.load %arg11[%get3A_56, %get3A_57] : memref<512x1024xf32, #tpu.memory_space<vmem>>, vector<512x1024xf32>
    %dot_general3A_59 = arith.constant dense<0.000000e+00> : vector<2048x1024xf32>
    %dot_general3A_60 = tpu.matmul %add3A_55, %get3A_58, %dot_general3A_59 {dimension_numbers = #tpu.dot_dimension_numbers<[1], [0], [0], [1], [0, 0, 1, 1], [], []>, transpose_lhs_hint = false} : vector<2048x512xf32>, vector<512x1024xf32>, vector<2048x1024xf32> -> vector<2048x1024xf32>
    %get3A_61 = arith.constant 0 : index
    %get3A_62 = arith.constant 0 : index
    %get3A_63 = vector.load %arg12[%get3A_61, %get3A_62] : memref<1x1024xf32, #tpu.memory_space<vmem>>, vector<1x1024xf32>
    %add3A_64 = vector.broadcast %get3A_63 : vector<1x1024xf32> to vector<2048x1024xf32>
    %add3A_65 = arith.addf %dot_general3A_60, %add3A_64 : vector<2048x1024xf32>
    %max3A_66 = arith.constant 0.000000e+00 : f32
    %max3A_67 = vector.broadcast %max3A_66 : f32 to vector<2048x1024xf32>
    %max3A_68 = arith.maximumf %add3A_65, %max3A_67 : vector<2048x1024xf32>
    %get3A_69 = arith.constant 0 : index
    %get3A_70 = arith.constant 0 : index
    %get3A_71 = vector.load %arg13[%get3A_69, %get3A_70] : memref<1x1024xf32, #tpu.memory_space<vmem>>, vector<1x1024xf32>
    %mul3A_72 = vector.broadcast %get3A_71 : vector<1x1024xf32> to vector<2048x1024xf32>
    %mul3A_73 = arith.mulf %max3A_68, %mul3A_72 : vector<2048x1024xf32>
    %get3A_74 = arith.constant 0 : index
    %get3A_75 = arith.constant 0 : index
    %get3A_76 = vector.load %arg14[%get3A_74, %get3A_75] : memref<1x1024xf32, #tpu.memory_space<vmem>>, vector<1x1024xf32>
    %add3A_77 = vector.broadcast %get3A_76 : vector<1x1024xf32> to vector<2048x1024xf32>
    %add3A_78 = arith.addf %mul3A_73, %add3A_77 : vector<2048x1024xf32>
    %reshape3A_79 = vector.shape_cast %add3A_78 : vector<2048x1024xf32> to vector<16x128x1024xf32>
    %reduce_max3A = arith.constant dense<0xFF800000> : vector<16x1024xf32>
    %reduce_max3A_80 = vector.multi_reduction <maximumf>, %reshape3A_79, %reduce_max3A [1] : vector<16x128x1024xf32> to vector<16x1024xf32>
    %slice3A = vector.extract_strided_slice %reduce_max3A_80 {offsets = [0, 0], sizes = [8, 1024], strides = [1, 1]} : vector<16x1024xf32> to vector<8x1024xf32>
    %slice3A_81 = vector.extract_strided_slice %reduce_max3A_80 {offsets = [8, 0], sizes = [8, 1024], strides = [1, 1]} : vector<16x1024xf32> to vector<8x1024xf32>
    %concatenate3A = tpu.concatenate %slice3A, %slice3A_81 in 1 : vector<8x1024xf32>, vector<8x1024xf32> -> vector<8x2048xf32>
    %get3A_82 = arith.constant 0 : index
    %get3A_83 = arith.constant 0 : index
    %get3A_84 = vector.load %arg15[%get3A_82, %get3A_83] : memref<2048x1024xf32, #tpu.memory_space<vmem>>, vector<2048x1024xf32>
    %dot_general3A_85 = arith.constant dense<0.000000e+00> : vector<8x1024xf32>
    %dot_general3A_86 = tpu.matmul %concatenate3A, %get3A_84, %dot_general3A_85 {dimension_numbers = #tpu.dot_dimension_numbers<[1], [0], [0], [1], [0, 0, 1, 1], [], []>, transpose_lhs_hint = false} : vector<8x2048xf32>, vector<2048x1024xf32>, vector<8x1024xf32> -> vector<8x1024xf32>
    %get3A_87 = arith.constant 0 : index
    %get3A_88 = arith.constant 0 : index
    %get3A_89 = vector.load %arg16[%get3A_87, %get3A_88] : memref<1x1024xf32, #tpu.memory_space<vmem>>, vector<1x1024xf32>
    %add3A_90 = vector.broadcast %get3A_89 : vector<1x1024xf32> to vector<8x1024xf32>
    %add3A_91 = arith.addf %dot_general3A_86, %add3A_90 : vector<8x1024xf32>
    %max3A_92 = arith.constant 0.000000e+00 : f32
    %max3A_93 = vector.broadcast %max3A_92 : f32 to vector<8x1024xf32>
    %max3A_94 = arith.maximumf %add3A_91, %max3A_93 : vector<8x1024xf32>
    %get3A_95 = arith.constant 0 : index
    %get3A_96 = arith.constant 0 : index
    %get3A_97 = vector.load %arg17[%get3A_95, %get3A_96] : memref<1024x512xf32, #tpu.memory_space<vmem>>, vector<1024x512xf32>
    %dot_general3A_98 = arith.constant dense<0.000000e+00> : vector<8x512xf32>
    %dot_general3A_99 = tpu.matmul %max3A_94, %get3A_97, %dot_general3A_98 {dimension_numbers = #tpu.dot_dimension_numbers<[1], [0], [0], [1], [0, 0, 1, 1], [], []>, transpose_lhs_hint = false} : vector<8x1024xf32>, vector<1024x512xf32>, vector<8x512xf32> -> vector<8x512xf32>
    %get3A_100 = arith.constant 0 : index
    %get3A_101 = arith.constant 0 : index
    %get3A_102 = vector.load %arg18[%get3A_100, %get3A_101] : memref<1x512xf32, #tpu.memory_space<vmem>>, vector<1x512xf32>
    %add3A_103 = vector.broadcast %get3A_102 : vector<1x512xf32> to vector<8x512xf32>
    %add3A_104 = arith.addf %dot_general3A_99, %add3A_103 : vector<8x512xf32>
    %max3A_105 = arith.constant 0.000000e+00 : f32
    %max3A_106 = vector.broadcast %max3A_105 : f32 to vector<8x512xf32>
    %max3A_107 = arith.maximumf %add3A_104, %max3A_106 : vector<8x512xf32>
    %get3A_108 = arith.constant 0 : index
    %get3A_109 = arith.constant 0 : index
    %get3A_110 = vector.load %arg19[%get3A_108, %get3A_109] : memref<512x256xf32, #tpu.memory_space<vmem>>, vector<512x256xf32>
    %dot_general3A_111 = arith.constant dense<0.000000e+00> : vector<8x256xf32>
    %dot_general3A_112 = tpu.matmul %max3A_107, %get3A_110, %dot_general3A_111 {dimension_numbers = #tpu.dot_dimension_numbers<[1], [0], [0], [1], [0, 0, 1, 1], [], []>, transpose_lhs_hint = false} : vector<8x512xf32>, vector<512x256xf32>, vector<8x256xf32> -> vector<8x256xf32>
    %get3A_113 = arith.constant 0 : index
    %get3A_114 = arith.constant 0 : index
    %get3A_115 = vector.load %arg20[%get3A_113, %get3A_114] : memref<1x256xf32, #tpu.memory_space<vmem>>, vector<1x256xf32>
    %add3A_116 = vector.broadcast %get3A_115 : vector<1x256xf32> to vector<8x256xf32>
    %add3A_117 = arith.addf %dot_general3A_112, %add3A_116 : vector<8x256xf32>
    %get3A_118 = arith.constant 0 : index
    %get3A_119 = arith.constant 0 : index
    %get3A_120 = vector.load %arg21[%get3A_118, %get3A_119] : memref<256x8xf32, #tpu.memory_space<vmem>>, vector<256x8xf32>
    %dot_general3A_121 = arith.constant dense<0.000000e+00> : vector<8x8xf32>
    %dot_general3A_122 = tpu.matmul %add3A_117, %get3A_120, %dot_general3A_121 {dimension_numbers = #tpu.dot_dimension_numbers<[1], [0], [0], [1], [0, 0, 1, 1], [], []>, transpose_lhs_hint = false} : vector<8x256xf32>, vector<256x8xf32>, vector<8x8xf32> -> vector<8x8xf32>
    %get3A_123 = arith.constant 0 : index
    %get3A_124 = arith.constant 0 : index
    %get3A_125 = vector.load %arg22[%get3A_123, %get3A_124] : memref<1x8xf32, #tpu.memory_space<vmem>>, vector<1x8xf32>
    %add3A_126 = vector.broadcast %get3A_125 : vector<1x8xf32> to vector<8x8xf32>
    %add3A_127 = arith.addf %dot_general3A_122, %add3A_126 : vector<8x8xf32>
    %reduce_max3A_128 = arith.constant dense<0xFF800000> : vector<8xf32>
    %reduce_max3A_129 = vector.multi_reduction <maximumf>, %add3A_127, %reduce_max3A_128 [1] : vector<8x8xf32> to vector<8xf32>
    %broadcast_in_dim3A = vector.shape_cast %reduce_max3A_129 : vector<8xf32> to vector<8x1xf32>
    %sub3A = vector.broadcast %broadcast_in_dim3A : vector<8x1xf32> to vector<8x8xf32>
    %sub3A_130 = arith.subf %add3A_127, %sub3A : vector<8x8xf32>
    %exp3A = math.exp %sub3A_130 : vector<8x8xf32>
    %reduce_sum3A = arith.constant dense<0.000000e+00> : vector<8xf32>
    %reduce_sum3A_131 = vector.multi_reduction <add>, %exp3A, %reduce_sum3A [1] : vector<8x8xf32> to vector<8xf32>
    %broadcast_in_dim3A_132 = vector.shape_cast %reduce_sum3A_131 : vector<8xf32> to vector<8x1xf32>
    %log3A = math.log %broadcast_in_dim3A_132 : vector<8x1xf32>
    %add3A_133 = arith.addf %log3A, %broadcast_in_dim3A : vector<8x1xf32>
    %sub3A_134 = vector.broadcast %add3A_133 : vector<8x1xf32> to vector<8x8xf32>
    %sub3A_135 = arith.subf %add3A_127, %sub3A_134 : vector<8x8xf32>
    %swap3A = arith.constant 0 : index
    %swap3A_136 = arith.constant 0 : index
    %swap3A_137 = vector.load %arg23[%swap3A, %swap3A_136] : memref<8x8xf32, #tpu.memory_space<vmem>>, vector<8x8xf32>
    tpu.vector_store %arg23[%swap3A, %swap3A_136], %sub3A_135 {strides = array<i32>} : memref<8x8xf32, #tpu.memory_space<vmem>>, vector<8x8xf32>,
    return
  }
}

</mosaic_0001>

<sc_bundles>
// kernel: kernel.11.cloned.1.call-start
scs
__scs_entry_jumppad:
0x0: {  	(pc) =	sbr.rel $0x88, $3  }
0x1: {  	(tag) =	ssettag $0x0;
	lr =	simm.s32 $0x1  }
0x2: {  	[smem:$0x3F73] =	sst lr;
	_ =	strace $0xD0000000  }
0x3: {  	_ = 	snop  }
0x4: {  	_ = 	snop  }
0x5: {  	_ = 	snop  }
0x6: {  	_ = 	snop  }
0x7: {  	_ = 	snop  }
__scs_overlays_trampoline_lowered:
0x8: {  	[smem:$0x3F82] =	sst s0  }
0x9: {  	[smem:$0x3F83] =	sst s1  }
0xa: {  	[smem:$0x3F84] =	sst s2  }
0xb: {  	[smem:$0x3F85] =	sst s3  }
0xc: {  	[smem:$0x3F86] =	sst s4  }
0xd: {  	[smem:$0x3F87] =	sst s5  }
0xe: {  	[smem:$0x3F88] =	sst s6  }
0xf: {  	[smem:$0x3F89] =	sst s7  }
0x10: {  	[smem:$0x3F8A] =	sst s8  }
0x11: {  	[smem:$0x3F8B] =	sst s9;
	s0 =	simm.s32 @!p0 $0x0  }
0x12: {  	s1 =	sld [smem:$0x3F71];
	s0 =	simm.s32 @p0 $0x1  }
0x13: {  	[smem:$0x3F8C] =	sst s0;
	s0 =	simm.s32 @!p1 $0x0  }
0x14: {  	s2 =	sld [smem:$0x3F70];
	s0 =	simm.s32 @p1 $0x1  }
0x15: {  	[smem:$0x3F8D] =	sst s0;
	s0 =	simm.s32 @!p2 $0x0  }
0x16: {  	s3 =	sld [smem:$0x3FDB];
	s0 =	simm.s32 @p2 $0x1  }
0x17: {  	s4 =	simm.s32 $0x1BF5;
	[smem:$0x3F8F] =	sst s0  }
0x18: {  	s0 =	sld [smem:$0x3F72];
	_ =	swait.ge [sflag:s4], $0x0  }
0x19: {  	s7 =	sld [smem:$0x3F73]  }
0x1a: {  	s8 =	sadd.s32 $0xFFFFE003, lr  }
0x1b: {  	s9 =	sadd.s32 $0xFFFFFEF7, lr;
	s5 =	simm.s32 $0xFFFFFFFF;
	p2 =	slt.u32 s8, $0xFFFFF086  }
0x1c: {  	p1 =	slt.u32 s9, $0xF7A;
	s5 =	simm.s32 @!p2 $0x0  }
0x1d: {  	s5 =	simm.s32 @p1 $0x1;
	p0 =	seq.s32 s7, s2  }
0x1e: {  	s7 =	smul.u32 @!p0 $0xF7A, s2;
	p2 =	seq.s32 @!p0 s5, $0x0  }
0x1f: {  	s9 =	smul.u32 $0xF7A, s1;
	s8 =	simm.s32 @!p0 $0x1BF5;
	p2 =	por !p2, p0  }
0x20: {  	[sflag:s8] =	ssyncset.s32 @!p0 $0xFFFFF086;
	s6 =	sadd.s32 @!p0 s3, s7;
	s7 =	simm.s32 @!p0 $0x108  }
0x21: {  	s3 =	sadd.s32 s3, s9;
	s6 =	sadd.s32 @!p0 $0x88, s6;
	s7 =	simm.s32 @p2 $0x1082  }
0x22: {  	[simem:s7], [sflag:s8] =	dma.local @!p0 [hbm:s6], $0xF7A  }
0x23: {  	s9 =	sor.u32 $0xD0000000, s2;
	s6 =	simm.s32 $0x108;
	_ =	swait.ge @!p0 [sflag:s8], $0x0  }
0x24: {  	s3 =	sadd.s32 $0x88, s3;
	s6 =	simm.s32 @!p1 $0x1082;
	[sflag:s4] =	ssyncset.s32 $0xFFFFF086  }
0x25: {  	[simem:s6], [sflag:s4] =	dma.local [hbm:s3], $0xF7A  }
0x26: {  	[smem:$0x3F73] =	sst s1;
	(tag) =	ssettag s2;
	_ =	strace s9  }
0x27: {  	s1 =	sld [smem:$0x3F83]  }
0x28: {  	s2 =	sld [smem:$0x3F84]  }
0x29: {  	s4 =	sld [smem:$0x3F86]  }
0x2a: {  	p0 =	seq.s32 s5, $0x0;
	s5 =	sld [smem:$0x3F87]  }
0x2b: {  	s6 =	sld [smem:$0x3F88]  }
0x2c: {  	s7 =	sld [smem:$0x3F89]  }
0x2d: {  	s3 =	simm.s32 $0x108;
	s8 =	sld [smem:$0x3F8A]  }
0x2e: {  	s3 =	simm.s32 @!p0 $0x1082;
	s9 =	sld [smem:$0x3F8B]  }
0x2f: {  	lr =	sadd.s32 s0, s3;
	s0 =	sld [smem:$0x3F82]  }
0x30: {  	s3 =	sld [smem:$0x3F85]  }
0x31: {  	[smem:$0x3F8E] =	sst s10  }
0x32: {  	s10 =	sld [smem:$0x3F8C];
	_ =	sdelay $0x3  }
0x33: {  	p0 =	seq.s32 s10, $0x1;
	s10 =	sld [smem:$0x3F8E];
	_ =	sdelay $0x3  }
0x34: {  	[smem:$0x3F8E] =	sst s10  }
0x35: {  	s10 =	sld [smem:$0x3F8D];
	_ =	sdelay $0x3  }
0x36: {  	p1 =	seq.s32 s10, $0x1;
	s10 =	sld [smem:$0x3F8E];
	_ =	sdelay $0x3  }
0x37: {  	[smem:$0x3F8E] =	sst s10  }
0x38: {  	s10 =	sld [smem:$0x3F8F]  }
0x39: {  	_ = 	snop;
	(pc) =	sbr.ind lr, $3  }
0x3a: {  	_ = 	snop  }
0x3b: {  	_ = 	snop  }
0x3c: {  	p2 =	seq.s32 s10, $0x1;
	s10 =	sld [smem:$0x3F8E]  }
0x3d: {  	_ =	shalt  }
0x3e: {  	_ =	shalt  }
0x3f: {  	_ =	shalt  }
0x40: {  	_ =	shalt  }
0x41: {  	_ =	shalt  }
0x42: {  	_ =	shalt  }
0x43: {  	_ =	shalt  }
0x44: {  	_ =	shalt  }
0x45: {  	_ =	shalt  }
0x46: {  	_ =	shalt  }
0x47: {  	_ =	shalt  }
0x48: {  	_ =	shalt  }
0x49: {  	_ =	shalt  }
0x4a: {  	_ =	shalt  }
0x4b: {  	_ =	shalt  }
0x4c: {  	_ =	shalt  }
0x4d: {  	_ =	shalt  }
0x4e: {  	_ =	shalt  }
0x4f: {  	_ =	shalt  }
0x50: {  	_ =	shalt  }
0x51: {  	_ =	shalt  }
0x52: {  	_ =	shalt  }
0x53: {  	_ =	shalt  }
0x54: {  	_ =	shalt  }
0x55: {  	_ =	shalt  }
0x56: {  	_ =	shalt  }
0x57: {  	_ =	shalt  }
0x58: {  	_ =	shalt  }
0x59: {  	_ =	shalt  }
0x5a: {  	_ =	shalt  }
0x5b: {  	_ =	shalt  }
0x5c: {  	_ =	shalt  }
0x5d: {  	_ =	shalt  }
0x5e: {  	_ =	shalt  }
0x5f: {  	_ =	shalt  }
0x60: {  	_ =	shalt  }
0x61: {  	_ =	shalt  }
0x62: {  	_ =	shalt  }
0x63: {  	_ =	shalt  }
0x64: {  	_ =	shalt  }
0x65: {  	_ =	shalt  }
0x66: {  	_ =	shalt  }
0x67: {  	_ =	shalt  }
0x68: {  	_ =	shalt  }
0x69: {  	_ =	shalt  }
0x6a: {  	_ =	shalt  }
0x6b: {  	_ =	shalt  }
0x6c: {  	_ =	shalt  }
0x6d: {  	_ =	shalt  }
0x6e: {  	_ =	shalt  }
0x6f: {  	_ =	shalt  }
0x70: {  	_ =	shalt  }
0x71: {  	_ =	shalt  }
0x72: {  	_ =	shalt  }
0x73: {  	_ =	shalt  }
0x74: {  	_ =	shalt  }
0x75: {  	_ =	shalt  }
0x76: {  	_ =	shalt  }
0x77: {  	_ =	shalt  }
0x78: {  	_ =	shalt  }
0x79: {  	_ =	shalt  }
0x7a: {  	_ =	shalt  }
0x7b: {  	_ =	shalt  }
0x7c: {  	_ =	shalt  }
0x7d: {  	_ =	shalt  }
0x7e: {  	_ =	shalt  }
0x7f: {  	_ =	shalt  }
0x80: {  	_ =	shalt  }
0x81: {  	_ =	shalt  }
0x82: {  	_ =	shalt  }
0x83: {  	_ =	shalt  }
0x84: {  	_ =	shalt  }
0x85: {  	_ =	shalt  }
0x86: {  	_ =	shalt  }
0x87: {  	_ =	shalt  }
.Lfunc_end0:
.L_simem_size_0:
called_computation_lowered:
.L_overlay_start_0:
0x88: {  	s2 =	sld [smem:$0x3FD9]  }
0x89: {  	s3 =	sld [smem:$0x3FFE];
	_ =	sdelay $0x1  }
0x8a: {  	s1 =	srdreg.scid  }
0x8b: {  	s0 =	sand.u32 $0x1, s1  }
0x8c: {  	s16 =	sshll.u32 s0, $0xA;
	s2 =	sadd.s32 s3, s2  }
0x8d: {  	s2 =	sadd.s32 s2, s16  }
0x8e: {  	[smem:$0x3F9A] =	sst s2  }
0x8f: {  	_ = 	snop  }
0x90: {  	(tm) =	ssettm $0x1  }
0x91: {  	s17 =	sld [smem:$0x3FFB];
	_ =	sdelay $0x3  }
0x92: {  	_ =	strace s17  }
0x93: {  	s2 =	sld [smem:$0x3FFC];
	_ =	sdelay $0x3  }
0x94: {  	_ =	strace s2  }
0x95: {  	s2 =	sld [smem:$0x3FFD];
	_ =	sdelay $0x3  }
0x96: {  	_ =	strace s2  }
0x97: {  	_ =	strace $0x8FFFFFFF  }
0x98: {  	s18 =	sld [smem:$0x3FDB];
	_ =	sdelay $0x1  }
0x99: {  	s19 =	simm.s32 $_scs_section_size  }
0x9a: {  	s4 =	simm.s32 $_size__tile_overlayer_lowered;
	s5 =	simm.s32 $_tile_overlayer_lowered  }
0x9b: {  	s22 =	simm.s32 $0x1BFF;
	s21 =	sshll.u32 s5, $0x1;
	s2 =	sadd.s32 s19, s18  }
0x9c: {  	s6 =	simm.s32 $0x0;
	s20 =	sshll.u32 s4, $0x1;
	s4 =	sadd.s32 s21, s2  }
0x9d: {  	[timem:s6], [sflag:s22] =	dma.local [hbm:s4], s20  }
0x9e: {  	_ =	swait.ge [sflag:s22], s20  }
0x9f: {  	s3 =	ssub.s32 $0x0, s20;
	[sflag:s22] =	ssyncset.done $0x0  }
0xa0: {  	[sflag:s22] =	ssyncadd.s32 s3;
	_ =	sdelay $0x1  }
0xa1: {  	s23 =	simm.s32 $0x1B8B  }
0xa2: {  	_ =	swait.ge [sflag:s23], $0x1  }
0xa3: {  	[sflag:s23] =	ssyncset.done $0x0  }
0xa4: {  	s25 =	simm.s32 $0x1B8E;
	s24 =	sld [smem:$0x3FFE];
	[sflag:s23] =	ssyncadd.s32 $0xFFFFFFFF  }
0xa5: {  	s26 =	simm.s32 $execute0_lowered;
	[smem:$0x3FD2] =	sst s25  }
0xa6: {  	s4 =	sshll.u32 s26, $0x1;
	_ =	strace $0x80000046;
	[dreg:$0x1] =	wrdreg $0xFFFFFFFF  }
0xa7: {  	s28 =	simm.s32 $_size_execute0_lowered;
	s2 =	sadd.s32 s2, s4;
	[dreg:$0x0] =	wrdreg $0x0  }
0xa8: {  	s4 =	sshll.u32 s28, $0x1;
	[dreg:$0x2] =	wrdreg s2  }
0xa9: {  	[dreg:$0x3] =	wrdreg s4  }
0xaa: {  	[dreg:$0x4] =	wrdreg $0xC0  }
0xab: {  	_ =	task [dreg:s6], $0x5FFFF  }
0xac: {  	[dreg:$0x1] =	wrdreg $0xFFFFFFFF  }
0xad: {  	[dreg:$0x0] =	wrdreg $0x60  }
0xae: {  	[dreg:$0x2] =	wrdreg s24  }
0xaf: {  	[dreg:$0x3] =	wrdreg $0x9  }
0xb0: {  	_ =	task.clear_ibuf [dreg:s6], $0x4FFFF;
	_ =	strace $0x90000046  }
0xb1: {  	s29 =	simm.s32 $0x9;
	_ =	strace $0x80000048  }
0xb2: {  	_ =	swait.ge [sflag:s29], $0x1  }
0xb3: {  	[sflag:s29] =	ssyncadd.s32 $0xFFFFFFFF  }
0xb4: {  	_ =	strace $0x90000048  }
0xb5: {  	_ =	sfence  }
0xb6: {  	s30 =	sld [smem:$0x0];
	_ =	sdelay $0x2  }
0xb7: {  	s31 =	sshll.u32 s1, $0xD;
	s1 =	sshrl.u32 s1, $0x2  }
0xb8: {  	s3 =	sand.u32 $0x4000, s31;
	s1 =	sadd.s32 s1, s30  }
0xb9: {  	s0 =	sor.u32 s3, s0;
	s1 =	sshll.u32 s1, $0x11  }
0xba: {  	s0 =	sor.u32 s1, s0  }
0xbb: {  	s0 =	sadd.s32 $0x8F2B, s0  }
0xbc: {  	[sflag:s0] =	ssyncadd.remote.s32 $0x1  }
0xbd: {  	_ =	sfence.sel $0xFFFF  }
0xbe: {  	[dreg:$0x0] =	wrdreg $0xFFFFFFFF;
	(pc) =	sbr.abs _section_cstart, $3  }
0xbf: {  	[dreg:$0x1] =	wrdreg $0xFFFFFFFF  }
0xc0: {  	_ =	task.clear_ibuf [dreg:s6], $0x2FFFF;
	_ =	strace $0x9FFFFFFF  }
0xc1: {  	(tm) =	ssettm $0x7FFFFFFF  }
tec
execute0_lowered:
.L_overlay_start_1:
0x0: {  	(tag) =	ssettag $0x1  }
0x1: {  	s1 =	srdreg.scid;
	s0 =	stileid.u32  }
0x2: {  	s6 =	rddreg [dreg:$0x0];
	s3 =	simm.s32 $0x0;
	s5 =	sand.u32 $0x1, s1  }
0x3: {  	s10 =	simm.s32 $0x80;
	s30 =	sshll.u32 s0, $0x9;
	s2 =	sshll.u32 s5, $0x8  }
0x4: {  	s11 =	simm.s32 $0x400;
	s12 =	simm.s32 $0x800;
	s1 =	sor.u32 s2, s30  }
0x5: {  	s13 =	simm.s32 $0x5;
	p1 =	seq.s32 s5, $0x1;
	p0 =	seq.s32 s1, $0x0  }
0x6: {  	s14 =	simm.s32 $0x1400;
	s15 =	simm.s32 $0x1500;
	p0 =	por !p0, !p1  }
0x7: {  	s16 =	simm.s32 $0x2;
	s2 =	simm.s32 $0x1;
	p0 =	por !p0, !p0  }
0x8: {  	s17 =	simm.s32 $0x1480;
	s18 =	simm.s32 $0x3500;
	s2 =	simm.s32 @!p0 $0x0  }
0x9: {  	s19 =	simm.s32 $0x3;
	s20 =	simm.s32 $0x4;
	s4 =	ssub.s32 s0, s2  }
0xa: {  	v0 =	vlaneseq.u32;
	s21 =	simm.s32 $0x0;
	[smem:$0x7FF] =	sst s3;
	s7 =	sshrl.u32 s4, $0x3  }
0xb: {  	v1 =	vmul.u32 $0x80, v0;
	s8 =	ssub.s32 $0x2, s5;
	s4 =	sshll.u32 s4, $0x7;
	s7 =	smul.u32 $0x6000, s7  }
0xc: {  	v2 =	vimm.s32 $0x0;
	s5 =	simm.s32 $0x1;
	s9 =	sshrl.u32 s8, $0x1;
	s4 =	sand.u32 $0x380, s4  }
0xd: {  	v3 =	vor.u32 $0x40, v0;
	v4 =	vor.u32 $0x1, v1;
	v5 =	vor.u32 $0x2, v1;
	s9 =	ssub.s32 s8, s9;
	s31 =	sshll.u32 s1, $0x7;
	s7 =	sor.u32 s4, s7  }
0xe: {  	v6 =	vor.u32 $0x800, v1;
	v7 =	vor.u32 $0x801, v1;
	v8 =	vor.u32 $0x802, v1;
	s9 =	smax.u32 s9, $0x1;
	s2 =	rddreg [dreg:$0x1];
	s7 =	sshrl.u32 s7, $0x3  }
0xf: {  	v9 =	vor.u32 $0x1000, v1;
	v10 =	vor.u32 $0x1001, v1;
	v11 =	vor.u32 $0x1002, v1;
	_ =	strace $0x80000047;
	s4 =	sadd.s32 $0x4A000, s6;
	s7 =	sadd.s32 s7, s6  }
0x10: {  	v12 =	vor.u32 $0x1800, v1;
	v13 =	vor.u32 $0x1801, v1;
	v14 =	vor.u32 $0x1802, v1;
	s8 =	sadd.s32 s4, s31;
	s6 =	sadd.s32 $0x16A000, s6;
	s7 =	sadd.s32 $0x48800, s7  }
.LBB2_1:
0x11: {  	[tilespmem:s12], [sflag:$0x5] =	stream.strided.gather [hbm4b:s7+s10], $0xC00, s11, s10, $0x38;
	[tilespmem:$0x5500] =	vst v63  }
0x12: {  	_ =	swait.ge [sflag:s13], $0xC00  }
0x13: {  	[sflag:s13] =	ssyncset.done $0x0  }
0x14: {  	s23 =	simm.s32 $0x0;
	[sflag:s13] =	ssyncadd.s32 $0xFFFFF400  }
0x15: {  	[tilespmem:s3], [sflag:$0x1] =	stream.strided.gather [hbm4b:s8+s10], $0x400, s11, s10, $0x38;
	[tilespmem:$0x5500] =	vst v63  }
.LBB2_2:
0x16: {  	s24 =	sshllo.u32 s23, $0x1  }
0x17: {  	s22 =	sor.u32 s1, s24;
	s24 =	sshll.u32 s24, $0x4  }
0x18: {  	_ =	swait.ge [sflag:s5], $0x400;
	s25 =	sshll.u32 s22, $0x7;
	s24 =	sand.u32 $0x70, s24  }
0x19: {  	[sflag:s5] =	ssyncset.done $0x0;
	s25 =	sand.u32 $0xFFC00, s25;
	s24 =	sadd.s32 s4, s24  }
0x1a: {  	[sflag:s5] =	ssyncadd.s32 $0xFFFFFC00;
	s24 =	sadd.s32 s25, s24  }
0x1b: {  	[tilespmem:s11], [sflag:$0x2] =	stream.strided.gather [hbm4b:s24+s10], $0x400, s11, s10, $0x38;
	[tilespmem:$0x5500] =	vst v63  }
0x1c: {  	[tilespmem:$0x1400] =	vst v2  }
0x1d: {  	[tilespmem:$0x1410] =	vst v2  }
0x1e: {  	[tilespmem:$0x1420] =	vst v2  }
0x1f: {  	[tilespmem:$0x1430] =	vst v2  }
0x20: {  	s26 =	simm.s32 $0x20;
	s25 =	simm.s32 $0x0;
	s24 =	sshll.u32 s23, $0x1;
	[tilespmem:$0x1440] =	vst v2  }
.LBB2_3:
0x21: {  	v15 =	vld [tilespmem:s26+$0xFFFFFFE0];
	_ =	sdelay $0x4  }
0x22: {  	vm0 =	vgt.s32 v15, $0x0;
	v15 =	vadd.s32 $0xFFFFFFFF, v15  }
0x23: {  	v15 =	vsel vm0, v15, v3;
	_ =	sdelay $0x3  }
0x24: {  	v16 =	vor.u32 s25, v0  }
0x25: {  	[tilespmem:v15+s14+$0x0] =	vst.idx.msk $0xffff, v16  }
0x26: {  	v15 =	vld [tilespmem:s26+$0xFFFFFFF0];
	_ =	sdelay $0x4  }
0x27: {  	vm13 =	vgt.s32 v15, $0x0;
	v15 =	vadd.s32 $0xFFFFFFFF, v15  }
0x28: {  	v15 =	vsel vm13, v15, v3;
	_ =	sdelay $0x2  }
0x29: {  	s28 =	sadd.s32 $0x10, s25  }
0x2a: {  	v61 =	vor.u32 s28, v0  }
0x2b: {  	[tilespmem:v15+s14+$0x0] =	vst.idx.msk $0xffff, v61  }
0x2c: {  	v15 =	vld [tilespmem:s26+$0x0];
	_ =	sdelay $0x4  }
0x2d: {  	vm14 =	vgt.s32 v15, $0x0;
	v15 =	vadd.s32 $0xFFFFFFFF, v15  }
0x2e: {  	v15 =	vsel vm14, v15, v3;
	_ =	sdelay $0x2  }
0x2f: {  	s30 =	sadd.s32 $0x20, s25  }
0x30: {  	v62 =	vor.u32 s30, v0  }
0x31: {  	[tilespmem:v15+s14+$0x0] =	vst.idx.msk $0xffff, v62  }
0x32: {  	v15 =	vld [tilespmem:s26+$0x10];
	_ =	sdelay $0x4  }
0x33: {  	vm15 =	vgt.s32 v15, $0x0;
	v15 =	vadd.s32 $0xFFFFFFFF, v15  }
0x34: {  	p0 =	sne.s32 s25, $0x3C0;
	v15 =	vsel vm15, v15, v3  }
.Ltmp0:
0x35: {  	_ = 	snop;
	(pc) =	sbr.rel @p0 .LBB2_3-.Ltmp0, $4  }
0x36: {  	_ = 	snop  }
0x37: {  	s31 =	sadd.s32 $0x30, s25  }
0x38: {  	v63 =	vor.u32 s31, v0  }
0x39: {  	s25 =	sadd.s32 $0x40, s25;
	s26 =	sadd.s32 $0x40, s26;
	[tilespmem:v15+s14+$0x0] =	vst.idx.msk $0xffff, v63  }
0x3a: {  	p0 =	seq.s32 s23, $0x0  }
0x3b: {  	s25 =	simm.s32 @!p0 $0x3  }
0x3c: {  	_ =	swait.ge @!p0 [sflag:s25], $0x2000  }
0x3d: {  	[sflag:s25] =	ssyncset.done @!p0 $0x0  }
0x3e: {  	[sflag:s25] =	ssyncadd.s32 @!p0 $0xFFFFE000  }
0x3f: {  	v15 =	vld [tilespmem:$0x1400];
	_ =	sdelay $0x4  }
0x40: {  	v15 =	vmul.u32 $0x3, v15;
	_ =	sdelay $0x5  }
0x41: {  	v16 =	vld.idx.msk [tilespmem:v15+s12+$0x0], $0xffff  }
0x42: {  	v17 =	vadd.s32 $0x1, v15;
	_ =	sdelay $0x3  }
0x43: {  	[tilespmem:v1+s15+$0x0] =	vst.idx.msk $0xffff, v16  }
0x44: {  	v16 =	vld.idx.msk [tilespmem:v17+s12+$0x0], $0xffff  }
0x45: {  	v15 =	vadd.s32 $0x2, v15;
	_ =	sdelay $0x3  }
0x46: {  	[tilespmem:v4+s15+$0x0] =	vst.idx.msk $0xffff, v16  }
0x47: {  	v15 =	vld.idx.msk [tilespmem:v15+s12+$0x0], $0xffff;
	_ =	sdelay $0x4  }
0x48: {  	[tilespmem:v5+s15+$0x0] =	vst.idx.msk $0xffff, v15  }
0x49: {  	v15 =	vld [tilespmem:$0x1410];
	_ =	sdelay $0x4  }
0x4a: {  	v15 =	vmul.u32 $0x3, v15;
	_ =	sdelay $0x5  }
0x4b: {  	v16 =	vld.idx.msk [tilespmem:v15+s12+$0x0], $0xffff  }
0x4c: {  	v61 =	vadd.s32 $0x1, v15;
	_ =	sdelay $0x3  }
0x4d: {  	[tilespmem:v6+s15+$0x0] =	vst.idx.msk $0xffff, v16  }
0x4e: {  	v16 =	vld.idx.msk [tilespmem:v61+s12+$0x0], $0xffff  }
0x4f: {  	v15 =	vadd.s32 $0x2, v15;
	_ =	sdelay $0x3  }
0x50: {  	[tilespmem:v7+s15+$0x0] =	vst.idx.msk $0xffff, v16  }
0x51: {  	v15 =	vld.idx.msk [tilespmem:v15+s12+$0x0], $0xffff;
	_ =	sdelay $0x4  }
0x52: {  	[tilespmem:v8+s15+$0x0] =	vst.idx.msk $0xffff, v15  }
0x53: {  	v15 =	vld [tilespmem:$0x1420];
	_ =	sdelay $0x4  }
0x54: {  	v15 =	vmul.u32 $0x3, v15;
	_ =	sdelay $0x5  }
0x55: {  	v16 =	vld.idx.msk [tilespmem:v15+s12+$0x0], $0xffff  }
0x56: {  	v62 =	vadd.s32 $0x1, v15;
	_ =	sdelay $0x3  }
0x57: {  	[tilespmem:v9+s15+$0x0] =	vst.idx.msk $0xffff, v16  }
0x58: {  	v16 =	vld.idx.msk [tilespmem:v62+s12+$0x0], $0xffff  }
0x59: {  	v15 =	vadd.s32 $0x2, v15;
	_ =	sdelay $0x3  }
0x5a: {  	[tilespmem:v10+s15+$0x0] =	vst.idx.msk $0xffff, v16  }
0x5b: {  	v15 =	vld.idx.msk [tilespmem:v15+s12+$0x0], $0xffff;
	_ =	sdelay $0x4  }
0x5c: {  	[tilespmem:v11+s15+$0x0] =	vst.idx.msk $0xffff, v15  }
0x5d: {  	v15 =	vld [tilespmem:$0x1430];
	_ =	sdelay $0x4  }
0x5e: {  	v15 =	vmul.u32 $0x3, v15;
	_ =	sdelay $0x5  }
0x5f: {  	v16 =	vld.idx.msk [tilespmem:v15+s12+$0x0], $0xffff  }
0x60: {  	v63 =	vadd.s32 $0x1, v15;
	_ =	sdelay $0x3  }
0x61: {  	[tilespmem:v12+s15+$0x0] =	vst.idx.msk $0xffff, v16  }
0x62: {  	v16 =	vld.idx.msk [tilespmem:v63+s12+$0x0], $0xffff  }
0x63: {  	v15 =	vadd.s32 $0x2, v15;
	_ =	sdelay $0x3  }
0x64: {  	[tilespmem:v13+s15+$0x0] =	vst.idx.msk $0xffff, v16  }
0x65: {  	v15 =	vld.idx.msk [tilespmem:v15+s12+$0x0], $0xffff;
	_ =	sdelay $0x2  }
0x66: {  	s31 =	sadd.s32 s1, s24  }
0x67: {  	p1 =	seq.s32 s23, $0x7F;
	s25 =	sshll.u32 s31, $0xA  }
0x68: {  	s24 =	sadd.s32 @!p1 $0x2, s24;
	s26 =	simm.s32 @!p1 $0x400;
	s25 =	sadd.s32 s6, s25;
	[tilespmem:v14+s15+$0x0] =	vst.idx.msk $0xffff, v15  }
0x69: {  	[hbm4b:s25+s3] =	stream.linear.scatter [tilespmem:s15], [sflag:$0x3], $0x2000, $0x38;
	[tilespmem:$0x5500] =	vst v63  }
0x6a: {  	s28 =	simm.s32 @!p1 $0x0;
	s25 =	sadd.s32 @!p1 s1, s24;
	s24 =	sshll.u32 @!p1 s24, $0x4  }
0x6b: {  	_ =	swait.ge [sflag:s16], $0x400;
	s25 =	sshll.u32 @!p1 s25, $0x7;
	s24 =	sand.u32 @!p1 $0x60, s24  }
0x6c: {  	[sflag:s16] =	ssyncset.done $0x0;
	s25 =	sand.u32 @!p1 $0x1FFC00, s25;
	s24 =	sadd.s32 @!p1 s4, s24  }
0x6d: {  	[sflag:s16] =	ssyncadd.s32 $0xFFFFFC00;
	s24 =	sadd.s32 @!p1 s25, s24;
	s25 =	simm.s32 @!p1 $0x80  }
0x6e: {  	[tilespmem:s28], [sflag:$0x1] =	stream.strided.gather @!p1 [hbm4b:s24+s25], $0x400, s26, s25, $0x38;
	[tilespmem:$0x5500] =	vst v63  }
0x6f: {  	[tilespmem:$0x1480] =	vst v2  }
0x70: {  	[tilespmem:$0x1490] =	vst v2  }
0x71: {  	[tilespmem:$0x14A0] =	vst v2  }
0x72: {  	[tilespmem:$0x14B0] =	vst v2  }
0x73: {  	s23 =	sadd.s32 $0x1, s23;
	s24 =	simm.s32 $0x0;
	s25 =	simm.s32 $0x420;
	[tilespmem:$0x14C0] =	vst v2  }
.LBB2_5:
0x74: {  	v15 =	vld [tilespmem:s25+$0xFFFFFFE0];
	_ =	sdelay $0x4  }
0x75: {  	vm0 =	vgt.s32 v15, $0x0;
	v15 =	vadd.s32 $0xFFFFFFFF, v15  }
0x76: {  	v15 =	vsel vm0, v15, v3;
	_ =	sdelay $0x3  }
0x77: {  	v16 =	vor.u32 s24, v0  }
0x78: {  	[tilespmem:v15+s17+$0x0] =	vst.idx.msk $0xffff, v16  }
0x79: {  	v15 =	vld [tilespmem:s25+$0xFFFFFFF0];
	_ =	sdelay $0x4  }
0x7a: {  	vm13 =	vgt.s32 v15, $0x0;
	v15 =	vadd.s32 $0xFFFFFFFF, v15  }
0x7b: {  	v15 =	vsel vm13, v15, v3;
	_ =	sdelay $0x2  }
0x7c: {  	s26 =	sadd.s32 $0x10, s24  }
0x7d: {  	v61 =	vor.u32 s26, v0  }
0x7e: {  	[tilespmem:v15+s17+$0x0] =	vst.idx.msk $0xffff, v61  }
0x7f: {  	v15 =	vld [tilespmem:s25+$0x0];
	_ =	sdelay $0x4  }
0x80: {  	vm14 =	vgt.s32 v15, $0x0;
	v15 =	vadd.s32 $0xFFFFFFFF, v15  }
0x81: {  	v15 =	vsel vm14, v15, v3;
	_ =	sdelay $0x2  }
0x82: {  	s30 =	sadd.s32 $0x20, s24  }
0x83: {  	v62 =	vor.u32 s30, v0  }
0x84: {  	[tilespmem:v15+s17+$0x0] =	vst.idx.msk $0xffff, v62  }
0x85: {  	v15 =	vld [tilespmem:s25+$0x10];
	_ =	sdelay $0x4  }
0x86: {  	vm15 =	vgt.s32 v15, $0x0;
	v15 =	vadd.s32 $0xFFFFFFFF, v15  }
0x87: {  	p1 =	sne.s32 s24, $0x3C0;
	v15 =	vsel vm15, v15, v3  }
.Ltmp1:
0x88: {  	_ = 	snop;
	(pc) =	sbr.rel @p1 .LBB2_5-.Ltmp1, $4  }
0x89: {  	_ = 	snop  }
0x8a: {  	s31 =	sadd.s32 $0x30, s24  }
0x8b: {  	v63 =	vor.u32 s31, v0  }
0x8c: {  	s24 =	sadd.s32 $0x40, s24;
	s25 =	sadd.s32 $0x40, s25;
	[tilespmem:v15+s17+$0x0] =	vst.idx.msk $0xffff, v63  }
0x8d: {  	s24 =	simm.s32 @!p0 $0x4  }
0x8e: {  	_ =	swait.ge @!p0 [sflag:s24], $0x2000  }
0x8f: {  	[sflag:s24] =	ssyncset.done @!p0 $0x0  }
0x90: {  	[sflag:s24] =	ssyncadd.s32 @!p0 $0xFFFFE000  }
0x91: {  	v15 =	vld [tilespmem:$0x1480];
	_ =	sdelay $0x4  }
0x92: {  	v15 =	vmul.u32 $0x3, v15;
	_ =	sdelay $0x5  }
0x93: {  	v16 =	vld.idx.msk [tilespmem:v15+s12+$0x0], $0xffff  }
0x94: {  	v17 =	vadd.s32 $0x1, v15;
	_ =	sdelay $0x3  }
0x95: {  	[tilespmem:v1+s18+$0x0] =	vst.idx.msk $0xffff, v16  }
0x96: {  	v16 =	vld.idx.msk [tilespmem:v17+s12+$0x0], $0xffff  }
0x97: {  	v15 =	vadd.s32 $0x2, v15;
	_ =	sdelay $0x3  }
0x98: {  	[tilespmem:v4+s18+$0x0] =	vst.idx.msk $0xffff, v16  }
0x99: {  	v15 =	vld.idx.msk [tilespmem:v15+s12+$0x0], $0xffff;
	_ =	sdelay $0x4  }
0x9a: {  	[tilespmem:v5+s18+$0x0] =	vst.idx.msk $0xffff, v15  }
0x9b: {  	v15 =	vld [tilespmem:$0x1490];
	_ =	sdelay $0x4  }
0x9c: {  	v15 =	vmul.u32 $0x3, v15;
	_ =	sdelay $0x5  }
0x9d: {  	v16 =	vld.idx.msk [tilespmem:v15+s12+$0x0], $0xffff  }
0x9e: {  	v61 =	vadd.s32 $0x1, v15;
	_ =	sdelay $0x3  }
0x9f: {  	[tilespmem:v6+s18+$0x0] =	vst.idx.msk $0xffff, v16  }
0xa0: {  	v16 =	vld.idx.msk [tilespmem:v61+s12+$0x0], $0xffff  }
0xa1: {  	v15 =	vadd.s32 $0x2, v15;
	_ =	sdelay $0x3  }
0xa2: {  	[tilespmem:v7+s18+$0x0] =	vst.idx.msk $0xffff, v16  }
0xa3: {  	v15 =	vld.idx.msk [tilespmem:v15+s12+$0x0], $0xffff;
	_ =	sdelay $0x4  }
0xa4: {  	[tilespmem:v8+s18+$0x0] =	vst.idx.msk $0xffff, v15  }
0xa5: {  	v15 =	vld [tilespmem:$0x14A0];
	_ =	sdelay $0x4  }
0xa6: {  	v15 =	vmul.u32 $0x3, v15;
	_ =	sdelay $0x5  }
0xa7: {  	v16 =	vld.idx.msk [tilespmem:v15+s12+$0x0], $0xffff  }
0xa8: {  	v62 =	vadd.s32 $0x1, v15;
	_ =	sdelay $0x3  }
0xa9: {  	[tilespmem:v9+s18+$0x0] =	vst.idx.msk $0xffff, v16  }
0xaa: {  	v16 =	vld.idx.msk [tilespmem:v62+s12+$0x0], $0xffff  }
0xab: {  	v15 =	vadd.s32 $0x2, v15;
	_ =	sdelay $0x3  }
0xac: {  	[tilespmem:v10+s18+$0x0] =	vst.idx.msk $0xffff, v16  }
0xad: {  	v15 =	vld.idx.msk [tilespmem:v15+s12+$0x0], $0xffff;
	_ =	sdelay $0x4  }
0xae: {  	[tilespmem:v11+s18+$0x0] =	vst.idx.msk $0xffff, v15  }
0xaf: {  	v15 =	vld [tilespmem:$0x14B0];
	_ =	sdelay $0x4  }
0xb0: {  	v15 =	vmul.u32 $0x3, v15;
	_ =	sdelay $0x5  }
0xb1: {  	v16 =	vld.idx.msk [tilespmem:v15+s12+$0x0], $0xffff  }
0xb2: {  	v63 =	vadd.s32 $0x1, v15;
	_ =	sdelay $0x3  }
0xb3: {  	[tilespmem:v12+s18+$0x0] =	vst.idx.msk $0xffff, v16  }
0xb4: {  	v16 =	vld.idx.msk [tilespmem:v63+s12+$0x0], $0xffff  }
0xb5: {  	v15 =	vadd.s32 $0x2, v15;
	_ =	sdelay $0x3  }
0xb6: {  	[tilespmem:v13+s18+$0x0] =	vst.idx.msk $0xffff, v16  }
0xb7: {  	v15 =	vld.idx.msk [tilespmem:v15+s12+$0x0], $0xffff  }
0xb8: {  	p0 =	sne.s32 s23, $0x80  }
.Ltmp2:
0xb9: {  	_ = 	snop;
	(pc) =	sbr.rel @p0 .LBB2_2-.Ltmp2, $4  }
0xba: {  	_ = 	snop  }
0xbb: {  	s22 =	sshll.u32 s22, $0xA  }
0xbc: {  	s22 =	sadd.s32 s6, s22;
	[tilespmem:v14+s18+$0x0] =	vst.idx.msk $0xffff, v15  }
0xbd: {  	[hbm4b:s22+s3] =	stream.linear.scatter [tilespmem:s18], [sflag:$0x4], $0x2000, $0x38;
	[tilespmem:$0x5500] =	vst v63  }
0xbe: {  	s21 =	sadd.s32 $0x1, s21  }
0xbf: {  	_ =	swait.ge [sflag:s19], $0x2000;
	p0 =	sne.s32 s21, s9  }
.Ltmp3:
0xc0: {  	[sflag:s19] =	ssyncset.done $0x0;
	(pc) =	sbr.rel @p0 .LBB2_1-.Ltmp3, $4  }
0xc1: {  	[sflag:s19] =	ssyncadd.s32 $0xFFFFE000  }
0xc2: {  	_ =	swait.ge [sflag:s20], $0x2000  }
0xc3: {  	[sflag:s20] =	ssyncset.done $0x0  }
0xc4: {  	[sflag:s20] =	ssyncadd.s32 $0xFFFFE000  }
0xc5: {  	_ =	sfence.sel $0x180000  }
0xc6: {  	[bflag:$0x0] =	sbarrier.arrive $0xFFFF  }
0xc7: {  	p0 =	sne.s32 s0, $0x0;
	_ =	strace $0x90000047  }
0xc8: {  	s0 =	sadd.s32 @!p0 $0x100000, s2;
	[bflag:$0x2] =	sbarrier.arrive $0xFFFF  }
0xc9: {  	[sflag:s0] =	ssyncadd.tile.s32 @!p0 $0x1;
	_ =	shalt  }
.Lfunc_end2:
_tile_overlayer_lowered:
.L_overlay_start_2:
0xca: {  	(tag) =	ssettag $0x2  }
0xcb: {  	s0 =	rddreg [dreg:$0x0];
	s2 =	stileid.u32  }
0xcc: {  	s1 =	rddreg [dreg:$0x1];
	p0 =	sne.s32 s2, $0x0  }
0xcd: {  	s3 =	rddreg [dreg:$0x2];
	[bflag:$0x3] =	sbarrier.arrive $0xFFFF;
	s2 =	simm.s32 @!p0 $0x1C05  }
0xce: {  	[timem:s3], [sflag:s2] =	dma.local @!p0 [hbm:s0], s1  }
0xcf: {  	s0 =	simm.s32 @!p0 $0x5  }
0xd0: {  	_ =	swait.ge @!p0 [sflag:s0], s1  }
0xd1: {  	s1 =	ssub.s32 @!p0 $0x0, s1;
	[sflag:s0] =	ssyncset.done @!p0 $0x0  }
0xd2: {  	[sflag:s0] =	ssyncadd.s32 @!p0 s1  }
0xd3: {  	[bflag:$0x3] =	sbarrier.arrive $0xFFFF  }
0xd4: {  	_ =	shalt  }

// kernel: kernel.14.cloned.1.call-start
scs
__scs_entry_jumppad:
0x0: {  	(pc) =	sbr.rel $0x88, $3  }
0x1: {  	(tag) =	ssettag $0x0;
	lr =	simm.s32 $0x1  }
0x2: {  	[smem:$0x3F73] =	sst lr;
	_ =	strace $0xD0000000  }
0x3: {  	_ = 	snop  }
0x4: {  	_ = 	snop  }
0x5: {  	_ = 	snop  }
0x6: {  	_ = 	snop  }
0x7: {  	_ = 	snop  }
__scs_overlays_trampoline_lowered:
0x8: {  	[smem:$0x3F82] =	sst s0  }
0x9: {  	[smem:$0x3F83] =	sst s1  }
0xa: {  	[smem:$0x3F84] =	sst s2  }
0xb: {  	[smem:$0x3F85] =	sst s3  }
0xc: {  	[smem:$0x3F86] =	sst s4  }
0xd: {  	[smem:$0x3F87] =	sst s5  }
0xe: {  	[smem:$0x3F88] =	sst s6  }
0xf: {  	[smem:$0x3F89] =	sst s7  }
0x10: {  	[smem:$0x3F8A] =	sst s8  }
0x11: {  	[smem:$0x3F8B] =	sst s9;
	s0 =	simm.s32 @!p0 $0x0  }
0x12: {  	s1 =	sld [smem:$0x3F71];
	s0 =	simm.s32 @p0 $0x1  }
0x13: {  	[smem:$0x3F8C] =	sst s0;
	s0 =	simm.s32 @!p1 $0x0  }
0x14: {  	s2 =	sld [smem:$0x3F70];
	s0 =	simm.s32 @p1 $0x1  }
0x15: {  	[smem:$0x3F8D] =	sst s0;
	s0 =	simm.s32 @!p2 $0x0  }
0x16: {  	s3 =	sld [smem:$0x3FDB];
	s0 =	simm.s32 @p2 $0x1  }
0x17: {  	s4 =	simm.s32 $0x1BF5;
	[smem:$0x3F8F] =	sst s0  }
0x18: {  	s0 =	sld [smem:$0x3F72];
	_ =	swait.ge [sflag:s4], $0x0  }
0x19: {  	s7 =	sld [smem:$0x3F73]  }
0x1a: {  	s8 =	sadd.s32 $0xFFFFE003, lr  }
0x1b: {  	s9 =	sadd.s32 $0xFFFFFEF7, lr;
	s5 =	simm.s32 $0xFFFFFFFF;
	p2 =	slt.u32 s8, $0xFFFFF086  }
0x1c: {  	p1 =	slt.u32 s9, $0xF7A;
	s5 =	simm.s32 @!p2 $0x0  }
0x1d: {  	s5 =	simm.s32 @p1 $0x1;
	p0 =	seq.s32 s7, s2  }
0x1e: {  	s7 =	smul.u32 @!p0 $0xF7A, s2;
	p2 =	seq.s32 @!p0 s5, $0x0  }
0x1f: {  	s9 =	smul.u32 $0xF7A, s1;
	s8 =	simm.s32 @!p0 $0x1BF5;
	p2 =	por !p2, p0  }
0x20: {  	[sflag:s8] =	ssyncset.s32 @!p0 $0xFFFFF086;
	s6 =	sadd.s32 @!p0 s3, s7;
	s7 =	simm.s32 @!p0 $0x108  }
0x21: {  	s3 =	sadd.s32 s3, s9;
	s6 =	sadd.s32 @!p0 $0x88, s6;
	s7 =	simm.s32 @p2 $0x1082  }
0x22: {  	[simem:s7], [sflag:s8] =	dma.local @!p0 [hbm:s6], $0xF7A  }
0x23: {  	s9 =	sor.u32 $0xD0000000, s2;
	s6 =	simm.s32 $0x108;
	_ =	swait.ge @!p0 [sflag:s8], $0x0  }
0x24: {  	s3 =	sadd.s32 $0x88, s3;
	s6 =	simm.s32 @!p1 $0x1082;
	[sflag:s4] =	ssyncset.s32 $0xFFFFF086  }
0x25: {  	[simem:s6], [sflag:s4] =	dma.local [hbm:s3], $0xF7A  }
0x26: {  	[smem:$0x3F73] =	sst s1;
	(tag) =	ssettag s2;
	_ =	strace s9  }
0x27: {  	s1 =	sld [smem:$0x3F83]  }
0x28: {  	s2 =	sld [smem:$0x3F84]  }
0x29: {  	s4 =	sld [smem:$0x3F86]  }
0x2a: {  	p0 =	seq.s32 s5, $0x0;
	s5 =	sld [smem:$0x3F87]  }
0x2b: {  	s6 =	sld [smem:$0x3F88]  }
0x2c: {  	s7 =	sld [smem:$0x3F89]  }
0x2d: {  	s3 =	simm.s32 $0x108;
	s8 =	sld [smem:$0x3F8A]  }
0x2e: {  	s3 =	simm.s32 @!p0 $0x1082;
	s9 =	sld [smem:$0x3F8B]  }
0x2f: {  	lr =	sadd.s32 s0, s3;
	s0 =	sld [smem:$0x3F82]  }
0x30: {  	s3 =	sld [smem:$0x3F85]  }
0x31: {  	[smem:$0x3F8E] =	sst s10  }
0x32: {  	s10 =	sld [smem:$0x3F8C];
	_ =	sdelay $0x3  }
0x33: {  	p0 =	seq.s32 s10, $0x1;
	s10 =	sld [smem:$0x3F8E];
	_ =	sdelay $0x3  }
0x34: {  	[smem:$0x3F8E] =	sst s10  }
0x35: {  	s10 =	sld [smem:$0x3F8D];
	_ =	sdelay $0x3  }
0x36: {  	p1 =	seq.s32 s10, $0x1;
	s10 =	sld [smem:$0x3F8E];
	_ =	sdelay $0x3  }
0x37: {  	[smem:$0x3F8E] =	sst s10  }
0x38: {  	s10 =	sld [smem:$0x3F8F]  }
0x39: {  	_ = 	snop;
	(pc) =	sbr.ind lr, $3  }
0x3a: {  	_ = 	snop  }
0x3b: {  	_ = 	snop  }
0x3c: {  	p2 =	seq.s32 s10, $0x1;
	s10 =	sld [smem:$0x3F8E]  }
0x3d: {  	_ =	shalt  }
0x3e: {  	_ =	shalt  }
0x3f: {  	_ =	shalt  }
0x40: {  	_ =	shalt  }
0x41: {  	_ =	shalt  }
0x42: {  	_ =	shalt  }
0x43: {  	_ =	shalt  }
0x44: {  	_ =	shalt  }
0x45: {  	_ =	shalt  }
0x46: {  	_ =	shalt  }
0x47: {  	_ =	shalt  }
0x48: {  	_ =	shalt  }
0x49: {  	_ =	shalt  }
0x4a: {  	_ =	shalt  }
0x4b: {  	_ =	shalt  }
0x4c: {  	_ =	shalt  }
0x4d: {  	_ =	shalt  }
0x4e: {  	_ =	shalt  }
0x4f: {  	_ =	shalt  }
0x50: {  	_ =	shalt  }
0x51: {  	_ =	shalt  }
0x52: {  	_ =	shalt  }
0x53: {  	_ =	shalt  }
0x54: {  	_ =	shalt  }
0x55: {  	_ =	shalt  }
0x56: {  	_ =	shalt  }
0x57: {  	_ =	shalt  }
0x58: {  	_ =	shalt  }
0x59: {  	_ =	shalt  }
0x5a: {  	_ =	shalt  }
0x5b: {  	_ =	shalt  }
0x5c: {  	_ =	shalt  }
0x5d: {  	_ =	shalt  }
0x5e: {  	_ =	shalt  }
0x5f: {  	_ =	shalt  }
0x60: {  	_ =	shalt  }
0x61: {  	_ =	shalt  }
0x62: {  	_ =	shalt  }
0x63: {  	_ =	shalt  }
0x64: {  	_ =	shalt  }
0x65: {  	_ =	shalt  }
0x66: {  	_ =	shalt  }
0x67: {  	_ =	shalt  }
0x68: {  	_ =	shalt  }
0x69: {  	_ =	shalt  }
0x6a: {  	_ =	shalt  }
0x6b: {  	_ =	shalt  }
0x6c: {  	_ =	shalt  }
0x6d: {  	_ =	shalt  }
0x6e: {  	_ =	shalt  }
0x6f: {  	_ =	shalt  }
0x70: {  	_ =	shalt  }
0x71: {  	_ =	shalt  }
0x72: {  	_ =	shalt  }
0x73: {  	_ =	shalt  }
0x74: {  	_ =	shalt  }
0x75: {  	_ =	shalt  }
0x76: {  	_ =	shalt  }
0x77: {  	_ =	shalt  }
0x78: {  	_ =	shalt  }
0x79: {  	_ =	shalt  }
0x7a: {  	_ =	shalt  }
0x7b: {  	_ =	shalt  }
0x7c: {  	_ =	shalt  }
0x7d: {  	_ =	shalt  }
0x7e: {  	_ =	shalt  }
0x7f: {  	_ =	shalt  }
0x80: {  	_ =	shalt  }
0x81: {  	_ =	shalt  }
0x82: {  	_ =	shalt  }
0x83: {  	_ =	shalt  }
0x84: {  	_ =	shalt  }
0x85: {  	_ =	shalt  }
0x86: {  	_ =	shalt  }
0x87: {  	_ =	shalt  }
.Lfunc_end0:
.L_simem_size_0:
called_computation.1_lowered:
.L_overlay_start_0:
0x88: {  	s2 =	sld [smem:$0x3FD9]  }
0x89: {  	s3 =	sld [smem:$0x3FFE];
	_ =	sdelay $0x1  }
0x8a: {  	s1 =	srdreg.scid  }
0x8b: {  	s0 =	sand.u32 $0x1, s1  }
0x8c: {  	s16 =	sshll.u32 s0, $0xA;
	s2 =	sadd.s32 s3, s2  }
0x8d: {  	s2 =	sadd.s32 s2, s16  }
0x8e: {  	[smem:$0x3F9A] =	sst s2  }
0x8f: {  	_ = 	snop  }
0x90: {  	(tm) =	ssettm $0x1  }
0x91: {  	s17 =	sld [smem:$0x3FFB];
	_ =	sdelay $0x3  }
0x92: {  	_ =	strace s17  }
0x93: {  	s2 =	sld [smem:$0x3FFC];
	_ =	sdelay $0x3  }
0x94: {  	_ =	strace s2  }
0x95: {  	s2 =	sld [smem:$0x3FFD];
	_ =	sdelay $0x3  }
0x96: {  	_ =	strace s2  }
0x97: {  	_ =	strace $0x8FFFFFFF  }
0x98: {  	s18 =	sld [smem:$0x3FDB];
	_ =	sdelay $0x1  }
0x99: {  	s19 =	simm.s32 $_scs_section_size  }
0x9a: {  	s4 =	simm.s32 $_size__tile_overlayer_lowered;
	s5 =	simm.s32 $_tile_overlayer_lowered  }
0x9b: {  	s22 =	simm.s32 $0x1BFF;
	s21 =	sshll.u32 s5, $0x1;
	s2 =	sadd.s32 s19, s18  }
0x9c: {  	s6 =	simm.s32 $0x0;
	s20 =	sshll.u32 s4, $0x1;
	s4 =	sadd.s32 s21, s2  }
0x9d: {  	[timem:s6], [sflag:s22] =	dma.local [hbm:s4], s20  }
0x9e: {  	_ =	swait.ge [sflag:s22], s20  }
0x9f: {  	s3 =	ssub.s32 $0x0, s20;
	[sflag:s22] =	ssyncset.done $0x0  }
0xa0: {  	[sflag:s22] =	ssyncadd.s32 s3;
	_ =	sdelay $0x1  }
0xa1: {  	s23 =	simm.s32 $0x1B8B  }
0xa2: {  	_ =	swait.ge [sflag:s23], $0x1  }
0xa3: {  	[sflag:s23] =	ssyncset.done $0x0  }
0xa4: {  	s25 =	simm.s32 $0x1B8E;
	s24 =	sld [smem:$0x3FFE];
	[sflag:s23] =	ssyncadd.s32 $0xFFFFFFFF  }
0xa5: {  	s26 =	simm.s32 $execute0_lowered;
	[smem:$0x3FD2] =	sst s25  }
0xa6: {  	s4 =	sshll.u32 s26, $0x1;
	_ =	strace $0x80000049;
	[dreg:$0x1] =	wrdreg $0xFFFFFFFF  }
0xa7: {  	s28 =	simm.s32 $_size_execute0_lowered;
	s2 =	sadd.s32 s2, s4;
	[dreg:$0x0] =	wrdreg $0x0  }
0xa8: {  	s4 =	sshll.u32 s28, $0x1;
	[dreg:$0x2] =	wrdreg s2  }
0xa9: {  	[dreg:$0x3] =	wrdreg s4  }
0xaa: {  	[dreg:$0x4] =	wrdreg $0xC0  }
0xab: {  	_ =	task [dreg:s6], $0x5FFFF  }
0xac: {  	[dreg:$0x1] =	wrdreg $0xFFFFFFFF  }
0xad: {  	[dreg:$0x0] =	wrdreg $0x60  }
0xae: {  	[dreg:$0x2] =	wrdreg s24  }
0xaf: {  	[dreg:$0x3] =	wrdreg $0x9  }
0xb0: {  	_ =	task.clear_ibuf [dreg:s6], $0x4FFFF;
	_ =	strace $0x90000049  }
0xb1: {  	s29 =	simm.s32 $0x9;
	_ =	strace $0x8000004B  }
0xb2: {  	_ =	swait.ge [sflag:s29], $0x1  }
0xb3: {  	[sflag:s29] =	ssyncadd.s32 $0xFFFFFFFF  }
0xb4: {  	_ =	strace $0x9000004B  }
0xb5: {  	_ =	sfence  }
0xb6: {  	s30 =	sld [smem:$0x0];
	_ =	sdelay $0x2  }
0xb7: {  	s31 =	sshll.u32 s1, $0xD;
	s1 =	sshrl.u32 s1, $0x2  }
0xb8: {  	s3 =	sand.u32 $0x4000, s31;
	s1 =	sadd.s32 s1, s30  }
0xb9: {  	s0 =	sor.u32 s3, s0;
	s1 =	sshll.u32 s1, $0x11  }
0xba: {  	s0 =	sor.u32 s1, s0  }
0xbb: {  	s0 =	sadd.s32 $0x8F2B, s0  }
0xbc: {  	[sflag:s0] =	ssyncadd.remote.s32 $0x1  }
0xbd: {  	_ =	sfence.sel $0xFFFF  }
0xbe: {  	[dreg:$0x0] =	wrdreg $0xFFFFFFFF;
	(pc) =	sbr.abs _section_cstart, $3  }
0xbf: {  	[dreg:$0x1] =	wrdreg $0xFFFFFFFF  }
0xc0: {  	_ =	task.clear_ibuf [dreg:s6], $0x2FFFF;
	_ =	strace $0x9FFFFFFF  }
0xc1: {  	(tm) =	ssettm $0x7FFFFFFF  }
tec
execute0_lowered:
.L_overlay_start_1:
0x0: {  	(tag) =	ssettag $0x1  }
0x1: {  	s0 =	srdreg.scid  }
0x2: {  	s11 =	stileid.u32;
	s8 =	rddreg [dreg:$0x0];
	s3 =	simm.s32 $0x0  }
0x3: {  	s13 =	simm.s32 $0x80;
	s14 =	simm.s32 $0x400;
	s16 =	simm.s32 $0x200  }
0x4: {  	s17 =	simm.s32 $0xA00;
	s18 =	simm.s32 $0x4B00;
	s19 =	simm.s32 $0x2  }
0x5: {  	s20 =	simm.s32 $0xA80;
	s21 =	simm.s32 $0x6B00;
	s0 =	sand.u32 $0x1, s0  }
0x6: {  	s22 =	simm.s32 $0x3;
	s1 =	sshll.u32 s11, $0x7;
	s2 =	sshll.u32 s0, $0x6  }
0x7: {  	s23 =	simm.s32 $0xB00;
	s24 =	simm.s32 $0x4;
	s1 =	sor.u32 s2, s1  }
0x8: {  	s28 =	simm.s32 $0x8;
	p1 =	seq.s32 s0, $0x1;
	p0 =	seq.s32 s1, $0x0  }
0x9: {  	s29 =	simm.s32 $0x5;
	s30 =	simm.s32 $0x6;
	p0 =	por !p0, !p1  }
0xa: {  	s31 =	simm.s32 $0x0;
	s2 =	simm.s32 $0x1;
	p0 =	por !p0, !p0  }
0xb: {  	[smem:$0x7FF] =	sst s3;
	s0 =	ssub.s32 $0x2, s0;
	s2 =	simm.s32 @!p0 $0x0  }
0xc: {  	s5 =	sadd.s32 $0x9400, s8;
	s10 =	sshrl.u32 s0, $0x1;
	s2 =	ssub.s32 s11, s2  }
0xd: {  	_ =	strace $0x8000004A;
	s0 =	ssub.s32 s0, s10;
	s4 =	sshrl.u32 s2, $0x3  }
0xe: {  	s10 =	simm.s32 $0xFFFFFFFF;
	s25 =	sshll.u32 s2, $0x7;
	s6 =	smul.u32 $0x3000, s4  }
0xf: {  	v0 =	vlaneseq.u32;
	s26 =	sshll.u32 s1, $0x6;
	s0 =	smax.u32 s0, $0x1;
	s7 =	sand.u32 $0x380, s25  }
0x10: {  	v1 =	vmul.u32 $0x80, v0;
	[dreg:$0x4] =	wrdreg s0;
	s10 =	simm.s32 @!p0 $0x0;
	s7 =	sor.u32 s7, s6  }
0x11: {  	v3 =	vor.u32 $0x40, v0;
	s11 =	sshll.u32 s11, $0x9;
	s10 =	sshll.u32 s10, $0x9;
	s7 =	sshrl.u32 s7, $0x3  }
0x12: {  	v4 =	vor.u32 $0x1, v1;
	v5 =	vor.u32 $0x2, v1;
	v6 =	vor.u32 $0x800, v1;
	s2 =	sshll.u32 s2, $0x9;
	s12 =	sadd.s32 s10, s11;
	s9 =	sadd.s32 s7, s8  }
0x13: {  	v7 =	vor.u32 $0x801, v1;
	v8 =	vor.u32 $0x802, v1;
	v9 =	vor.u32 $0x1000, v1;
	s4 =	sadd.s32 $0x96A000, s8;
	s25 =	simm.s32 $0x2B00;
	s9 =	sadd.s32 $0x8800, s9  }
0x14: {  	v10 =	vor.u32 $0x1001, v1;
	v11 =	vor.u32 $0x1002, v1;
	v12 =	vor.u32 $0x1800, v1;
	s6 =	simm.s32 $0x1;
	[dreg:$0x2] =	wrdreg s9;
	s9 =	sadd.s32 s4, s26  }
0x15: {  	v13 =	vor.u32 $0x1801, v1;
	v14 =	vor.u32 $0x1802, v1;
	v2 =	vmov s2;
	s7 =	sadd.s32 $0x29400, s8;
	s8 =	sadd.s32 $0x229400, s8;
	[dreg:$0x3] =	wrdreg s9  }
.LBB2_1:
0x16: {  	s0 =	rddreg [dreg:$0x2];
	s15 =	simm.s32 $0x9  }
0x17: {  	[tilespmem:s14], [sflag:$0x9] =	stream.strided.gather [hbm4b:s0+s13], $0x600, s14, s13, $0x38;
	[tilespmem:$0x8B00] =	vst v63  }
0x18: {  	_ =	swait.ge [sflag:s15], $0x600  }
0x19: {  	[sflag:s15] =	ssyncset.done $0x0  }
0x1a: {  	s0 =	simm.s32 $0x0;
	s26 =	rddreg [dreg:$0x3];
	[sflag:s15] =	ssyncadd.s32 $0xFFFFFA00  }
0x1b: {  	[tilespmem:s3], [sflag:$0x1] =	stream.strided.gather [hbm4b:s26+s13], $0x200, s14, s13, $0x38;
	[tilespmem:$0x8B00] =	vst v63  }
.LBB2_2:
0x1c: {  	s9 =	sshllo.u32 s0, $0x1  }
0x1d: {  	s2 =	sor.u32 s1, s9;
	s9 =	sshll.u32 s9, $0x4  }
0x1e: {  	_ =	swait.ge [sflag:s6], $0x200;
	s10 =	sshll.u32 s2, $0x6;
	s9 =	sand.u32 $0x70, s9  }
0x1f: {  	[sflag:s6] =	ssyncset.done $0x0;
	s10 =	sand.u32 $0x1FE00, s10;
	s9 =	sadd.s32 s4, s9  }
0x20: {  	[sflag:s6] =	ssyncadd.s32 $0xFFFFFE00;
	s9 =	sadd.s32 s10, s9  }
0x21: {  	[tilespmem:s16], [sflag:$0x2] =	stream.strided.gather [hbm4b:s9+s13], $0x200, s14, s13, $0x38;
	[tilespmem:$0x8B00] =	vst v63  }
0x22: {  	[tilespmem:$0xA00] =	vst v2  }
0x23: {  	[tilespmem:$0xA10] =	vst v2  }
0x24: {  	[tilespmem:$0xA20] =	vst v2  }
0x25: {  	[tilespmem:$0xA30] =	vst v2  }
0x26: {  	s11 =	simm.s32 $0x20;
	s10 =	sshll.u32 s0, $0x1;
	s9 =	simm.s32 $0x0;
	[tilespmem:$0xA40] =	vst v2  }
.LBB2_3:
0x27: {  	v15 =	vld [tilespmem:s11+$0xFFFFFFE0];
	_ =	sdelay $0x4  }
0x28: {  	vm0 =	vgt.s32 v15, $0x0;
	v15 =	vadd.s32 $0xFFFFFFFF, v15  }
0x29: {  	v15 =	vsel vm0, v15, v3;
	_ =	sdelay $0x2  }
0x2a: {  	s15 =	sadd.s32 s9, s12  }
0x2b: {  	v16 =	vor.u32 s15, v0  }
0x2c: {  	[tilespmem:v15+s17+$0x0] =	vst.idx.msk $0xffff, v16  }
0x2d: {  	v15 =	vld [tilespmem:s11+$0xFFFFFFF0];
	_ =	sdelay $0x4  }
0x2e: {  	vm13 =	vgt.s32 v15, $0x0;
	v15 =	vadd.s32 $0xFFFFFFFF, v15  }
0x2f: {  	v15 =	vsel vm13, v15, v3;
	_ =	sdelay $0x2  }
0x30: {  	s26 =	sadd.s32 $0x10, s15  }
0x31: {  	v61 =	vor.u32 s26, v0  }
0x32: {  	[tilespmem:v15+s17+$0x0] =	vst.idx.msk $0xffff, v61  }
0x33: {  	v15 =	vld [tilespmem:s11+$0x0];
	_ =	sdelay $0x4  }
0x34: {  	vm14 =	vgt.s32 v15, $0x0;
	v15 =	vadd.s32 $0xFFFFFFFF, v15  }
0x35: {  	v15 =	vsel vm14, v15, v3;
	_ =	sdelay $0x2  }
0x36: {  	s26 =	sadd.s32 $0x20, s15  }
0x37: {  	v62 =	vor.u32 s26, v0  }
0x38: {  	[tilespmem:v15+s17+$0x0] =	vst.idx.msk $0xffff, v62  }
0x39: {  	v15 =	vld [tilespmem:s11+$0x10];
	_ =	sdelay $0x4  }
0x3a: {  	vm15 =	vgt.s32 v15, $0x0;
	v15 =	vadd.s32 $0xFFFFFFFF, v15  }
0x3b: {  	p0 =	sne.s32 s9, $0x1C0;
	v15 =	vsel vm15, v15, v3  }
.Ltmp0:
0x3c: {  	_ = 	snop;
	(pc) =	sbr.rel @p0 .LBB2_3-.Ltmp0, $4  }
0x3d: {  	_ = 	snop  }
0x3e: {  	s15 =	sadd.s32 $0x30, s15  }
0x3f: {  	v63 =	vor.u32 s15, v0  }
0x40: {  	s9 =	sadd.s32 $0x40, s9;
	s11 =	sadd.s32 $0x40, s11;
	[tilespmem:v15+s17+$0x0] =	vst.idx.msk $0xffff, v63  }
0x41: {  	p0 =	seq.s32 s0, $0x0  }
0x42: {  	s9 =	simm.s32 @p0 $0x40;
	s11 =	simm.s32 @p0 $0xA00;
	s15 =	simm.s32 @p0 $0xB00  }
0x43: {  	[tilespmem:s15], [sflag:$0x3] =	stream.indirect.gather @p0 [hbm4b:s5+s9], $0x80, s11, s9, $0xb8;
	[tilespmem:$0x8B00] =	vst v63  }
0x44: {  	s9 =	simm.s32 @!p0 $0x5  }
0x45: {  	_ =	swait.ge @!p0 [sflag:s9], $0x2000  }
0x46: {  	s11 =	simm.s32 @!p0 $0xA00;
	[sflag:s9] =	ssyncset.done @!p0 $0x0  }
0x47: {  	s15 =	simm.s32 @!p0 $0xB00;
	[sflag:s9] =	ssyncadd.s32 @!p0 $0xFFFFE000;
	s9 =	simm.s32 @!p0 $0x40  }
0x48: {  	[tilespmem:s15], [sflag:$0x3] =	stream.indirect.gather @!p0 [hbm4b:s5+s9], $0x80, s11, s9, $0xb8;
	[tilespmem:$0x8B00] =	vst v63  }
0x49: {  	s9 =	simm.s32 @!p0 $0x7  }
0x4a: {  	_ =	swait.ge @!p0 [sflag:s9], $0x2000  }
0x4b: {  	[sflag:s9] =	ssyncset.done @!p0 $0x0  }
0x4c: {  	[sflag:s9] =	ssyncadd.s32 @!p0 $0xFFFFE000  }
0x4d: {  	v15 =	vld [tilespmem:$0xA00];
	_ =	sdelay $0x4  }
0x4e: {  	v15 =	vsub.s32 v15, v2  }
0x4f: {  	v15 =	vmul.u32 $0x3, v15;
	_ =	sdelay $0x5  }
0x50: {  	v16 =	vld.idx.msk [tilespmem:v15+s14+$0x0], $0xffff  }
0x51: {  	v17 =	vadd.s32 $0x1, v15;
	_ =	sdelay $0x3  }
0x52: {  	[tilespmem:v1+s18+$0x0] =	vst.idx.msk $0xffff, v16  }
0x53: {  	v16 =	vld.idx.msk [tilespmem:v17+s14+$0x0], $0xffff  }
0x54: {  	v15 =	vadd.s32 $0x2, v15;
	_ =	sdelay $0x3  }
0x55: {  	[tilespmem:v4+s18+$0x0] =	vst.idx.msk $0xffff, v16  }
0x56: {  	v15 =	vld.idx.msk [tilespmem:v15+s14+$0x0], $0xffff;
	_ =	sdelay $0x4  }
0x57: {  	[tilespmem:v5+s18+$0x0] =	vst.idx.msk $0xffff, v15  }
0x58: {  	v15 =	vld [tilespmem:$0xA10];
	_ =	sdelay $0x4  }
0x59: {  	v15 =	vsub.s32 v15, v2  }
0x5a: {  	v15 =	vmul.u32 $0x3, v15;
	_ =	sdelay $0x5  }
0x5b: {  	v16 =	vld.idx.msk [tilespmem:v15+s14+$0x0], $0xffff  }
0x5c: {  	v61 =	vadd.s32 $0x1, v15;
	_ =	sdelay $0x3  }
0x5d: {  	[tilespmem:v6+s18+$0x0] =	vst.idx.msk $0xffff, v16  }
0x5e: {  	v16 =	vld.idx.msk [tilespmem:v61+s14+$0x0], $0xffff  }
0x5f: {  	v15 =	vadd.s32 $0x2, v15;
	_ =	sdelay $0x3  }
0x60: {  	[tilespmem:v7+s18+$0x0] =	vst.idx.msk $0xffff, v16  }
0x61: {  	v15 =	vld.idx.msk [tilespmem:v15+s14+$0x0], $0xffff;
	_ =	sdelay $0x4  }
0x62: {  	[tilespmem:v8+s18+$0x0] =	vst.idx.msk $0xffff, v15  }
0x63: {  	v15 =	vld [tilespmem:$0xA20];
	_ =	sdelay $0x4  }
0x64: {  	v15 =	vsub.s32 v15, v2  }
0x65: {  	v15 =	vmul.u32 $0x3, v15;
	_ =	sdelay $0x5  }
0x66: {  	v16 =	vld.idx.msk [tilespmem:v15+s14+$0x0], $0xffff  }
0x67: {  	v62 =	vadd.s32 $0x1, v15;
	_ =	sdelay $0x3  }
0x68: {  	[tilespmem:v9+s18+$0x0] =	vst.idx.msk $0xffff, v16  }
0x69: {  	v16 =	vld.idx.msk [tilespmem:v62+s14+$0x0], $0xffff  }
0x6a: {  	v15 =	vadd.s32 $0x2, v15;
	_ =	sdelay $0x3  }
0x6b: {  	[tilespmem:v10+s18+$0x0] =	vst.idx.msk $0xffff, v16  }
0x6c: {  	v15 =	vld.idx.msk [tilespmem:v15+s14+$0x0], $0xffff;
	_ =	sdelay $0x4  }
0x6d: {  	[tilespmem:v11+s18+$0x0] =	vst.idx.msk $0xffff, v15  }
0x6e: {  	v15 =	vld [tilespmem:$0xA30];
	_ =	sdelay $0x4  }
0x6f: {  	v15 =	vsub.s32 v15, v2  }
0x70: {  	v15 =	vmul.u32 $0x3, v15;
	_ =	sdelay $0x5  }
0x71: {  	v16 =	vld.idx.msk [tilespmem:v15+s14+$0x0], $0xffff  }
0x72: {  	v63 =	vadd.s32 $0x1, v15;
	_ =	sdelay $0x3  }
0x73: {  	[tilespmem:v12+s18+$0x0] =	vst.idx.msk $0xffff, v16  }
0x74: {  	v16 =	vld.idx.msk [tilespmem:v63+s14+$0x0], $0xffff  }
0x75: {  	v15 =	vadd.s32 $0x2, v15;
	_ =	sdelay $0x3  }
0x76: {  	[tilespmem:v13+s18+$0x0] =	vst.idx.msk $0xffff, v16  }
0x77: {  	v15 =	vld.idx.msk [tilespmem:v15+s14+$0x0], $0xffff;
	_ =	sdelay $0x1  }
0x78: {  	p1 =	seq.s32 s0, $0x1F  }
0x79: {  	s15 =	sor.u32 s1, s10;
	s10 =	sadd.s32 @!p1 $0x2, s10  }
0x7a: {  	s11 =	sadd.s32 @!p1 s1, s10;
	s10 =	sshll.u32 @!p1 s10, $0x4;
	s9 =	sshll.u32 s15, $0xA  }
0x7b: {  	s11 =	sshll.u32 @!p1 s11, $0x6;
	s10 =	sand.u32 @!p1 $0x60, s10;
	s26 =	sadd.s32 s8, s9;
	[tilespmem:v14+s18+$0x0] =	vst.idx.msk $0xffff, v15  }
0x7c: {  	[hbm4b:s26+s3] =	stream.linear.scatter [tilespmem:s18], [sflag:$0x7], $0x2000, $0x38;
	[tilespmem:$0x8B00] =	vst v63  }
0x7d: {  	s11 =	sand.u32 @!p1 $0x3FE00, s11;
	s10 =	sadd.s32 @!p1 s4, s10;
	_ =	swait.ge [sflag:s19], $0x200  }
0x7e: {  	s15 =	simm.s32 @!p1 $0x400;
	s10 =	sadd.s32 @!p1 s11, s10;
	[sflag:s19] =	ssyncset.done $0x0  }
0x7f: {  	s11 =	simm.s32 @!p1 $0x80;
	s26 =	simm.s32 @!p1 $0x0;
	[sflag:s19] =	ssyncadd.s32 $0xFFFFFE00  }
0x80: {  	[tilespmem:s26], [sflag:$0x1] =	stream.strided.gather @!p1 [hbm4b:s10+s11], $0x200, s15, s11, $0x38;
	[tilespmem:$0x8B00] =	vst v63  }
0x81: {  	[tilespmem:$0xA80] =	vst v2  }
0x82: {  	[tilespmem:$0xA90] =	vst v2  }
0x83: {  	[tilespmem:$0xAA0] =	vst v2  }
0x84: {  	[tilespmem:$0xAB0] =	vst v2  }
0x85: {  	s0 =	sadd.s32 $0x1, s0;
	s10 =	simm.s32 $0x0;
	s11 =	simm.s32 $0x220;
	[tilespmem:$0xAC0] =	vst v2  }
.LBB2_5:
0x86: {  	v15 =	vld [tilespmem:s11+$0xFFFFFFE0];
	_ =	sdelay $0x4  }
0x87: {  	vm0 =	vgt.s32 v15, $0x0;
	v15 =	vadd.s32 $0xFFFFFFFF, v15  }
0x88: {  	v15 =	vsel vm0, v15, v3;
	_ =	sdelay $0x2  }
0x89: {  	s15 =	sadd.s32 s10, s12  }
0x8a: {  	v16 =	vor.u32 s15, v0  }
0x8b: {  	[tilespmem:v15+s20+$0x0] =	vst.idx.msk $0xffff, v16  }
0x8c: {  	v15 =	vld [tilespmem:s11+$0xFFFFFFF0];
	_ =	sdelay $0x4  }
0x8d: {  	vm13 =	vgt.s32 v15, $0x0;
	v15 =	vadd.s32 $0xFFFFFFFF, v15  }
0x8e: {  	v15 =	vsel vm13, v15, v3;
	_ =	sdelay $0x2  }
0x8f: {  	s26 =	sadd.s32 $0x10, s15  }
0x90: {  	v61 =	vor.u32 s26, v0  }
0x91: {  	[tilespmem:v15+s20+$0x0] =	vst.idx.msk $0xffff, v61  }
0x92: {  	v15 =	vld [tilespmem:s11+$0x0];
	_ =	sdelay $0x4  }
0x93: {  	vm14 =	vgt.s32 v15, $0x0;
	v15 =	vadd.s32 $0xFFFFFFFF, v15  }
0x94: {  	v15 =	vsel vm14, v15, v3;
	_ =	sdelay $0x2  }
0x95: {  	s26 =	sadd.s32 $0x20, s15  }
0x96: {  	v62 =	vor.u32 s26, v0  }
0x97: {  	[tilespmem:v15+s20+$0x0] =	vst.idx.msk $0xffff, v62  }
0x98: {  	v15 =	vld [tilespmem:s11+$0x10];
	_ =	sdelay $0x4  }
0x99: {  	vm15 =	vgt.s32 v15, $0x0;
	v15 =	vadd.s32 $0xFFFFFFFF, v15  }
0x9a: {  	p1 =	sne.s32 s10, $0x1C0;
	v15 =	vsel vm15, v15, v3  }
.Ltmp1:
0x9b: {  	_ = 	snop;
	(pc) =	sbr.rel @p1 .LBB2_5-.Ltmp1, $4  }
0x9c: {  	_ = 	snop  }
0x9d: {  	s15 =	sadd.s32 $0x30, s15  }
0x9e: {  	v63 =	vor.u32 s15, v0  }
0x9f: {  	s10 =	sadd.s32 $0x40, s10;
	s11 =	sadd.s32 $0x40, s11;
	[tilespmem:v15+s20+$0x0] =	vst.idx.msk $0xffff, v63  }
0xa0: {  	s10 =	simm.s32 @p0 $0x40;
	s11 =	simm.s32 @p0 $0xA80;
	s15 =	simm.s32 @p0 $0x2B00  }
0xa1: {  	[tilespmem:s15], [sflag:$0x4] =	stream.indirect.gather @p0 [hbm4b:s5+s10], $0x80, s11, s10, $0xb8;
	[tilespmem:$0x8B00] =	vst v63  }
0xa2: {  	s10 =	simm.s32 @!p0 $0x6  }
0xa3: {  	_ =	swait.ge @!p0 [sflag:s10], $0x2000  }
0xa4: {  	s11 =	simm.s32 @!p0 $0xA80;
	[sflag:s10] =	ssyncset.done @!p0 $0x0  }
0xa5: {  	s15 =	simm.s32 @!p0 $0x2B00;
	[sflag:s10] =	ssyncadd.s32 @!p0 $0xFFFFE000;
	s10 =	simm.s32 @!p0 $0x40  }
0xa6: {  	[tilespmem:s15], [sflag:$0x4] =	stream.indirect.gather @!p0 [hbm4b:s5+s10], $0x80, s11, s10, $0xb8;
	[tilespmem:$0x8B00] =	vst v63  }
0xa7: {  	s10 =	simm.s32 @!p0 $0x8  }
0xa8: {  	_ =	swait.ge @!p0 [sflag:s10], $0x2000  }
0xa9: {  	[sflag:s10] =	ssyncset.done @!p0 $0x0  }
0xaa: {  	[sflag:s10] =	ssyncadd.s32 @!p0 $0xFFFFE000  }
0xab: {  	v15 =	vld [tilespmem:$0xA80];
	_ =	sdelay $0x4  }
0xac: {  	v15 =	vsub.s32 v15, v2  }
0xad: {  	v15 =	vmul.u32 $0x3, v15;
	_ =	sdelay $0x5  }
0xae: {  	v16 =	vld.idx.msk [tilespmem:v15+s14+$0x0], $0xffff  }
0xaf: {  	v17 =	vadd.s32 $0x1, v15;
	_ =	sdelay $0x3  }
0xb0: {  	[tilespmem:v1+s21+$0x0] =	vst.idx.msk $0xffff, v16  }
0xb1: {  	v16 =	vld.idx.msk [tilespmem:v17+s14+$0x0], $0xffff  }
0xb2: {  	v15 =	vadd.s32 $0x2, v15;
	_ =	sdelay $0x3  }
0xb3: {  	[tilespmem:v4+s21+$0x0] =	vst.idx.msk $0xffff, v16  }
0xb4: {  	v15 =	vld.idx.msk [tilespmem:v15+s14+$0x0], $0xffff;
	_ =	sdelay $0x4  }
0xb5: {  	[tilespmem:v5+s21+$0x0] =	vst.idx.msk $0xffff, v15  }
0xb6: {  	v15 =	vld [tilespmem:$0xA90];
	_ =	sdelay $0x4  }
0xb7: {  	v15 =	vsub.s32 v15, v2  }
0xb8: {  	v15 =	vmul.u32 $0x3, v15;
	_ =	sdelay $0x5  }
0xb9: {  	v16 =	vld.idx.msk [tilespmem:v15+s14+$0x0], $0xffff  }
0xba: {  	v61 =	vadd.s32 $0x1, v15;
	_ =	sdelay $0x3  }
0xbb: {  	[tilespmem:v6+s21+$0x0] =	vst.idx.msk $0xffff, v16  }
0xbc: {  	v16 =	vld.idx.msk [tilespmem:v61+s14+$0x0], $0xffff  }
0xbd: {  	v15 =	vadd.s32 $0x2, v15;
	_ =	sdelay $0x3  }
0xbe: {  	[tilespmem:v7+s21+$0x0] =	vst.idx.msk $0xffff, v16  }
0xbf: {  	v15 =	vld.idx.msk [tilespmem:v15+s14+$0x0], $0xffff;
	_ =	sdelay $0x4  }
0xc0: {  	[tilespmem:v8+s21+$0x0] =	vst.idx.msk $0xffff, v15  }
0xc1: {  	v15 =	vld [tilespmem:$0xAA0];
	_ =	sdelay $0x4  }
0xc2: {  	v15 =	vsub.s32 v15, v2  }
0xc3: {  	v15 =	vmul.u32 $0x3, v15;
	_ =	sdelay $0x5  }
0xc4: {  	v16 =	vld.idx.msk [tilespmem:v15+s14+$0x0], $0xffff  }
0xc5: {  	v62 =	vadd.s32 $0x1, v15;
	_ =	sdelay $0x3  }
0xc6: {  	[tilespmem:v9+s21+$0x0] =	vst.idx.msk $0xffff, v16  }
0xc7: {  	v16 =	vld.idx.msk [tilespmem:v62+s14+$0x0], $0xffff  }
0xc8: {  	v15 =	vadd.s32 $0x2, v15;
	_ =	sdelay $0x3  }
0xc9: {  	[tilespmem:v10+s21+$0x0] =	vst.idx.msk $0xffff, v16  }
0xca: {  	v15 =	vld.idx.msk [tilespmem:v15+s14+$0x0], $0xffff;
	_ =	sdelay $0x4  }
0xcb: {  	[tilespmem:v11+s21+$0x0] =	vst.idx.msk $0xffff, v15  }
0xcc: {  	v15 =	vld [tilespmem:$0xAB0];
	_ =	sdelay $0x4  }
0xcd: {  	v15 =	vsub.s32 v15, v2  }
0xce: {  	v15 =	vmul.u32 $0x3, v15;
	_ =	sdelay $0x5  }
0xcf: {  	v16 =	vld.idx.msk [tilespmem:v15+s14+$0x0], $0xffff  }
0xd0: {  	v63 =	vadd.s32 $0x1, v15;
	_ =	sdelay $0x3  }
0xd1: {  	[tilespmem:v12+s21+$0x0] =	vst.idx.msk $0xffff, v16  }
0xd2: {  	v16 =	vld.idx.msk [tilespmem:v63+s14+$0x0], $0xffff  }
0xd3: {  	v15 =	vadd.s32 $0x2, v15;
	_ =	sdelay $0x3  }
0xd4: {  	[tilespmem:v13+s21+$0x0] =	vst.idx.msk $0xffff, v16  }
0xd5: {  	v15 =	vld.idx.msk [tilespmem:v15+s14+$0x0], $0xffff;
	_ =	sdelay $0x3  }
0xd6: {  	s2 =	sshll.u32 s2, $0xA  }
0xd7: {  	s26 =	sadd.s32 s8, s2;
	[tilespmem:v14+s21+$0x0] =	vst.idx.msk $0xffff, v15  }
0xd8: {  	[hbm4b:s26+s3] =	stream.linear.scatter [tilespmem:s21], [sflag:$0x8], $0x2000, $0x38;
	[tilespmem:$0x8B00] =	vst v63  }
0xd9: {  	_ =	swait.ge [sflag:s22], $0x2000  }
0xda: {  	[sflag:s22] =	ssyncset.done $0x0  }
0xdb: {  	s9 =	sadd.s32 s7, s9;
	p0 =	sne.s32 s0, $0x20;
	[sflag:s22] =	ssyncadd.s32 $0xFFFFE000  }
0xdc: {  	[hbm4b:s9+s3] =	stream.linear.scatter [tilespmem:s23], [sflag:$0x5], $0x2000, $0x38;
	[tilespmem:$0x8B00] =	vst v63  }
.Ltmp2:
0xdd: {  	_ = 	snop;
	(pc) =	sbr.rel @p0 .LBB2_2-.Ltmp2, $4  }
0xde: {  	_ =	swait.ge [sflag:s24], $0x2000  }
0xdf: {  	[sflag:s24] =	ssyncset.done $0x0  }
0xe0: {  	s2 =	sadd.s32 s7, s2;
	[sflag:s24] =	ssyncadd.s32 $0xFFFFE000  }
0xe1: {  	[hbm4b:s2+s3] =	stream.linear.scatter [tilespmem:s25], [sflag:$0x6], $0x2000, $0x38;
	[tilespmem:$0x8B00] =	vst v63  }
0xe2: {  	s0 =	simm.s32 $0x7  }
0xe3: {  	_ =	swait.ge [sflag:s0], $0x2000  }
0xe4: {  	[sflag:s0] =	ssyncset.done $0x0  }
0xe5: {  	[sflag:s0] =	ssyncadd.s32 $0xFFFFE000  }
0xe6: {  	_ =	swait.ge [sflag:s28], $0x2000  }
0xe7: {  	[sflag:s28] =	ssyncset.done $0x0  }
0xe8: {  	[sflag:s28] =	ssyncadd.s32 $0xFFFFE000  }
0xe9: {  	_ =	swait.ge [sflag:s29], $0x2000  }
0xea: {  	[sflag:s29] =	ssyncset.done $0x0  }
0xeb: {  	[sflag:s29] =	ssyncadd.s32 $0xFFFFE000  }
0xec: {  	_ =	swait.ge [sflag:s30], $0x2000  }
0xed: {  	s31 =	sadd.s32 $0x1, s31;
	s26 =	rddreg [dreg:$0x4]  }
0xee: {  	p0 =	sne.s32 s31, s26  }
.Ltmp3:
0xef: {  	_ = 	snop;
	(pc) =	sbr.rel @p0 .LBB2_1-.Ltmp3, $3  }
0xf0: {  	_ =	sdelay $0x1  }
0xf1: {  	[sflag:s30] =	ssyncset.done $0x0  }
0xf2: {  	[sflag:s30] =	ssyncadd.s32 $0xFFFFE000  }
0xf3: {  	_ =	sfence.sel $0x180000  }
0xf4: {  	[bflag:$0x0] =	sbarrier.arrive $0xFFFF  }
0xf5: {  	_ =	strace $0x9000004A  }
0xf6: {  	s0 =	stileid.u32;
	[bflag:$0x2] =	sbarrier.arrive $0xFFFF  }
0xf7: {  	p0 =	sne.s32 s0, $0x0;
	s0 =	rddreg [dreg:$0x1]  }
0xf8: {  	s0 =	sadd.s32 @!p0 $0x100000, s0  }
0xf9: {  	[sflag:s0] =	ssyncadd.tile.s32 @!p0 $0x1;
	_ =	shalt  }
.Lfunc_end2:
_tile_overlayer_lowered:
.L_overlay_start_2:
0xfa: {  	(tag) =	ssettag $0x2  }
0xfb: {  	s0 =	rddreg [dreg:$0x0];
	s2 =	stileid.u32  }
0xfc: {  	s1 =	rddreg [dreg:$0x1];
	p0 =	sne.s32 s2, $0x0  }
0xfd: {  	s3 =	rddreg [dreg:$0x2];
	[bflag:$0x3] =	sbarrier.arrive $0xFFFF;
	s2 =	simm.s32 @!p0 $0x1C09  }
0xfe: {  	[timem:s3], [sflag:s2] =	dma.local @!p0 [hbm:s0], s1  }
0xff: {  	s0 =	simm.s32 @!p0 $0x9  }
0x100: {  	_ =	swait.ge @!p0 [sflag:s0], s1  }
0x101: {  	s1 =	ssub.s32 @!p0 $0x0, s1;
	[sflag:s0] =	ssyncset.done @!p0 $0x0  }
0x102: {  	[sflag:s0] =	ssyncadd.s32 @!p0 s1  }
0x103: {  	[bflag:$0x3] =	sbarrier.arrive $0xFFFF  }
0x104: {  	_ =	shalt  }

</sc_bundles>
